<compile_context>
chip_gen: v7x
topology: tpu7x:2x2x1
jax: 0.10.2.dev20260603
libtpu: 0.0.44.dev20260713+nightly
codegen_flags: <defaults>
</compile_context>

<pallas_src>
import functools

import jax
import jax.numpy as jnp
from jax import lax
from jax.experimental import pallas as pl
from jax.experimental.pallas import tpu as pltpu
from jax.experimental.pallas import tpu_sc as plsc

N_NODES = 10000
EMBED = 128
HID = 64
N_EDGES = 320000
N_PAIRS = 16384

NC, NS = 2, 16
NW = NC * NS
EPW = N_EDGES // NW
CH = 125
NCH = EPW // CH
NPAD = 10240
RPT = NPAD // NS
PPW = N_PAIRS // NW
NB = 4
NBLK = 2
BLK = NPAD // NBLK


def _mesh():
    return plsc.VectorSubcoreMesh(core_axis_name="c", subcore_axis_name="s",
                                  num_cores=NC, num_subcores=NS)


_SC_PARAMS = pltpu.CompilerParams(use_tc_tiling_on_sc=False,
                                  needs_layout_passes=False)


@functools.cache
def _deg_kernel():
    @functools.partial(
        pl.kernel,
        out_type=jax.ShapeDtypeStruct((NC * NPAD, 16), jnp.float32),
        mesh=_mesh(),
        compiler_params=_SC_PARAMS,
        scratch_types=[
            pltpu.VMEM((NCH, CH), jnp.int32),
            pltpu.VMEM((CH, 16), jnp.float32),
            pltpu.VMEM((RPT, 16), jnp.float32),
            pltpu.VMEM_SHARED((NPAD, 16), jnp.float32),
        ],
    )
    def deg_kernel(e3_hbm, ones_hbm, zeros_hbm, out_hbm, dst_v, ones_v, zb_v,
                   bins_sh):
        c = lax.axis_index("c")
        s = lax.axis_index("s")
        wid = c * NS + s
        pltpu.sync_copy(e3_hbm.at[1, pl.ds(wid * NCH, NCH)], dst_v)
        pltpu.sync_copy(ones_hbm, ones_v)
        pltpu.sync_copy(zeros_hbm, zb_v)
        pltpu.sync_copy(zb_v, bins_sh.at[pl.ds(s * RPT, RPT)])
        plsc.subcore_barrier()


        def body(j, carry):
            pltpu.sync_copy(ones_v, bins_sh.at[dst_v.at[j]], add=True)
            return carry

        lax.fori_loop(0, NCH, body, 0)
        plsc.subcore_barrier()
        pltpu.sync_copy(bins_sh.at[pl.ds(s * RPT, RPT)], zb_v)
        pltpu.sync_copy(zb_v, out_hbm.at[pl.ds(c * NPAD + s * RPT, RPT)])

    return deg_kernel


@functools.cache
def _scatter_kernel():
    @functools.partial(
        pl.kernel,
        out_type=jax.ShapeDtypeStruct((NC * NPAD, HID), jnp.float32),
        mesh=_mesh(),
        compiler_params=_SC_PARAMS,
        scratch_types=[
            pltpu.VMEM((NCH, CH), jnp.int32),
            pltpu.VMEM((NCH, CH), jnp.int32),
            pltpu.VMEM((NB, CH, HID), jnp.float32),
            pltpu.VMEM((2, 128, HID), jnp.float32),
            pltpu.VMEM_SHARED((NPAD, HID), jnp.float32),
            pltpu.SemaphoreType.DMA,
        ],
    )
    def scatter_kernel(y_hbm, e3_hbm, zeros_hbm, out_hbm, src_v,
                       dst_v, rows_v, zb_v, acc_sh, gsem):
        c = lax.axis_index("c")
        s = lax.axis_index("s")
        wid = c * NS + s
        pltpu.sync_copy(e3_hbm.at[0, pl.ds(wid * NCH, NCH)], src_v)
        pltpu.sync_copy(e3_hbm.at[1, pl.ds(wid * NCH, NCH)], dst_v)
        pltpu.sync_copy(zeros_hbm, zb_v.at[0])
        for k in range(RPT // 128):
            pltpu.async_copy(
                zb_v.at[0], acc_sh.at[pl.ds(s * RPT + k * 128, 128)], gsem)
        for k in range(RPT // 128):
            pltpu.make_async_copy(
                zb_v.at[0], acc_sh.at[pl.ds(s * RPT, 128)], gsem).wait()
        plsc.subcore_barrier()

        for b in range(NB):
            pltpu.async_copy(y_hbm.at[src_v.at[b]], rows_v.at[b], gsem)

        def body(jo, carry):
            for b in range(NB):
                j = jo * NB + b
                pltpu.make_async_copy(
                    y_hbm.at[src_v.at[0]], rows_v.at[b], gsem).wait()
                pltpu.sync_copy(rows_v.at[b], acc_sh.at[dst_v.at[j]],
                                add=True)

                @pl.when(jo < NCH // NB - 1)
                def _():
                    pltpu.async_copy(y_hbm.at[src_v.at[j + NB]], rows_v.at[b],
                                     gsem)
            return carry

        lax.fori_loop(0, NCH // NB, body, 0)
        plsc.subcore_barrier()
        for k in range(RPT // 128):
            b = k % 2
            pltpu.sync_copy(acc_sh.at[pl.ds(s * RPT + k * 128, 128)],
                            zb_v.at[b])
            pltpu.async_copy(
                zb_v.at[b],
                out_hbm.at[pl.ds(c * NPAD + s * RPT + k * 128, 128)], gsem)
            if k >= 1:
                pltpu.make_async_copy(
                    zb_v.at[b],
                    out_hbm.at[pl.ds(c * NPAD, 128)], gsem).wait()
        pltpu.make_async_copy(
            zb_v.at[0], out_hbm.at[pl.ds(c * NPAD, 128)], gsem).wait()

    return scatter_kernel


@functools.cache
def _pairs_kernel():
    @functools.partial(
        pl.kernel,
        out_type=jax.ShapeDtypeStruct((N_PAIRS, 2), jnp.float32),
        mesh=_mesh(),
        compiler_params=_SC_PARAMS,
        scratch_types=[
            pltpu.VMEM((NPAD, 4), jnp.float32),
            pltpu.VMEM((PPW,), jnp.int32),
            pltpu.VMEM((PPW,), jnp.int32),
            pltpu.VMEM((PPW, 2), jnp.float32),
        ],
    )
    def pairs_kernel(tab_hbm, n1_hbm, n2_hbm, out_hbm, tab_v, n1_v, n2_v, o_v):
        c = lax.axis_index("c")
        s = lax.axis_index("s")
        wid = c * NS + s
        pltpu.sync_copy(tab_hbm, tab_v)
        pltpu.sync_copy(n1_hbm.at[pl.ds(wid * PPW, PPW)], n1_v)
        pltpu.sync_copy(n2_hbm.at[pl.ds(wid * PPW, PPW)], n2_v)
        lanes = lax.iota(jnp.int32, 16)
        c0 = jnp.zeros((16,), jnp.int32)
        for i in range(PPW // 16):
            i1 = n1_v[pl.ds(i * 16, 16)]
            i2 = n2_v[pl.ds(i * 16, 16)]
            a0 = plsc.load_gather(tab_v, [i1, c0])
            a1 = plsc.load_gather(tab_v, [i1, c0 + 1])
            b0 = plsc.load_gather(tab_v, [i2, c0 + 2])
            b1 = plsc.load_gather(tab_v, [i2, c0 + 3])
            rows = i * 16 + lanes
            plsc.store_scatter(o_v, [rows, c0], a0 + b0)
            plsc.store_scatter(o_v, [rows, c0 + 1], a1 + b1)
        pltpu.sync_copy(o_v, out_hbm.at[pl.ds(wid * PPW, PPW)])

    return pairs_kernel


def _tc_mm_body(x_ref, w_ref, xw_ref):
    xw_ref[...] = jnp.dot(x_ref[...], w_ref[...],
                          preferred_element_type=jnp.float32)


def _tc_scale_body(xw_ref, d0_ref, d1_ref, b_ref, y_ref, w0_ref):
    xw = xw_ref[...]
    deg = d0_ref[...][:, 0] + d1_ref[...][:, 0] + 1.0
    dis = lax.rsqrt(deg)[:, None]
    y_ref[...] = dis * xw
    w0_ref[...] = dis * dis * xw + b_ref[...][0:1, :]


def _tc_post_body(t0_ref, t1_ref, w0_ref, d0_ref, d1_ref, wl_ref, bl_ref,
                  tab_ref):
    deg = d0_ref[...][:, 0] + d1_ref[...][:, 0] + 1.0
    dis = lax.rsqrt(deg)[:, None]
    h = jnp.maximum(dis * (t0_ref[...] + t1_ref[...]) + w0_ref[...], 0.0)
    tab_ref[...] = (
        jnp.dot(h, wl_ref[...], preferred_element_type=jnp.float32)
        + bl_ref[...][0:1, :])


def _tc_mm(x, W_gcn):
    return pl.pallas_call(
        _tc_mm_body,
        grid=(NBLK,),
        in_specs=[
            pl.BlockSpec((BLK, EMBED), lambda i: (i, 0)),
            pl.BlockSpec((EMBED, HID), lambda i: (0, 0)),
        ],
        out_specs=pl.BlockSpec((BLK, HID), lambda i: (i, 0)),
        out_shape=jax.ShapeDtypeStruct((NPAD, HID), jnp.float32),
    )(x, W_gcn)


def _tc_scale(xw, deg_part, b_gcn):
    return pl.pallas_call(
        _tc_scale_body,
        grid=(NBLK,),
        in_specs=[
            pl.BlockSpec((BLK, HID), lambda i: (i, 0)),
            pl.BlockSpec((BLK, 16), lambda i: (i, 0)),
            pl.BlockSpec((BLK, 16), lambda i: (i + NBLK, 0)),
            pl.BlockSpec((8, HID), lambda i: (0, 0)),
        ],
        out_specs=[
            pl.BlockSpec((BLK, HID), lambda i: (i, 0)),
            pl.BlockSpec((BLK, HID), lambda i: (i, 0)),
        ],
        out_shape=[jax.ShapeDtypeStruct((NPAD, HID), jnp.float32)] * 2,
    )(xw, deg_part, deg_part,
      jnp.broadcast_to(b_gcn[None, :], (8, HID)))


def _tc_post(t_part, w0, deg_part, wl4, bl4):
    return pl.pallas_call(
        _tc_post_body,
        grid=(NBLK,),
        in_specs=[
            pl.BlockSpec((BLK, HID), lambda i: (i, 0)),
            pl.BlockSpec((BLK, HID), lambda i: (i + NBLK, 0)),
            pl.BlockSpec((BLK, HID), lambda i: (i, 0)),
            pl.BlockSpec((BLK, 16), lambda i: (i, 0)),
            pl.BlockSpec((BLK, 16), lambda i: (i + NBLK, 0)),
            pl.BlockSpec((HID, 4), lambda i: (0, 0)),
            pl.BlockSpec((8, 4), lambda i: (0, 0)),
        ],
        out_specs=pl.BlockSpec((BLK, 4), lambda i: (i, 0)),
        out_shape=jax.ShapeDtypeStruct((NPAD, 4), jnp.float32),
    )(t_part, t_part, w0, deg_part, deg_part, wl4, bl4)


def kernel(x, edge_index, node1, node2, W_gcn, b_gcn, W_lin, b_lin):
    x = jnp.pad(x, ((0, NPAD - N_NODES), (0, 0)))
    e3 = edge_index.reshape(2, NW * NCH, CH)
    ones16 = jnp.ones((CH, 16), jnp.float32)
    zeros16 = jnp.zeros((RPT, 16), jnp.float32)
    zeros64 = jnp.zeros((128, HID), jnp.float32)

    deg_part = _deg_kernel()(e3, ones16, zeros16)
    xw = _tc_mm(x, W_gcn)
    y, w0 = _tc_scale(xw, deg_part, b_gcn)
    t_part = _scatter_kernel()(y, e3, zeros64)

    wl4 = jnp.concatenate([W_lin[:HID], W_lin[HID:]], axis=1)
    bl4 = jnp.broadcast_to(
        jnp.concatenate([b_lin, jnp.zeros((2,), jnp.float32)])[None, :], (8, 4))
    tab = _tc_post(t_part, w0, deg_part, wl4, bl4)

    return _pairs_kernel()(tab, node1, node2)

# --- scband reference (transcript-rebuilt; emitter-appended) ---
"""Pipeline reference for scband-link-predictor-model-48387101557104 (READ-ONLY COPY).

The authoritative reference and input builder live on the scoring server;
editing this copy changes nothing except your own understanding.
"""

import jax, jax.numpy as jnp
import numpy as np

EMBED_DIM = 128
HIDDEN_DIM = 64
N_NODES = 10000
N_EDGES = 320000
N_PAIRS = 16384


def setup_inputs(seed: int = 0) -> dict:
    key = jax.random.key(seed)
    k_x, k_e, k_n1, k_n2, k_w1, k_b1, k_w2, k_b2 = jax.random.split(key, 8)
    x = jax.random.normal(k_x, (N_NODES, EMBED_DIM), dtype=jnp.float32)
    edge_index = jax.random.randint(k_e, (2, N_EDGES), 0, N_NODES, dtype=jnp.int64 if jax.config.jax_enable_x64 else jnp.int32).astype(jnp.int32)
    node1 = jax.random.randint(k_n1, (N_PAIRS,), 0, N_NODES).astype(jnp.int32)
    node2 = jax.random.randint(k_n2, (N_PAIRS,), 0, N_NODES).astype(jnp.int32)
    # GCNConv params (glorot-ish init)
    W_gcn = jax.random.normal(k_w1, (EMBED_DIM, HIDDEN_DIM), dtype=jnp.float32) * (1.0 / np.sqrt(EMBED_DIM))
    b_gcn = jnp.zeros((HIDDEN_DIM,), dtype=jnp.float32)
    # Linear(2*hidden, 2) params
    W_lin = jax.random.normal(k_w2, (2 * HIDDEN_DIM, 2), dtype=jnp.float32) * (1.0 / np.sqrt(2 * HIDDEN_DIM))
    b_lin = jax.random.normal(k_b2, (2,), dtype=jnp.float32) * 0.01
    return {"x": x, "edge_index": edge_index, "node1": node1, "node2": node2,
            "W_gcn": W_gcn, "b_gcn": b_gcn, "W_lin": W_lin, "b_lin": b_lin}


def _gcn_conv(x, edge_index, W, b):
    # PyG GCNConv: out = D^{-1/2} (A + I) D^{-1/2} (x W) + b
    N = x.shape[0]
    src = edge_index[0]
    dst = edge_index[1]
    loop = jnp.arange(N, dtype=src.dtype)
    src2 = jnp.concatenate([src, loop])
    dst2 = jnp.concatenate([dst, loop])
    xw = x @ W
    deg = jnp.zeros((N,), dtype=x.dtype).at[dst2].add(1.0)
    deg_inv_sqrt = jnp.where(deg > 0, jax.lax.rsqrt(jnp.maximum(deg, 1e-12)), 0.0)
    norm = deg_inv_sqrt[src2] * deg_inv_sqrt[dst2]
    msg = xw[src2] * norm[:, None]
    out = jax.ops.segment_sum(msg, dst2, num_segments=N)
    return out + b


def reference(x, edge_index, node1, node2, W_gcn, b_gcn, W_lin, b_lin):
    h = _gcn_conv(x, edge_index, W_gcn, b_gcn)
    h = jax.nn.relu(h)
    x1 = jnp.take(h, node1, axis=0)
    x2 = jnp.take(h, node2, axis=0)
    emb_concat = jnp.concatenate([x1, x2], axis=1)
    return emb_concat @ W_lin + b_lin

if __name__ == "__main__":
    import jax
    _d = setup_inputs()
    print(jax.jit(kernel)(*tuple(_d.values())))

</pallas_src>

<mosaic_0001>
#map = affine_map<(d0, d1) -> (0, 0, 0)>
#map1 = affine_map<(d0, d1) -> (0, 0)>
module attributes {stable_mosaic.version = 14 : i64} {
  func.func @deg_kernel(%arg0: i32, %arg1: i32, %arg2: memref<2x2560x125xi32, #tpu.memory_space<hbm>>, %arg3: memref<125x16xf32, #tpu.memory_space<hbm>>, %arg4: memref<640x16xf32, #tpu.memory_space<hbm>>, %arg5: memref<20480x16xf32, #tpu.memory_space<hbm>>, %arg6: memref<80x125xi32, #tpu.memory_space<vmem>>, %arg7: memref<125x16xf32, #tpu.memory_space<vmem>>, %arg8: memref<640x16xf32, #tpu.memory_space<vmem>>, %arg9: memref<10240x16xf32, #tpu.memory_space<vmem_shared>>) attributes {dimension_semantics = [#tpu.dimension_semantics<core_parallel>, #tpu.dimension_semantics<subcore_parallel>], iteration_bounds = array<i64: 2, 16>, scalar_prefetch = 0 : i64, scratch_operands = 4 : i64, tpu.core_type = #tpu.core_type<sc_vector_subcore>, window_params = [{transform_indices = #map}, {transform_indices = #map1}, {transform_indices = #map1}, {transform_indices = #map1}]} {
    %mul3A = arith.constant 16 : i32
    %mul3A_0 = arith.muli %arg0, %mul3A : i32
    %add3A = arith.addi %mul3A_0, %arg1 : i32
    %mul3A_1 = arith.constant 80 : i32
    %mul3A_2 = arith.muli %add3A, %mul3A_1 : i32
    %run_scoped3A = arith.constant 1 : i32
    "tpu.region"() ({
      %run_scoped3A_18 = tpu.sem_alloc : memref<!tpu.dma_semaphore, #tpu.memory_space<semaphore_mem>>
      %dma_start3A = arith.constant 0 : i32
      %dma_start3A_19 = tpu.memref_slice %arg2[%run_scoped3A, %mul3A_2, %dma_start3A] : memref<2x2560x125xi32, #tpu.memory_space<hbm>> -> memref<1x80x125xi32, #tpu.memory_space<hbm>>
      %dma_start3A_20 = tpu.memref_squeeze %dma_start3A_19 : memref<1x80x125xi32, #tpu.memory_space<hbm>> -> memref<80x125xi32, #tpu.memory_space<hbm>>
      %dma_start3A_21 = arith.constant 0 : i32
      %dma_start3A_22 = tpu.memref_slice %arg2[%run_scoped3A, %mul3A_2, %dma_start3A_21] : memref<2x2560x125xi32, #tpu.memory_space<hbm>> -> memref<1x80x125xi32, #tpu.memory_space<hbm>>
      %dma_start3A_23 = tpu.memref_squeeze %dma_start3A_22 : memref<1x80x125xi32, #tpu.memory_space<hbm>> -> memref<80x125xi32, #tpu.memory_space<hbm>>
      tpu.enqueue_dma source(%dma_start3A_23 : memref<80x125xi32, #tpu.memory_space<hbm>>) target(%arg6 : memref<80x125xi32, #tpu.memory_space<vmem>>) target_semaphore(%run_scoped3A_18 : memref<!tpu.dma_semaphore, #tpu.memory_space<semaphore_mem>>)
      %dma_wait3A = arith.constant 0 : i32
      %dma_wait3A_24 = tpu.memref_slice %arg2[%run_scoped3A, %mul3A_2, %dma_wait3A] : memref<2x2560x125xi32, #tpu.memory_space<hbm>> -> memref<1x80x125xi32, #tpu.memory_space<hbm>>
      %dma_wait3A_25 = tpu.memref_squeeze %dma_wait3A_24 : memref<1x80x125xi32, #tpu.memory_space<hbm>> -> memref<80x125xi32, #tpu.memory_space<hbm>>
      %dma_wait3A_26 = arith.constant 0 : i32
      %dma_wait3A_27 = tpu.memref_slice %arg2[%run_scoped3A, %mul3A_2, %dma_wait3A_26] : memref<2x2560x125xi32, #tpu.memory_space<hbm>> -> memref<1x80x125xi32, #tpu.memory_space<hbm>>
      %dma_wait3A_28 = tpu.memref_squeeze %dma_wait3A_27 : memref<1x80x125xi32, #tpu.memory_space<hbm>> -> memref<80x125xi32, #tpu.memory_space<hbm>>
      tpu.wait_dma2 semaphore(%run_scoped3A_18 : memref<!tpu.dma_semaphore, #tpu.memory_space<semaphore_mem>>) src(%dma_wait3A_28 : memref<80x125xi32, #tpu.memory_space<hbm>>) dst(%arg6 : memref<80x125xi32, #tpu.memory_space<vmem>>)
      tpu.yield
    }) : () -> ()
    "tpu.region"() ({
      %run_scoped3A_18 = tpu.sem_alloc : memref<!tpu.dma_semaphore, #tpu.memory_space<semaphore_mem>>
      tpu.enqueue_dma source(%arg3 : memref<125x16xf32, #tpu.memory_space<hbm>>) target(%arg7 : memref<125x16xf32, #tpu.memory_space<vmem>>) target_semaphore(%run_scoped3A_18 : memref<!tpu.dma_semaphore, #tpu.memory_space<semaphore_mem>>)
      tpu.wait_dma2 semaphore(%run_scoped3A_18 : memref<!tpu.dma_semaphore, #tpu.memory_space<semaphore_mem>>) src(%arg3 : memref<125x16xf32, #tpu.memory_space<hbm>>) dst(%arg7 : memref<125x16xf32, #tpu.memory_space<vmem>>)
      tpu.yield
    }) : () -> ()
    "tpu.region"() ({
      %run_scoped3A_18 = tpu.sem_alloc : memref<!tpu.dma_semaphore, #tpu.memory_space<semaphore_mem>>
      tpu.enqueue_dma source(%arg4 : memref<640x16xf32, #tpu.memory_space<hbm>>) target(%arg8 : memref<640x16xf32, #tpu.memory_space<vmem>>) target_semaphore(%run_scoped3A_18 : memref<!tpu.dma_semaphore, #tpu.memory_space<semaphore_mem>>)
      tpu.wait_dma2 semaphore(%run_scoped3A_18 : memref<!tpu.dma_semaphore, #tpu.memory_space<semaphore_mem>>) src(%arg4 : memref<640x16xf32, #tpu.memory_space<hbm>>) dst(%arg8 : memref<640x16xf32, #tpu.memory_space<vmem>>)
      tpu.yield
    }) : () -> ()
    %mul3A_3 = arith.constant 640 : i32
    %mul3A_4 = arith.muli %arg1, %mul3A_3 : i32
    "tpu.region"() ({
      %run_scoped3A_18 = tpu.sem_alloc : memref<!tpu.dma_semaphore, #tpu.memory_space<semaphore_mem>>
      %dma_start3A = arith.constant 0 : i32
      %dma_start3A_19 = tpu.memref_slice %arg9[%mul3A_4, %dma_start3A] : memref<10240x16xf32, #tpu.memory_space<vmem_shared>> -> memref<640x16xf32, #tpu.memory_space<vmem_shared>>
      %dma_start3A_20 = arith.constant 0 : i32
      %dma_start3A_21 = tpu.memref_slice %arg9[%mul3A_4, %dma_start3A_20] : memref<10240x16xf32, #tpu.memory_space<vmem_shared>> -> memref<640x16xf32, #tpu.memory_space<vmem_shared>>
      tpu.enqueue_dma source(%arg8 : memref<640x16xf32, #tpu.memory_space<vmem>>) target(%dma_start3A_21 : memref<640x16xf32, #tpu.memory_space<vmem_shared>>) target_semaphore(%run_scoped3A_18 : memref<!tpu.dma_semaphore, #tpu.memory_space<semaphore_mem>>)
      %dma_wait3A = arith.constant 0 : i32
      %dma_wait3A_22 = tpu.memref_slice %arg9[%mul3A_4, %dma_wait3A] : memref<10240x16xf32, #tpu.memory_space<vmem_shared>> -> memref<640x16xf32, #tpu.memory_space<vmem_shared>>
      %dma_wait3A_23 = arith.constant 0 : i32
      %dma_wait3A_24 = tpu.memref_slice %arg9[%mul3A_4, %dma_wait3A_23] : memref<10240x16xf32, #tpu.memory_space<vmem_shared>> -> memref<640x16xf32, #tpu.memory_space<vmem_shared>>
      tpu.wait_dma2 semaphore(%run_scoped3A_18 : memref<!tpu.dma_semaphore, #tpu.memory_space<semaphore_mem>>) src(%arg8 : memref<640x16xf32, #tpu.memory_space<vmem>>) dst(%dma_wait3A_24 : memref<640x16xf32, #tpu.memory_space<vmem_shared>>)
      tpu.yield
    }) : () -> ()
    %barrier3A = arith.constant 0 : index
    tpu.barrier barrier_id(%barrier3A)
    %scan3A = arith.constant 0 : i32
    %scan3A_5 = arith.constant 0 : i32
    %scan3A_6 = arith.constant 80 : i32
    %scan3A_7 = arith.addi %scan3A_5, %scan3A_6 : i32
    %scan3A_8 = arith.constant 1 : i32
    scf.for %scan3A_18 = %scan3A_5 to %scan3A_7 step %scan3A_8  : i32 {
      "tpu.region"() ({
        %run_scoped3A_19 = tpu.sem_alloc : memref<!tpu.dma_semaphore, #tpu.memory_space<semaphore_mem>>
        %dma_start3A = arith.constant 0 : i32
        %dma_start3A_20 = tpu.memref_slice %arg6[%scan3A_18, %dma_start3A] : memref<80x125xi32, #tpu.memory_space<vmem>> -> memref<1x125xi32, #tpu.memory_space<vmem>>
        %dma_start3A_21 = tpu.memref_squeeze %dma_start3A_20 : memref<1x125xi32, #tpu.memory_space<vmem>> -> memref<125xi32, #tpu.memory_space<vmem>>
        %dma_start3A_22 = arith.constant 0 : i32
        %dma_start3A_23 = arith.constant 0 : i32
        %dma_start3A_24 = tpu.memref_slice %arg9[%dma_start3A_22, %dma_start3A_23] : memref<10240x16xf32, #tpu.memory_space<vmem_shared>> -> memref<10240x16xf32, #tpu.memory_space<vmem_shared>>
        tpu.enqueue_indirect_dma source(%arg7 : memref<125x16xf32, #tpu.memory_space<vmem>>) target(%dma_start3A_24 : memref<10240x16xf32, #tpu.memory_space<vmem_shared>>) offsets(%dma_start3A_21 : memref<125xi32, #tpu.memory_space<vmem>>) semaphore(%run_scoped3A_19 : memref<!tpu.dma_semaphore, #tpu.memory_space<semaphore_mem>>) {add = true}
        %dma_wait3A = arith.constant 0 : i32
        %dma_wait3A_25 = tpu.memref_slice %arg6[%scan3A_18, %dma_wait3A] : memref<80x125xi32, #tpu.memory_space<vmem>> -> memref<1x125xi32, #tpu.memory_space<vmem>>
        %dma_wait3A_26 = tpu.memref_squeeze %dma_wait3A_25 : memref<1x125xi32, #tpu.memory_space<vmem>> -> memref<125xi32, #tpu.memory_space<vmem>>
        %dma_wait3A_27 = arith.constant 0 : i32
        %dma_wait3A_28 = arith.constant 0 : i32
        %dma_wait3A_29 = tpu.memref_slice %arg9[%dma_wait3A_27, %dma_wait3A_28] : memref<10240x16xf32, #tpu.memory_space<vmem_shared>> -> memref<10240x16xf32, #tpu.memory_space<vmem_shared>>
        tpu.wait_indirect_dma semaphore(%run_scoped3A_19 : memref<!tpu.dma_semaphore, #tpu.memory_space<semaphore_mem>>) src(%arg7 : memref<125x16xf32, #tpu.memory_space<vmem>>) dst(%dma_wait3A_29 : memref<10240x16xf32, #tpu.memory_space<vmem_shared>>)
        tpu.yield
      }) : () -> ()
    }
    %scan3A_9 = arith.constant 80 : i32
    %barrier3A_10 = arith.constant 0 : index
    tpu.barrier barrier_id(%barrier3A_10)
    %mul3A_11 = arith.constant 640 : i32
    %mul3A_12 = arith.muli %arg1, %mul3A_11 : i32
    "tpu.region"() ({
      %run_scoped3A_18 = tpu.sem_alloc : memref<!tpu.dma_semaphore, #tpu.memory_space<semaphore_mem>>
      %dma_start3A = arith.constant 0 : i32
      %dma_start3A_19 = tpu.memref_slice %arg9[%mul3A_12, %dma_start3A] : memref<10240x16xf32, #tpu.memory_space<vmem_shared>> -> memref<640x16xf32, #tpu.memory_space<vmem_shared>>
      %dma_start3A_20 = arith.constant 0 : i32
      %dma_start3A_21 = tpu.memref_slice %arg9[%mul3A_12, %dma_start3A_20] : memref<10240x16xf32, #tpu.memory_space<vmem_shared>> -> memref<640x16xf32, #tpu.memory_space<vmem_shared>>
      tpu.enqueue_dma source(%dma_start3A_21 : memref<640x16xf32, #tpu.memory_space<vmem_shared>>) target(%arg8 : memref<640x16xf32, #tpu.memory_space<vmem>>) target_semaphore(%run_scoped3A_18 : memref<!tpu.dma_semaphore, #tpu.memory_space<semaphore_mem>>)
      %dma_wait3A = arith.constant 0 : i32
      %dma_wait3A_22 = tpu.memref_slice %arg9[%mul3A_12, %dma_wait3A] : memref<10240x16xf32, #tpu.memory_space<vmem_shared>> -> memref<640x16xf32, #tpu.memory_space<vmem_shared>>
      %dma_wait3A_23 = arith.constant 0 : i32
      %dma_wait3A_24 = tpu.memref_slice %arg9[%mul3A_12, %dma_wait3A_23] : memref<10240x16xf32, #tpu.memory_space<vmem_shared>> -> memref<640x16xf32, #tpu.memory_space<vmem_shared>>
      tpu.wait_dma2 semaphore(%run_scoped3A_18 : memref<!tpu.dma_semaphore, #tpu.memory_space<semaphore_mem>>) src(%dma_wait3A_24 : memref<640x16xf32, #tpu.memory_space<vmem_shared>>) dst(%arg8 : memref<640x16xf32, #tpu.memory_space<vmem>>)
      tpu.yield
    }) : () -> ()
    %mul3A_13 = arith.constant 10240 : i32
    %mul3A_14 = arith.muli %arg0, %mul3A_13 : i32
    %mul3A_15 = arith.constant 640 : i32
    %mul3A_16 = arith.muli %arg1, %mul3A_15 : i32
    %add3A_17 = arith.addi %mul3A_14, %mul3A_16 : i32
    "tpu.region"() ({
      %run_scoped3A_18 = tpu.sem_alloc : memref<!tpu.dma_semaphore, #tpu.memory_space<semaphore_mem>>
      %dma_start3A = arith.constant 0 : i32
      %dma_start3A_19 = tpu.memref_slice %arg5[%add3A_17, %dma_start3A] : memref<20480x16xf32, #tpu.memory_space<hbm>> -> memref<640x16xf32, #tpu.memory_space<hbm>>
      %dma_start3A_20 = arith.constant 0 : i32
      %dma_start3A_21 = tpu.memref_slice %arg5[%add3A_17, %dma_start3A_20] : memref<20480x16xf32, #tpu.memory_space<hbm>> -> memref<640x16xf32, #tpu.memory_space<hbm>>
      tpu.enqueue_dma source(%arg8 : memref<640x16xf32, #tpu.memory_space<vmem>>) target(%dma_start3A_21 : memref<640x16xf32, #tpu.memory_space<hbm>>) target_semaphore(%run_scoped3A_18 : memref<!tpu.dma_semaphore, #tpu.memory_space<semaphore_mem>>)
      %dma_wait3A = arith.constant 0 : i32
      %dma_wait3A_22 = tpu.memref_slice %arg5[%add3A_17, %dma_wait3A] : memref<20480x16xf32, #tpu.memory_space<hbm>> -> memref<640x16xf32, #tpu.memory_space<hbm>>
      %dma_wait3A_23 = arith.constant 0 : i32
      %dma_wait3A_24 = tpu.memref_slice %arg5[%add3A_17, %dma_wait3A_23] : memref<20480x16xf32, #tpu.memory_space<hbm>> -> memref<640x16xf32, #tpu.memory_space<hbm>>
      tpu.wait_dma2 semaphore(%run_scoped3A_18 : memref<!tpu.dma_semaphore, #tpu.memory_space<semaphore_mem>>) src(%arg8 : memref<640x16xf32, #tpu.memory_space<vmem>>) dst(%dma_wait3A_24 : memref<640x16xf32, #tpu.memory_space<hbm>>)
      tpu.yield
    }) : () -> ()
    return
  }
}

#map = affine_map<(d0, d1) -> (0, 0)>
#map1 = affine_map<(d0, d1) -> (0)>
module attributes {stable_mosaic.version = 14 : i64} {
  func.func @pairs_kernel(%arg0: i32, %arg1: i32, %arg2: memref<10240x4xf32, #tpu.memory_space<hbm>>, %arg3: memref<16384xi32, #tpu.memory_space<hbm>>, %arg4: memref<16384xi32, #tpu.memory_space<hbm>>, %arg5: memref<16384x2xf32, #tpu.memory_space<hbm>>, %arg6: memref<10240x4xf32, #tpu.memory_space<vmem>>, %arg7: memref<512xi32, #tpu.memory_space<vmem>>, %arg8: memref<512xi32, #tpu.memory_space<vmem>>, %arg9: memref<512x2xf32, #tpu.memory_space<vmem>>) attributes {dimension_semantics = [#tpu.dimension_semantics<core_parallel>, #tpu.dimension_semantics<subcore_parallel>], iteration_bounds = array<i64: 2, 16>, scalar_prefetch = 0 : i64, scratch_operands = 4 : i64, tpu.core_type = #tpu.core_type<sc_vector_subcore>, window_params = [{transform_indices = #map}, {transform_indices = #map1}, {transform_indices = #map1}, {transform_indices = #map}]} {
    %mul3A = arith.constant 16 : i32
    %mul3A_0 = arith.muli %arg0, %mul3A : i32
    %add3A = arith.addi %mul3A_0, %arg1 : i32
    "tpu.region"() ({
      %run_scoped3A = tpu.sem_alloc : memref<!tpu.dma_semaphore, #tpu.memory_space<semaphore_mem>>
      tpu.enqueue_dma source(%arg2 : memref<10240x4xf32, #tpu.memory_space<hbm>>) target(%arg6 : memref<10240x4xf32, #tpu.memory_space<vmem>>) target_semaphore(%run_scoped3A : memref<!tpu.dma_semaphore, #tpu.memory_space<semaphore_mem>>)
      tpu.wait_dma2 semaphore(%run_scoped3A : memref<!tpu.dma_semaphore, #tpu.memory_space<semaphore_mem>>) src(%arg2 : memref<10240x4xf32, #tpu.memory_space<hbm>>) dst(%arg6 : memref<10240x4xf32, #tpu.memory_space<vmem>>)
      tpu.yield
    }) : () -> ()
    %mul3A_1 = arith.constant 512 : i32
    %mul3A_2 = arith.muli %add3A, %mul3A_1 : i32
    "tpu.region"() ({
      %run_scoped3A = tpu.sem_alloc : memref<!tpu.dma_semaphore, #tpu.memory_space<semaphore_mem>>
      %dma_start3A = tpu.memref_slice %arg3[%mul3A_2] : memref<16384xi32, #tpu.memory_space<hbm>> -> memref<512xi32, #tpu.memory_space<hbm>>
      %dma_start3A_806 = tpu.memref_slice %arg3[%mul3A_2] : memref<16384xi32, #tpu.memory_space<hbm>> -> memref<512xi32, #tpu.memory_space<hbm>>
      tpu.enqueue_dma source(%dma_start3A_806 : memref<512xi32, #tpu.memory_space<hbm>>) target(%arg7 : memref<512xi32, #tpu.memory_space<vmem>>) target_semaphore(%run_scoped3A : memref<!tpu.dma_semaphore, #tpu.memory_space<semaphore_mem>>)
      %dma_wait3A = tpu.memref_slice %arg3[%mul3A_2] : memref<16384xi32, #tpu.memory_space<hbm>> -> memref<512xi32, #tpu.memory_space<hbm>>
      %dma_wait3A_807 = tpu.memref_slice %arg3[%mul3A_2] : memref<16384xi32, #tpu.memory_space<hbm>> -> memref<512xi32, #tpu.memory_space<hbm>>
      tpu.wait_dma2 semaphore(%run_scoped3A : memref<!tpu.dma_semaphore, #tpu.memory_space<semaphore_mem>>) src(%dma_wait3A_807 : memref<512xi32, #tpu.memory_space<hbm>>) dst(%arg7 : memref<512xi32, #tpu.memory_space<vmem>>)
      tpu.yield
    }) : () -> ()
    %mul3A_3 = arith.constant 512 : i32
    %mul3A_4 = arith.muli %add3A, %mul3A_3 : i32
    "tpu.region"() ({
      %run_scoped3A = tpu.sem_alloc : memref<!tpu.dma_semaphore, #tpu.memory_space<semaphore_mem>>
      %dma_start3A = tpu.memref_slice %arg4[%mul3A_4] : memref<16384xi32, #tpu.memory_space<hbm>> -> memref<512xi32, #tpu.memory_space<hbm>>
      %dma_start3A_806 = tpu.memref_slice %arg4[%mul3A_4] : memref<16384xi32, #tpu.memory_space<hbm>> -> memref<512xi32, #tpu.memory_space<hbm>>
      tpu.enqueue_dma source(%dma_start3A_806 : memref<512xi32, #tpu.memory_space<hbm>>) target(%arg8 : memref<512xi32, #tpu.memory_space<vmem>>) target_semaphore(%run_scoped3A : memref<!tpu.dma_semaphore, #tpu.memory_space<semaphore_mem>>)
      %dma_wait3A = tpu.memref_slice %arg4[%mul3A_4] : memref<16384xi32, #tpu.memory_space<hbm>> -> memref<512xi32, #tpu.memory_space<hbm>>
      %dma_wait3A_807 = tpu.memref_slice %arg4[%mul3A_4] : memref<16384xi32, #tpu.memory_space<hbm>> -> memref<512xi32, #tpu.memory_space<hbm>>
      tpu.wait_dma2 semaphore(%run_scoped3A : memref<!tpu.dma_semaphore, #tpu.memory_space<semaphore_mem>>) src(%dma_wait3A_807 : memref<512xi32, #tpu.memory_space<hbm>>) dst(%arg8 : memref<512xi32, #tpu.memory_space<vmem>>)
      tpu.yield
    }) : () -> ()
    %iota3A = tpu.iota {dimensions = array<i32: 0>} : vector<16xi32>
    %broadcast_in_dim3A = arith.constant 0 : i32
    %broadcast_in_dim3A_5 = vector.broadcast %broadcast_in_dim3A : i32 to vector<16xi32>
    %get3A = arith.constant 0 : index
    %get3A_6 = tpu.vector_load %arg7[%get3A] {strides = array<i32>} : memref<512xi32, #tpu.memory_space<vmem>>, vector<16xi32>,
    %get3A_7 = arith.constant 0 : index
    %get3A_8 = tpu.vector_load %arg8[%get3A_7] {strides = array<i32>} : memref<512xi32, #tpu.memory_space<vmem>>, vector<16xi32>,
    %gather3A = tpu.vector_load_idx %arg6[%get3A_6, %broadcast_in_dim3A_5] : memref<10240x4xf32, #tpu.memory_space<vmem>>[vector<16xi32>, vector<16xi32>], vector<16xf32>,
    %add3A_9 = arith.constant 1 : i32
    %add3A_10 = vector.broadcast %add3A_9 : i32 to vector<16xi32>
    %add3A_11 = arith.addi %broadcast_in_dim3A_5, %add3A_10 : vector<16xi32>
    %gather3A_12 = tpu.vector_load_idx %arg6[%get3A_6, %add3A_11] : memref<10240x4xf32, #tpu.memory_space<vmem>>[vector<16xi32>, vector<16xi32>], vector<16xf32>,
    %add3A_13 = arith.constant 2 : i32
    %add3A_14 = vector.broadcast %add3A_13 : i32 to vector<16xi32>
    %add3A_15 = arith.addi %broadcast_in_dim3A_5, %add3A_14 : vector<16xi32>
    %gather3A_16 = tpu.vector_load_idx %arg6[%get3A_8, %add3A_15] : memref<10240x4xf32, #tpu.memory_space<vmem>>[vector<16xi32>, vector<16xi32>], vector<16xf32>,
    %add3A_17 = arith.constant 3 : i32
    %add3A_18 = vector.broadcast %add3A_17 : i32 to vector<16xi32>
    %add3A_19 = arith.addi %broadcast_in_dim3A_5, %add3A_18 : vector<16xi32>
    %gather3A_20 = tpu.vector_load_idx %arg6[%get3A_8, %add3A_19] : memref<10240x4xf32, #tpu.memory_space<vmem>>[vector<16xi32>, vector<16xi32>], vector<16xf32>,
    %add3A_21 = arith.constant 0 : i32
    %add3A_22 = vector.broadcast %add3A_21 : i32 to vector<16xi32>
    %add3A_23 = arith.addi %add3A_22, %iota3A : vector<16xi32>
    %add3A_24 = arith.addf %gather3A, %gather3A_16 : vector<16xf32>
    tpu.vector_store_idx %arg9[%add3A_23, %broadcast_in_dim3A_5], %add3A_24 : memref<512x2xf32, #tpu.memory_space<vmem>>[vector<16xi32>, vector<16xi32>], vector<16xf32>,
    %add3A_25 = arith.constant 1 : i32
    %add3A_26 = vector.broadcast %add3A_25 : i32 to vector<16xi32>
    %add3A_27 = arith.addi %broadcast_in_dim3A_5, %add3A_26 : vector<16xi32>
    %add3A_28 = arith.addf %gather3A_12, %gather3A_20 : vector<16xf32>
    tpu.vector_store_idx %arg9[%add3A_23, %add3A_27], %add3A_28 : memref<512x2xf32, #tpu.memory_space<vmem>>[vector<16xi32>, vector<16xi32>], vector<16xf32>,
    %get3A_29 = arith.constant 16 : index
    %get3A_30 = tpu.vector_load %arg7[%get3A_29] {strides = array<i32>} : memref<512xi32, #tpu.memory_space<vmem>>, vector<16xi32>,
    %get3A_31 = arith.constant 16 : index
    %get3A_32 = tpu.vector_load %arg8[%get3A_31] {strides = array<i32>} : memref<512xi32, #tpu.memory_space<vmem>>, vector<16xi32>,
    %gather3A_33 = tpu.vector_load_idx %arg6[%get3A_30, %broadcast_in_dim3A_5] : memref<10240x4xf32, #tpu.memory_space<vmem>>[vector<16xi32>, vector<16xi32>], vector<16xf32>,
    %add3A_34 = arith.constant 1 : i32
    %add3A_35 = vector.broadcast %add3A_34 : i32 to vector<16xi32>
    %add3A_36 = arith.addi %broadcast_in_dim3A_5, %add3A_35 : vector<16xi32>
    %gather3A_37 = tpu.vector_load_idx %arg6[%get3A_30, %add3A_36] : memref<10240x4xf32, #tpu.memory_space<vmem>>[vector<16xi32>, vector<16xi32>], vector<16xf32>,
    %add3A_38 = arith.constant 2 : i32
    %add3A_39 = vector.broadcast %add3A_38 : i32 to vector<16xi32>
    %add3A_40 = arith.addi %broadcast_in_dim3A_5, %add3A_39 : vector<16xi32>
    %gather3A_41 = tpu.vector_load_idx %arg6[%get3A_32, %add3A_40] : memref<10240x4xf32, #tpu.memory_space<vmem>>[vector<16xi32>, vector<16xi32>], vector<16xf32>,
    %add3A_42 = arith.constant 3 : i32
    %add3A_43 = vector.broadcast %add3A_42 : i32 to vector<16xi32>
    %add3A_44 = arith.addi %broadcast_in_dim3A_5, %add3A_43 : vector<16xi32>
    %gather3A_45 = tpu.vector_load_idx %arg6[%get3A_32, %add3A_44] : memref<10240x4xf32, #tpu.memory_space<vmem>>[vector<16xi32>, vector<16xi32>], vector<16xf32>,
    %add3A_46 = arith.constant 16 : i32
    %add3A_47 = vector.broadcast %add3A_46 : i32 to vector<16xi32>
    %add3A_48 = arith.addi %add3A_47, %iota3A : vector<16xi32>
    %add3A_49 = arith.addf %gather3A_33, %gather3A_41 : vector<16xf32>
    tpu.vector_store_idx %arg9[%add3A_48, %broadcast_in_dim3A_5], %add3A_49 : memref<512x2xf32, #tpu.memory_space<vmem>>[vector<16xi32>, vector<16xi32>], vector<16xf32>,
    %add3A_50 = arith.constant 1 : i32
    %add3A_51 = vector.broadcast %add3A_50 : i32 to vector<16xi32>
    %add3A_52 = arith.addi %broadcast_in_dim3A_5, %add3A_51 : vector<16xi32>
    %add3A_53 = arith.addf %gather3A_37, %gather3A_45 : vector<16xf32>
    tpu.vector_store_idx %arg9[%add3A_48, %add3A_52], %add3A_53 : memref<512x2xf32, #tpu.memory_space<vmem>>[vector<16xi32>, vector<16xi32>], vector<16xf32>,
    %get3A_54 = arith.constant 32 : index
    %get3A_55 = tpu.vector_load %arg7[%get3A_54] {strides = array<i32>} : memref<512xi32, #tpu.memory_space<vmem>>, vector<16xi32>,
    %get3A_56 = arith.constant 32 : index
    %get3A_57 = tpu.vector_load %arg8[%get3A_56] {strides = array<i32>} : memref<512xi32, #tpu.memory_space<vmem>>, vector<16xi32>,
    %gather3A_58 = tpu.vector_load_idx %arg6[%get3A_55, %broadcast_in_dim3A_5] : memref<10240x4xf32, #tpu.memory_space<vmem>>[vector<16xi32>, vector<16xi32>], vector<16xf32>,
    %add3A_59 = arith.constant 1 : i32
    %add3A_60 = vector.broadcast %add3A_59 : i32 to vector<16xi32>
    %add3A_61 = arith.addi %broadcast_in_dim3A_5, %add3A_60 : vector<16xi32>
    %gather3A_62 = tpu.vector_load_idx %arg6[%get3A_55, %add3A_61] : memref<10240x4xf32, #tpu.memory_space<vmem>>[vector<16xi32>, vector<16xi32>], vector<16xf32>,
    %add3A_63 = arith.constant 2 : i32
    %add3A_64 = vector.broadcast %add3A_63 : i32 to vector<16xi32>
    %add3A_65 = arith.addi %broadcast_in_dim3A_5, %add3A_64 : vector<16xi32>
    %gather3A_66 = tpu.vector_load_idx %arg6[%get3A_57, %add3A_65] : memref<10240x4xf32, #tpu.memory_space<vmem>>[vector<16xi32>, vector<16xi32>], vector<16xf32>,
    %add3A_67 = arith.constant 3 : i32
    %add3A_68 = vector.broadcast %add3A_67 : i32 to vector<16xi32>
    %add3A_69 = arith.addi %broadcast_in_dim3A_5, %add3A_68 : vector<16xi32>
    %gather3A_70 = tpu.vector_load_idx %arg6[%get3A_57, %add3A_69] : memref<10240x4xf32, #tpu.memory_space<vmem>>[vector<16xi32>, vector<16xi32>], vector<16xf32>,
    %add3A_71 = arith.constant 32 : i32
    %add3A_72 = vector.broadcast %add3A_71 : i32 to vector<16xi32>
    %add3A_73 = arith.addi %add3A_72, %iota3A : vector<16xi32>
    %add3A_74 = arith.addf %gather3A_58, %gather3A_66 : vector<16xf32>
    tpu.vector_store_idx %arg9[%add3A_73, %broadcast_in_dim3A_5], %add3A_74 : memref<512x2xf32, #tpu.memory_space<vmem>>[vector<16xi32>, vector<16xi32>], vector<16xf32>,
    %add3A_75 = arith.constant 1 : i32
    %add3A_76 = vector.broadcast %add3A_75 : i32 to vector<16xi32>
    %add3A_77 = arith.addi %broadcast_in_dim3A_5, %add3A_76 : vector<16xi32>
    %add3A_78 = arith.addf %gather3A_62, %gather3A_70 : vector<16xf32>
    tpu.vector_store_idx %arg9[%add3A_73, %add3A_77], %add3A_78 : memref<512x2xf32, #tpu.memory_space<vmem>>[vector<16xi32>, vector<16xi32>], vector<16xf32>,
    %get3A_79 = arith.constant 48 : index
    %get3A_80 = tpu.vector_load %arg7[%get3A_79] {strides = array<i32>} : memref<512xi32, #tpu.memory_space<vmem>>, vector<16xi32>,
    %get3A_81 = arith.constant 48 : index
    %get3A_82 = tpu.vector_load %arg8[%get3A_81] {strides = array<i32>} : memref<512xi32, #tpu.memory_space<vmem>>, vector<16xi32>,
    %gather3A_83 = tpu.vector_load_idx %arg6[%get3A_80, %broadcast_in_dim3A_5] : memref<10240x4xf32, #tpu.memory_space<vmem>>[vector<16xi32>, vector<16xi32>], vector<16xf32>,
    %add3A_84 = arith.constant 1 : i32
    %add3A_85 = vector.broadcast %add3A_84 : i32 to vector<16xi32>
    %add3A_86 = arith.addi %broadcast_in_dim3A_5, %add3A_85 : vector<16xi32>
    %gather3A_87 = tpu.vector_load_idx %arg6[%get3A_80, %add3A_86] : memref<10240x4xf32, #tpu.memory_space<vmem>>[vector<16xi32>, vector<16xi32>], vector<16xf32>,
    %add3A_88 = arith.constant 2 : i32
    %add3A_89 = vector.broadcast %add3A_88 : i32 to vector<16xi32>
    %add3A_90 = arith.addi %broadcast_in_dim3A_5, %add3A_89 : vector<16xi32>
    %gather3A_91 = tpu.vector_load_idx %arg6[%get3A_82, %add3A_90] : memref<10240x4xf32, #tpu.memory_space<vmem>>[vector<16xi32>, vector<16xi32>], vector<16xf32>,
    %add3A_92 = arith.constant 3 : i32
    %add3A_93 = vector.broadcast %add3A_92 : i32 to vector<16xi32>
    %add3A_94 = arith.addi %broadcast_in_dim3A_5, %add3A_93 : vector<16xi32>
    %gather3A_95 = tpu.vector_load_idx %arg6[%get3A_82, %add3A_94] : memref<10240x4xf32, #tpu.memory_space<vmem>>[vector<16xi32>, vector<16xi32>], vector<16xf32>,
    %add3A_96 = arith.constant 48 : i32
    %add3A_97 = vector.broadcast %add3A_96 : i32 to vector<16xi32>
    %add3A_98 = arith.addi %add3A_97, %iota3A : vector<16xi32>
    %add3A_99 = arith.addf %gather3A_83, %gather3A_91 : vector<16xf32>
    tpu.vector_store_idx %arg9[%add3A_98, %broadcast_in_dim3A_5], %add3A_99 : memref<512x2xf32, #tpu.memory_space<vmem>>[vector<16xi32>, vector<16xi32>], vector<16xf32>,
    %add3A_100 = arith.constant 1 : i32
    %add3A_101 = vector.broadcast %add3A_100 : i32 to vector<16xi32>
    %add3A_102 = arith.addi %broadcast_in_dim3A_5, %add3A_101 : vector<16xi32>
    %add3A_103 = arith.addf %gather3A_87, %gather3A_95 : vector<16xf32>
    tpu.vector_store_idx %arg9[%add3A_98, %add3A_102], %add3A_103 : memref<512x2xf32, #tpu.memory_space<vmem>>[vector<16xi32>, vector<16xi32>], vector<16xf32>,
    %get3A_104 = arith.constant 64 : index
    %get3A_105 = tpu.vector_load %arg7[%get3A_104] {strides = array<i32>} : memref<512xi32, #tpu.memory_space<vmem>>, vector<16xi32>,
    %get3A_106 = arith.constant 64 : index
    %get3A_107 = tpu.vector_load %arg8[%get3A_106] {strides = array<i32>} : memref<512xi32, #tpu.memory_space<vmem>>, vector<16xi32>,
    %gather3A_108 = tpu.vector_load_idx %arg6[%get3A_105, %broadcast_in_dim3A_5] : memref<10240x4xf32, #tpu.memory_space<vmem>>[vector<16xi32>, vector<16xi32>], vector<16xf32>,
    %add3A_109 = arith.constant 1 : i32
    %add3A_110 = vector.broadcast %add3A_109 : i32 to vector<16xi32>
    %add3A_111 = arith.addi %broadcast_in_dim3A_5, %add3A_110 : vector<16xi32>
    %gather3A_112 = tpu.vector_load_idx %arg6[%get3A_105, %add3A_111] : memref<10240x4xf32, #tpu.memory_space<vmem>>[vector<16xi32>, vector<16xi32>], vector<16xf32>,
    %add3A_113 = arith.constant 2 : i32
    %add3A_114 = vector.broadcast %add3A_113 : i32 to vector<16xi32>
    %add3A_115 = arith.addi %broadcast_in_dim3A_5, %add3A_114 : vector<16xi32>
    %gather3A_116 = tpu.vector_load_idx %arg6[%get3A_107, %add3A_115] : memref<10240x4xf32, #tpu.memory_space<vmem>>[vector<16xi32>, vector<16xi32>], vector<16xf32>,
    %add3A_117 = arith.constant 3 : i32
    %add3A_118 = vector.broadcast %add3A_117 : i32 to vector<16xi32>
    %add3A_119 = arith.addi %broadcast_in_dim3A_5, %add3A_118 : vector<16xi32>
    %gather3A_120 = tpu.vector_load_idx %arg6[%get3A_107, %add3A_119] : memref<10240x4xf32, #tpu.memory_space<vmem>>[vector<16xi32>, vector<16xi32>], vector<16xf32>,
    %add3A_121 = arith.constant 64 : i32
    %add3A_122 = vector.broadcast %add3A_121 : i32 to vector<16xi32>
    %add3A_123 = arith.addi %add3A_122, %iota3A : vector<16xi32>
    %add3A_124 = arith.addf %gather3A_108, %gather3A_116 : vector<16xf32>
    tpu.vector_store_idx %arg9[%add3A_123, %broadcast_in_dim3A_5], %add3A_124 : memref<512x2xf32, #tpu.memory_space<vmem>>[vector<16xi32>, vector<16xi32>], vector<16xf32>,
    %add3A_125 = arith.constant 1 : i32
    %add3A_126 = vector.broadcast %add3A_125 : i32 to vector<16xi32>
    %add3A_127 = arith.addi %broadcast_in_dim3A_5, %add3A_126 : vector<16xi32>
    %add3A_128 = arith.addf %gather3A_112, %gather3A_120 : vector<16xf32>
    tpu.vector_store_idx %arg9[%add3A_123, %add3A_127], %add3A_128 : memref<512x2xf32, #tpu.memory_space<vmem>>[vector<16xi32>, vector<16xi32>], vector<16xf32>,
    %get3A_129 = arith.constant 80 : index
    %get3A_130 = tpu.vector_load %arg7[%get3A_129] {strides = array<i32>} : memref<512xi32, #tpu.memory_space<vmem>>, vector<16xi32>,
    %get3A_131 = arith.constant 80 : index
    %get3A_132 = tpu.vector_load %arg8[%get3A_131] {strides = array<i32>} : memref<512xi32, #tpu.memory_space<vmem>>, vector<16xi32>,
    %gather3A_133 = tpu.vector_load_idx %arg6[%get3A_130, %broadcast_in_dim3A_5] : memref<10240x4xf32, #tpu.memory_space<vmem>>[vector<16xi32>, vector<16xi32>], vector<16xf32>,
    %add3A_134 = arith.constant 1 : i32
    %add3A_135 = vector.broadcast %add3A_134 : i32 to vector<16xi32>
    %add3A_136 = arith.addi %broadcast_in_dim3A_5, %add3A_135 : vector<16xi32>
    %gather3A_137 = tpu.vector_load_idx %arg6[%get3A_130, %add3A_136] : memref<10240x4xf32, #tpu.memory_space<vmem>>[vector<16xi32>, vector<16xi32>], vector<16xf32>,
    %add3A_138 = arith.constant 2 : i32
    %add3A_139 = vector.broadcast %add3A_138 : i32 to vector<16xi32>
    %add3A_140 = arith.addi %broadcast_in_dim3A_5, %add3A_139 : vector<16xi32>
    %gather3A_141 = tpu.vector_load_idx %arg6[%get3A_132, %add3A_140] : memref<10240x4xf32, #tpu.memory_space<vmem>>[vector<16xi32>, vector<16xi32>], vector<16xf32>,
    %add3A_142 = arith.constant 3 : i32
    %add3A_143 = vector.broadcast %add3A_142 : i32 to vector<16xi32>
    %add3A_144 = arith.addi %broadcast_in_dim3A_5, %add3A_143 : vector<16xi32>
    %gather3A_145 = tpu.vector_load_idx %arg6[%get3A_132, %add3A_144] : memref<10240x4xf32, #tpu.memory_space<vmem>>[vector<16xi32>, vector<16xi32>], vector<16xf32>,
    %add3A_146 = arith.constant 80 : i32
    %add3A_147 = vector.broadcast %add3A_146 : i32 to vector<16xi32>
    %add3A_148 = arith.addi %add3A_147, %iota3A : vector<16xi32>
    %add3A_149 = arith.addf %gather3A_133, %gather3A_141 : vector<16xf32>
    tpu.vector_store_idx %arg9[%add3A_148, %broadcast_in_dim3A_5], %add3A_149 : memref<512x2xf32, #tpu.memory_space<vmem>>[vector<16xi32>, vector<16xi32>], vector<16xf32>,
    %add3A_150 = arith.constant 1 : i32
    %add3A_151 = vector.broadcast %add3A_150 : i32 to vector<16xi32>
    %add3A_152 = arith.addi %broadcast_in_dim3A_5, %add3A_151 : vector<16xi32>
    %add3A_153 = arith.addf %gather3A_137, %gather3A_145 : vector<16xf32>
    tpu.vector_store_idx %arg9[%add3A_148, %add3A_152], %add3A_153 : memref<512x2xf32, #tpu.memory_space<vmem>>[vector<16xi32>, vector<16xi32>], vector<16xf32>,
    %get3A_154 = arith.constant 96 : index
    %get3A_155 = tpu.vector_load %arg7[%get3A_154] {strides = array<i32>} : memref<512xi32, #tpu.memory_space<vmem>>, vector<16xi32>,
    %get3A_156 = arith.constant 96 : index
    %get3A_157 = tpu.vector_load %arg8[%get3A_156] {strides = array<i32>} : memref<512xi32, #tpu.memory_space<vmem>>, vector<16xi32>,
    %gather3A_158 = tpu.vector_load_idx %arg6[%get3A_155, %broadcast_in_dim3A_5] : memref<10240x4xf32, #tpu.memory_space<vmem>>[vector<16xi32>, vector<16xi32>], vector<16xf32>,
    %add3A_159 = arith.constant 1 : i32
    %add3A_160 = vector.broadcast %add3A_159 : i32 to vector<16xi32>
    %add3A_161 = arith.addi %broadcast_in_dim3A_5, %add3A_160 : vector<16xi32>
    %gather3A_162 = tpu.vector_load_idx %arg6[%get3A_155, %add3A_161] : memref<10240x4xf32, #tpu.memory_space<vmem>>[vector<16xi32>, vector<16xi32>], vector<16xf32>,
    %add3A_163 = arith.constant 2 : i32
    %add3A_164 = vector.broadcast %add3A_163 : i32 to vector<16xi32>
    %add3A_165 = arith.addi %broadcast_in_dim3A_5, %add3A_164 : vector<16xi32>
    %gather3A_166 = tpu.vector_load_idx %arg6[%get3A_157, %add3A_165] : memref<10240x4xf32, #tpu.memory_space<vmem>>[vector<16xi32>, vector<16xi32>], vector<16xf32>,
    %add3A_167 = arith.constant 3 : i32
    %add3A_168 = vector.broadcast %add3A_167 : i32 to vector<16xi32>
    %add3A_169 = arith.addi %broadcast_in_dim3A_5, %add3A_168 : vector<16xi32>
    %gather3A_170 = tpu.vector_load_idx %arg6[%get3A_157, %add3A_169] : memref<10240x4xf32, #tpu.memory_space<vmem>>[vector<16xi32>, vector<16xi32>], vector<16xf32>,
    %add3A_171 = arith.constant 96 : i32
    %add3A_172 = vector.broadcast %add3A_171 : i32 to vector<16xi32>
    %add3A_173 = arith.addi %add3A_172, %iota3A : vector<16xi32>
    %add3A_174 = arith.addf %gather3A_158, %gather3A_166 : vector<16xf32>
    tpu.vector_store_idx %arg9[%add3A_173, %broadcast_in_dim3A_5], %add3A_174 : memref<512x2xf32, #tpu.memory_space<vmem>>[vector<16xi32>, vector<16xi32>], vector<16xf32>,
    %add3A_175 = arith.constant 1 : i32
    %add3A_176 = vector.broadcast %add3A_175 : i32 to vector<16xi32>
    %add3A_177 = arith.addi %broadcast_in_dim3A_5, %add3A_176 : vector<16xi32>
    %add3A_178 = arith.addf %gather3A_162, %gather3A_170 : vector<16xf32>
    tpu.vector_store_idx %arg9[%add3A_173, %add3A_177], %add3A_178 : memref<512x2xf32, #tpu.memory_space<vmem>>[vector<16xi32>, vector<16xi32>], vector<16xf32>,
    %get3A_179 = arith.constant 112 : index
    %get3A_180 = tpu.vector_load %arg7[%get3A_179] {strides = array<i32>} : memref<512xi32, #tpu.memory_space<vmem>>, vector<16xi32>,
    %get3A_181 = arith.constant 112 : index
    %get3A_182 = tpu.vector_load %arg8[%get3A_181] {strides = array<i32>} : memref<512xi32, #tpu.memory_space<vmem>>, vector<16xi32>,
    %gather3A_183 = tpu.vector_load_idx %arg6[%get3A_180, %broadcast_in_dim3A_5] : memref<10240x4xf32, #tpu.memory_space<vmem>>[vector<16xi32>, vector<16xi32>], vector<16xf32>,
    %add3A_184 = arith.constant 1 : i32
    %add3A_185 = vector.broadcast %add3A_184 : i32 to vector<16xi32>
    %add3A_186 = arith.addi %broadcast_in_dim3A_5, %add3A_185 : vector<16xi32>
    %gather3A_187 = tpu.vector_load_idx %arg6[%get3A_180, %add3A_186] : memref<10240x4xf32, #tpu.memory_space<vmem>>[vector<16xi32>, vector<16xi32>], vector<16xf32>,
    %add3A_188 = arith.constant 2 : i32
    %add3A_189 = vector.broadcast %add3A_188 : i32 to vector<16xi32>
    %add3A_190 = arith.addi %broadcast_in_dim3A_5, %add3A_189 : vector<16xi32>
    %gather3A_191 = tpu.vector_load_idx %arg6[%get3A_182, %add3A_190] : memref<10240x4xf32, #tpu.memory_space<vmem>>[vector<16xi32>, vector<16xi32>], vector<16xf32>,
    %add3A_192 = arith.constant 3 : i32
    %add3A_193 = vector.broadcast %add3A_192 : i32 to vector<16xi32>
    %add3A_194 = arith.addi %broadcast_in_dim3A_5, %add3A_193 : vector<16xi32>
    %gather3A_195 = tpu.vector_load_idx %arg6[%get3A_182, %add3A_194] : memref<10240x4xf32, #tpu.memory_space<vmem>>[vector<16xi32>, vector<16xi32>], vector<16xf32>,
    %add3A_196 = arith.constant 112 : i32
    %add3A_197 = vector.broadcast %add3A_196 : i32 to vector<16xi32>
    %add3A_198 = arith.addi %add3A_197, %iota3A : vector<16xi32>
    %add3A_199 = arith.addf %gather3A_183, %gather3A_191 : vector<16xf32>
    tpu.vector_store_idx %arg9[%add3A_198, %broadcast_in_dim3A_5], %add3A_199 : memref<512x2xf32, #tpu.memory_space<vmem>>[vector<16xi32>, vector<16xi32>], vector<16xf32>,
    %add3A_200 = arith.constant 1 : i32
    %add3A_201 = vector.broadcast %add3A_200 : i32 to vector<16xi32>
    %add3A_202 = arith.addi %broadcast_in_dim3A_5, %add3A_201 : vector<16xi32>
    %add3A_203 = arith.addf %gather3A_187, %gather3A_195 : vector<16xf32>
    tpu.vector_store_idx %arg9[%add3A_198, %add3A_202], %add3A_203 : memref<512x2xf32, #tpu.memory_space<vmem>>[vector<16xi32>, vector<16xi32>], vector<16xf32>,
    %get3A_204 = arith.constant 128 : index
    %get3A_205 = tpu.vector_load %arg7[%get3A_204] {strides = array<i32>} : memref<512xi32, #tpu.memory_space<vmem>>, vector<16xi32>,
    %get3A_206 = arith.constant 128 : index
    %get3A_207 = tpu.vector_load %arg8[%get3A_206] {strides = array<i32>} : memref<512xi32, #tpu.memory_space<vmem>>, vector<16xi32>,
    %gather3A_208 = tpu.vector_load_idx %arg6[%get3A_205, %broadcast_in_dim3A_5] : memref<10240x4xf32, #tpu.memory_space<vmem>>[vector<16xi32>, vector<16xi32>], vector<16xf32>,
    %add3A_209 = arith.constant 1 : i32
    %add3A_210 = vector.broadcast %add3A_209 : i32 to vector<16xi32>
    %add3A_211 = arith.addi %broadcast_in_dim3A_5, %add3A_210 : vector<16xi32>
    %gather3A_212 = tpu.vector_load_idx %arg6[%get3A_205, %add3A_211] : memref<10240x4xf32, #tpu.memory_space<vmem>>[vector<16xi32>, vector<16xi32>], vector<16xf32>,
    %add3A_213 = arith.constant 2 : i32
    %add3A_214 = vector.broadcast %add3A_213 : i32 to vector<16xi32>
    %add3A_215 = arith.addi %broadcast_in_dim3A_5, %add3A_214 : vector<16xi32>
    %gather3A_216 = tpu.vector_load_idx %arg6[%get3A_207, %add3A_215] : memref<10240x4xf32, #tpu.memory_space<vmem>>[vector<16xi32>, vector<16xi32>], vector<16xf32>,
    %add3A_217 = arith.constant 3 : i32
    %add3A_218 = vector.broadcast %add3A_217 : i32 to vector<16xi32>
    %add3A_219 = arith.addi %broadcast_in_dim3A_5, %add3A_218 : vector<16xi32>
    %gather3A_220 = tpu.vector_load_idx %arg6[%get3A_207, %add3A_219] : memref<10240x4xf32, #tpu.memory_space<vmem>>[vector<16xi32>, vector<16xi32>], vector<16xf32>,
    %add3A_221 = arith.constant 128 : i32
    %add3A_222 = vector.broadcast %add3A_221 : i32 to vector<16xi32>
    %add3A_223 = arith.addi %add3A_222, %iota3A : vector<16xi32>
    %add3A_224 = arith.addf %gather3A_208, %gather3A_216 : vector<16xf32>
    tpu.vector_store_idx %arg9[%add3A_223, %broadcast_in_dim3A_5], %add3A_224 : memref<512x2xf32, #tpu.memory_space<vmem>>[vector<16xi32>, vector<16xi32>], vector<16xf32>,
    %add3A_225 = arith.constant 1 : i32
    %add3A_226 = vector.broadcast %add3A_225 : i32 to vector<16xi32>
    %add3A_227 = arith.addi %broadcast_in_dim3A_5, %add3A_226 : vector<16xi32>
    %add3A_228 = arith.addf %gather3A_212, %gather3A_220 : vector<16xf32>
    tpu.vector_store_idx %arg9[%add3A_223, %add3A_227], %add3A_228 : memref<512x2xf32, #tpu.memory_space<vmem>>[vector<16xi32>, vector<16xi32>], vector<16xf32>,
    %get3A_229 = arith.constant 144 : index
    %get3A_230 = tpu.vector_load %arg7[%get3A_229] {strides = array<i32>} : memref<512xi32, #tpu.memory_space<vmem>>, vector<16xi32>,
    %get3A_231 = arith.constant 144 : index
    %get3A_232 = tpu.vector_load %arg8[%get3A_231] {strides = array<i32>} : memref<512xi32, #tpu.memory_space<vmem>>, vector<16xi32>,
    %gather3A_233 = tpu.vector_load_idx %arg6[%get3A_230, %broadcast_in_dim3A_5] : memref<10240x4xf32, #tpu.memory_space<vmem>>[vector<16xi32>, vector<16xi32>], vector<16xf32>,
    %add3A_234 = arith.constant 1 : i32
    %add3A_235 = vector.broadcast %add3A_234 : i32 to vector<16xi32>
    %add3A_236 = arith.addi %broadcast_in_dim3A_5, %add3A_235 : vector<16xi32>
    %gather3A_237 = tpu.vector_load_idx %arg6[%get3A_230, %add3A_236] : memref<10240x4xf32, #tpu.memory_space<vmem>>[vector<16xi32>, vector<16xi32>], vector<16xf32>,
    %add3A_238 = arith.constant 2 : i32
    %add3A_239 = vector.broadcast %add3A_238 : i32 to vector<16xi32>
    %add3A_240 = arith.addi %broadcast_in_dim3A_5, %add3A_239 : vector<16xi32>
    %gather3A_241 = tpu.vector_load_idx %arg6[%get3A_232, %add3A_240] : memref<10240x4xf32, #tpu.memory_space<vmem>>[vector<16xi32>, vector<16xi32>], vector<16xf32>,
    %add3A_242 = arith.constant 3 : i32
    %add3A_243 = vector.broadcast %add3A_242 : i32 to vector<16xi32>
    %add3A_244 = arith.addi %broadcast_in_dim3A_5, %add3A_243 : vector<16xi32>
    %gather3A_245 = tpu.vector_load_idx %arg6[%get3A_232, %add3A_244] : memref<10240x4xf32, #tpu.memory_space<vmem>>[vector<16xi32>, vector<16xi32>], vector<16xf32>,
    %add3A_246 = arith.constant 144 : i32
    %add3A_247 = vector.broadcast %add3A_246 : i32 to vector<16xi32>
    %add3A_248 = arith.addi %add3A_247, %iota3A : vector<16xi32>
    %add3A_249 = arith.addf %gather3A_233, %gather3A_241 : vector<16xf32>
    tpu.vector_store_idx %arg9[%add3A_248, %broadcast_in_dim3A_5], %add3A_249 : memref<512x2xf32, #tpu.memory_space<vmem>>[vector<16xi32>, vector<16xi32>], vector<16xf32>,
    %add3A_250 = arith.constant 1 : i32
    %add3A_251 = vector.broadcast %add3A_250 : i32 to vector<16xi32>
    %add3A_252 = arith.addi %broadcast_in_dim3A_5, %add3A_251 : vector<16xi32>
    %add3A_253 = arith.addf %gather3A_237, %gather3A_245 : vector<16xf32>
    tpu.vector_store_idx %arg9[%add3A_248, %add3A_252], %add3A_253 : memref<512x2xf32, #tpu.memory_space<vmem>>[vector<16xi32>, vector<16xi32>], vector<16xf32>,
    %get3A_254 = arith.constant 160 : index
    %get3A_255 = tpu.vector_load %arg7[%get3A_254] {strides = array<i32>} : memref<512xi32, #tpu.memory_space<vmem>>, vector<16xi32>,
    %get3A_256 = arith.constant 160 : index
    %get3A_257 = tpu.vector_load %arg8[%get3A_256] {strides = array<i32>} : memref<512xi32, #tpu.memory_space<vmem>>, vector<16xi32>,
    %gather3A_258 = tpu.vector_load_idx %arg6[%get3A_255, %broadcast_in_dim3A_5] : memref<10240x4xf32, #tpu.memory_space<vmem>>[vector<16xi32>, vector<16xi32>], vector<16xf32>,
    %add3A_259 = arith.constant 1 : i32
    %add3A_260 = vector.broadcast %add3A_259 : i32 to vector<16xi32>
    %add3A_261 = arith.addi %broadcast_in_dim3A_5, %add3A_260 : vector<16xi32>
    %gather3A_262 = tpu.vector_load_idx %arg6[%get3A_255, %add3A_261] : memref<10240x4xf32, #tpu.memory_space<vmem>>[vector<16xi32>, vector<16xi32>], vector<16xf32>,
    %add3A_263 = arith.constant 2 : i32
    %add3A_264 = vector.broadcast %add3A_263 : i32 to vector<16xi32>
    %add3A_265 = arith.addi %broadcast_in_dim3A_5, %add3A_264 : vector<16xi32>
    %gather3A_266 = tpu.vector_load_idx %arg6[%get3A_257, %add3A_265] : memref<10240x4xf32, #tpu.memory_space<vmem>>[vector<16xi32>, vector<16xi32>], vector<16xf32>,
    %add3A_267 = arith.constant 3 : i32
    %add3A_268 = vector.broadcast %add3A_267 : i32 to vector<16xi32>
    %add3A_269 = arith.addi %broadcast_in_dim3A_5, %add3A_268 : vector<16xi32>
    %gather3A_270 = tpu.vector_load_idx %arg6[%get3A_257, %add3A_269] : memref<10240x4xf32, #tpu.memory_space<vmem>>[vector<16xi32>, vector<16xi32>], vector<16xf32>,
    %add3A_271 = arith.constant 160 : i32
    %add3A_272 = vector.broadcast %add3A_271 : i32 to vector<16xi32>
    %add3A_273 = arith.addi %add3A_272, %iota3A : vector<16xi32>
    %add3A_274 = arith.addf %gather3A_258, %gather3A_266 : vector<16xf32>
    tpu.vector_store_idx %arg9[%add3A_273, %broadcast_in_dim3A_5], %add3A_274 : memref<512x2xf32, #tpu.memory_space<vmem>>[vector<16xi32>, vector<16xi32>], vector<16xf32>,
    %add3A_275 = arith.constant 1 : i32
    %add3A_276 = vector.broadcast %add3A_275 : i32 to vector<16xi32>
    %add3A_277 = arith.addi %broadcast_in_dim3A_5, %add3A_276 : vector<16xi32>
    %add3A_278 = arith.addf %gather3A_262, %gather3A_270 : vector<16xf32>
    tpu.vector_store_idx %arg9[%add3A_273, %add3A_277], %add3A_278 : memref<512x2xf32, #tpu.memory_space<vmem>>[vector<16xi32>, vector<16xi32>], vector<16xf32>,
    %get3A_279 = arith.constant 176 : index
    %get3A_280 = tpu.vector_load %arg7[%get3A_279] {strides = array<i32>} : memref<512xi32, #tpu.memory_space<vmem>>, vector<16xi32>,
    %get3A_281 = arith.constant 176 : index
    %get3A_282 = tpu.vector_load %arg8[%get3A_281] {strides = array<i32>} : memref<512xi32, #tpu.memory_space<vmem>>, vector<16xi32>,
    %gather3A_283 = tpu.vector_load_idx %arg6[%get3A_280, %broadcast_in_dim3A_5] : memref<10240x4xf32, #tpu.memory_space<vmem>>[vector<16xi32>, vector<16xi32>], vector<16xf32>,
    %add3A_284 = arith.constant 1 : i32
    %add3A_285 = vector.broadcast %add3A_284 : i32 to vector<16xi32>
    %add3A_286 = arith.addi %broadcast_in_dim3A_5, %add3A_285 : vector<16xi32>
    %gather3A_287 = tpu.vector_load_idx %arg6[%get3A_280, %add3A_286] : memref<10240x4xf32, #tpu.memory_space<vmem>>[vector<16xi32>, vector<16xi32>], vector<16xf32>,
    %add3A_288 = arith.constant 2 : i32
    %add3A_289 = vector.broadcast %add3A_288 : i32 to vector<16xi32>
    %add3A_290 = arith.addi %broadcast_in_dim3A_5, %add3A_289 : vector<16xi32>
    %gather3A_291 = tpu.vector_load_idx %arg6[%get3A_282, %add3A_290] : memref<10240x4xf32, #tpu.memory_space<vmem>>[vector<16xi32>, vector<16xi32>], vector<16xf32>,
    %add3A_292 = arith.constant 3 : i32
    %add3A_293 = vector.broadcast %add3A_292 : i32 to vector<16xi32>
    %add3A_294 = arith.addi %broadcast_in_dim3A_5, %add3A_293 : vector<16xi32>
    %gather3A_295 = tpu.vector_load_idx %arg6[%get3A_282, %add3A_294] : memref<10240x4xf32, #tpu.memory_space<vmem>>[vector<16xi32>, vector<16xi32>], vector<16xf32>,
    %add3A_296 = arith.constant 176 : i32
    %add3A_297 = vector.broadcast %add3A_296 : i32 to vector<16xi32>
    %add3A_298 = arith.addi %add3A_297, %iota3A : vector<16xi32>
    %add3A_299 = arith.addf %gather3A_283, %gather3A_291 : vector<16xf32>
    tpu.vector_store_idx %arg9[%add3A_298, %broadcast_in_dim3A_5], %add3A_299 : memref<512x2xf32, #tpu.memory_space<vmem>>[vector<16xi32>, vector<16xi32>], vector<16xf32>,
    %add3A_300 = arith.constant 1 : i32
    %add3A_301 = vector.broadcast %add3A_300 : i32 to vector<16xi32>
    %add3A_302 = arith.addi %broadcast_in_dim3A_5, %add3A_301 : vector<16xi32>
    %add3A_303 = arith.addf %gather3A_287, %gather3A_295 : vector<16xf32>
    tpu.vector_store_idx %arg9[%add3A_298, %add3A_302], %add3A_303 : memref<512x2xf32, #tpu.memory_space<vmem>>[vector<16xi32>, vector<16xi32>], vector<16xf32>,
    %get3A_304 = arith.constant 192 : index
    %get3A_305 = tpu.vector_load %arg7[%get3A_304] {strides = array<i32>} : memref<512xi32, #tpu.memory_space<vmem>>, vector<16xi32>,
    %get3A_306 = arith.constant 192 : index
    %get3A_307 = tpu.vector_load %arg8[%get3A_306] {strides = array<i32>} : memref<512xi32, #tpu.memory_space<vmem>>, vector<16xi32>,
    %gather3A_308 = tpu.vector_load_idx %arg6[%get3A_305, %broadcast_in_dim3A_5] : memref<10240x4xf32, #tpu.memory_space<vmem>>[vector<16xi32>, vector<16xi32>], vector<16xf32>,
    %add3A_309 = arith.constant 1 : i32
    %add3A_310 = vector.broadcast %add3A_309 : i32 to vector<16xi32>
    %add3A_311 = arith.addi %broadcast_in_dim3A_5, %add3A_310 : vector<16xi32>
    %gather3A_312 = tpu.vector_load_idx %arg6[%get3A_305, %add3A_311] : memref<10240x4xf32, #tpu.memory_space<vmem>>[vector<16xi32>, vector<16xi32>], vector<16xf32>,
    %add3A_313 = arith.constant 2 : i32
    %add3A_314 = vector.broadcast %add3A_313 : i32 to vector<16xi32>
    %add3A_315 = arith.addi %broadcast_in_dim3A_5, %add3A_314 : vector<16xi32>
    %gather3A_316 = tpu.vector_load_idx %arg6[%get3A_307, %add3A_315] : memref<10240x4xf32, #tpu.memory_space<vmem>>[vector<16xi32>, vector<16xi32>], vector<16xf32>,
    %add3A_317 = arith.constant 3 : i32
    %add3A_318 = vector.broadcast %add3A_317 : i32 to vector<16xi32>
    %add3A_319 = arith.addi %broadcast_in_dim3A_5, %add3A_318 : vector<16xi32>
    %gather3A_320 = tpu.vector_load_idx %arg6[%get3A_307, %add3A_319] : memref<10240x4xf32, #tpu.memory_space<vmem>>[vector<16xi32>, vector<16xi32>], vector<16xf32>,
    %add3A_321 = arith.constant 192 : i32
    %add3A_322 = vector.broadcast %add3A_321 : i32 to vector<16xi32>
    %add3A_323 = arith.addi %add3A_322, %iota3A : vector<16xi32>
    %add3A_324 = arith.addf %gather3A_308, %gather3A_316 : vector<16xf32>
    tpu.vector_store_idx %arg9[%add3A_323, %broadcast_in_dim3A_5], %add3A_324 : memref<512x2xf32, #tpu.memory_space<vmem>>[vector<16xi32>, vector<16xi32>], vector<16xf32>,
    %add3A_325 = arith.constant 1 : i32
    %add3A_326 = vector.broadcast %add3A_325 : i32 to vector<16xi32>
    %add3A_327 = arith.addi %broadcast_in_dim3A_5, %add3A_326 : vector<16xi32>
    %add3A_328 = arith.addf %gather3A_312, %gather3A_320 : vector<16xf32>
    tpu.vector_store_idx %arg9[%add3A_323, %add3A_327], %add3A_328 : memref<512x2xf32, #tpu.memory_space<vmem>>[vector<16xi32>, vector<16xi32>], vector<16xf32>,
    %get3A_329 = arith.constant 208 : index
    %get3A_330 = tpu.vector_load %arg7[%get3A_329] {strides = array<i32>} : memref<512xi32, #tpu.memory_space<vmem>>, vector<16xi32>,
    %get3A_331 = arith.constant 208 : index
    %get3A_332 = tpu.vector_load %arg8[%get3A_331] {strides = array<i32>} : memref<512xi32, #tpu.memory_space<vmem>>, vector<16xi32>,
    %gather3A_333 = tpu.vector_load_idx %arg6[%get3A_330, %broadcast_in_dim3A_5] : memref<10240x4xf32, #tpu.memory_space<vmem>>[vector<16xi32>, vector<16xi32>], vector<16xf32>,
    %add3A_334 = arith.constant 1 : i32
    %add3A_335 = vector.broadcast %add3A_334 : i32 to vector<16xi32>
    %add3A_336 = arith.addi %broadcast_in_dim3A_5, %add3A_335 : vector<16xi32>
    %gather3A_337 = tpu.vector_load_idx %arg6[%get3A_330, %add3A_336] : memref<10240x4xf32, #tpu.memory_space<vmem>>[vector<16xi32>, vector<16xi32>], vector<16xf32>,
    %add3A_338 = arith.constant 2 : i32
    %add3A_339 = vector.broadcast %add3A_338 : i32 to vector<16xi32>
    %add3A_340 = arith.addi %broadcast_in_dim3A_5, %add3A_339 : vector<16xi32>
    %gather3A_341 = tpu.vector_load_idx %arg6[%get3A_332, %add3A_340] : memref<10240x4xf32, #tpu.memory_space<vmem>>[vector<16xi32>, vector<16xi32>], vector<16xf32>,
    %add3A_342 = arith.constant 3 : i32
    %add3A_343 = vector.broadcast %add3A_342 : i32 to vector<16xi32>
    %add3A_344 = arith.addi %broadcast_in_dim3A_5, %add3A_343 : vector<16xi32>
    %gather3A_345 = tpu.vector_load_idx %arg6[%get3A_332, %add3A_344] : memref<10240x4xf32, #tpu.memory_space<vmem>>[vector<16xi32>, vector<16xi32>], vector<16xf32>,
    %add3A_346 = arith.constant 208 : i32
    %add3A_347 = vector.broadcast %add3A_346 : i32 to vector<16xi32>
    %add3A_348 = arith.addi %add3A_347, %iota3A : vector<16xi32>
    %add3A_349 = arith.addf %gather3A_333, %gather3A_341 : vector<16xf32>
    tpu.vector_store_idx %arg9[%add3A_348, %broadcast_in_dim3A_5], %add3A_349 : memref<512x2xf32, #tpu.memory_space<vmem>>[vector<16xi32>, vector<16xi32>], vector<16xf32>,
    %add3A_350 = arith.constant 1 : i32
    %add3A_351 = vector.broadcast %add3A_350 : i32 to vector<16xi32>
    %add3A_352 = arith.addi %broadcast_in_dim3A_5, %add3A_351 : vector<16xi32>
    %add3A_353 = arith.addf %gather3A_337, %gather3A_345 : vector<16xf32>
    tpu.vector_store_idx %arg9[%add3A_348, %add3A_352], %add3A_353 : memref<512x2xf32, #tpu.memory_space<vmem>>[vector<16xi32>, vector<16xi32>], vector<16xf32>,
    %get3A_354 = arith.constant 224 : index
    %get3A_355 = tpu.vector_load %arg7[%get3A_354] {strides = array<i32>} : memref<512xi32, #tpu.memory_space<vmem>>, vector<16xi32>,
    %get3A_356 = arith.constant 224 : index
    %get3A_357 = tpu.vector_load %arg8[%get3A_356] {strides = array<i32>} : memref<512xi32, #tpu.memory_space<vmem>>, vector<16xi32>,
    %gather3A_358 = tpu.vector_load_idx %arg6[%get3A_355, %broadcast_in_dim3A_5] : memref<10240x4xf32, #tpu.memory_space<vmem>>[vector<16xi32>, vector<16xi32>], vector<16xf32>,
    %add3A_359 = arith.constant 1 : i32
    %add3A_360 = vector.broadcast %add3A_359 : i32 to vector<16xi32>
    %add3A_361 = arith.addi %broadcast_in_dim3A_5, %add3A_360 : vector<16xi32>
    %gather3A_362 = tpu.vector_load_idx %arg6[%get3A_355, %add3A_361] : memref<10240x4xf32, #tpu.memory_space<vmem>>[vector<16xi32>, vector<16xi32>], vector<16xf32>,
    %add3A_363 = arith.constant 2 : i32
    %add3A_364 = vector.broadcast %add3A_363 : i32 to vector<16xi32>
    %add3A_365 = arith.addi %broadcast_in_dim3A_5, %add3A_364 : vector<16xi32>
    %gather3A_366 = tpu.vector_load_idx %arg6[%get3A_357, %add3A_365] : memref<10240x4xf32, #tpu.memory_space<vmem>>[vector<16xi32>, vector<16xi32>], vector<16xf32>,
    %add3A_367 = arith.constant 3 : i32
    %add3A_368 = vector.broadcast %add3A_367 : i32 to vector<16xi32>
    %add3A_369 = arith.addi %broadcast_in_dim3A_5, %add3A_368 : vector<16xi32>
    %gather3A_370 = tpu.vector_load_idx %arg6[%get3A_357, %add3A_369] : memref<10240x4xf32, #tpu.memory_space<vmem>>[vector<16xi32>, vector<16xi32>], vector<16xf32>,
    %add3A_371 = arith.constant 224 : i32
    %add3A_372 = vector.broadcast %add3A_371 : i32 to vector<16xi32>
    %add3A_373 = arith.addi %add3A_372, %iota3A : vector<16xi32>
    %add3A_374 = arith.addf %gather3A_358, %gather3A_366 : vector<16xf32>
    tpu.vector_store_idx %arg9[%add3A_373, %broadcast_in_dim3A_5], %add3A_374 : memref<512x2xf32, #tpu.memory_space<vmem>>[vector<16xi32>, vector<16xi32>], vector<16xf32>,
    %add3A_375 = arith.constant 1 : i32
    %add3A_376 = vector.broadcast %add3A_375 : i32 to vector<16xi32>
    %add3A_377 = arith.addi %broadcast_in_dim3A_5, %add3A_376 : vector<16xi32>
    %add3A_378 = arith.addf %gather3A_362, %gather3A_370 : vector<16xf32>
    tpu.vector_store_idx %arg9[%add3A_373, %add3A_377], %add3A_378 : memref<512x2xf32, #tpu.memory_space<vmem>>[vector<16xi32>, vector<16xi32>], vector<16xf32>,
    %get3A_379 = arith.constant 240 : index
    %get3A_380 = tpu.vector_load %arg7[%get3A_379] {strides = array<i32>} : memref<512xi32, #tpu.memory_space<vmem>>, vector<16xi32>,
    %get3A_381 = arith.constant 240 : index
    %get3A_382 = tpu.vector_load %arg8[%get3A_381] {strides = array<i32>} : memref<512xi32, #tpu.memory_space<vmem>>, vector<16xi32>,
    %gather3A_383 = tpu.vector_load_idx %arg6[%get3A_380, %broadcast_in_dim3A_5] : memref<10240x4xf32, #tpu.memory_space<vmem>>[vector<16xi32>, vector<16xi32>], vector<16xf32>,
    %add3A_384 = arith.constant 1 : i32
    %add3A_385 = vector.broadcast %add3A_384 : i32 to vector<16xi32>
    %add3A_386 = arith.addi %broadcast_in_dim3A_5, %add3A_385 : vector<16xi32>
    %gather3A_387 = tpu.vector_load_idx %arg6[%get3A_380, %add3A_386] : memref<10240x4xf32, #tpu.memory_space<vmem>>[vector<16xi32>, vector<16xi32>], vector<16xf32>,
    %add3A_388 = arith.constant 2 : i32
    %add3A_389 = vector.broadcast %add3A_388 : i32 to vector<16xi32>
    %add3A_390 = arith.addi %broadcast_in_dim3A_5, %add3A_389 : vector<16xi32>
    %gather3A_391 = tpu.vector_load_idx %arg6[%get3A_382, %add3A_390] : memref<10240x4xf32, #tpu.memory_space<vmem>>[vector<16xi32>, vector<16xi32>], vector<16xf32>,
    %add3A_392 = arith.constant 3 : i32
    %add3A_393 = vector.broadcast %add3A_392 : i32 to vector<16xi32>
    %add3A_394 = arith.addi %broadcast_in_dim3A_5, %add3A_393 : vector<16xi32>
    %gather3A_395 = tpu.vector_load_idx %arg6[%get3A_382, %add3A_394] : memref<10240x4xf32, #tpu.memory_space<vmem>>[vector<16xi32>, vector<16xi32>], vector<16xf32>,
    %add3A_396 = arith.constant 240 : i32
    %add3A_397 = vector.broadcast %add3A_396 : i32 to vector<16xi32>
    %add3A_398 = arith.addi %add3A_397, %iota3A : vector<16xi32>
    %add3A_399 = arith.addf %gather3A_383, %gather3A_391 : vector<16xf32>
    tpu.vector_store_idx %arg9[%add3A_398, %broadcast_in_dim3A_5], %add3A_399 : memref<512x2xf32, #tpu.memory_space<vmem>>[vector<16xi32>, vector<16xi32>], vector<16xf32>,
    %add3A_400 = arith.constant 1 : i32
    %add3A_401 = vector.broadcast %add3A_400 : i32 to vector<16xi32>
    %add3A_402 = arith.addi %broadcast_in_dim3A_5, %add3A_401 : vector<16xi32>
    %add3A_403 = arith.addf %gather3A_387, %gather3A_395 : vector<16xf32>
    tpu.vector_store_idx %arg9[%add3A_398, %add3A_402], %add3A_403 : memref<512x2xf32, #tpu.memory_space<vmem>>[vector<16xi32>, vector<16xi32>], vector<16xf32>,
    %get3A_404 = arith.constant 256 : index
    %get3A_405 = tpu.vector_load %arg7[%get3A_404] {strides = array<i32>} : memref<512xi32, #tpu.memory_space<vmem>>, vector<16xi32>,
    %get3A_406 = arith.constant 256 : index
    %get3A_407 = tpu.vector_load %arg8[%get3A_406] {strides = array<i32>} : memref<512xi32, #tpu.memory_space<vmem>>, vector<16xi32>,
    %gather3A_408 = tpu.vector_load_idx %arg6[%get3A_405, %broadcast_in_dim3A_5] : memref<10240x4xf32, #tpu.memory_space<vmem>>[vector<16xi32>, vector<16xi32>], vector<16xf32>,
    %add3A_409 = arith.constant 1 : i32
    %add3A_410 = vector.broadcast %add3A_409 : i32 to vector<16xi32>
    %add3A_411 = arith.addi %broadcast_in_dim3A_5, %add3A_410 : vector<16xi32>
    %gather3A_412 = tpu.vector_load_idx %arg6[%get3A_405, %add3A_411] : memref<10240x4xf32, #tpu.memory_space<vmem>>[vector<16xi32>, vector<16xi32>], vector<16xf32>,
    %add3A_413 = arith.constant 2 : i32
    %add3A_414 = vector.broadcast %add3A_413 : i32 to vector<16xi32>
    %add3A_415 = arith.addi %broadcast_in_dim3A_5, %add3A_414 : vector<16xi32>
    %gather3A_416 = tpu.vector_load_idx %arg6[%get3A_407, %add3A_415] : memref<10240x4xf32, #tpu.memory_space<vmem>>[vector<16xi32>, vector<16xi32>], vector<16xf32>,
    %add3A_417 = arith.constant 3 : i32
    %add3A_418 = vector.broadcast %add3A_417 : i32 to vector<16xi32>
    %add3A_419 = arith.addi %broadcast_in_dim3A_5, %add3A_418 : vector<16xi32>
    %gather3A_420 = tpu.vector_load_idx %arg6[%get3A_407, %add3A_419] : memref<10240x4xf32, #tpu.memory_space<vmem>>[vector<16xi32>, vector<16xi32>], vector<16xf32>,
    %add3A_421 = arith.constant 256 : i32
    %add3A_422 = vector.broadcast %add3A_421 : i32 to vector<16xi32>
    %add3A_423 = arith.addi %add3A_422, %iota3A : vector<16xi32>
    %add3A_424 = arith.addf %gather3A_408, %gather3A_416 : vector<16xf32>
    tpu.vector_store_idx %arg9[%add3A_423, %broadcast_in_dim3A_5], %add3A_424 : memref<512x2xf32, #tpu.memory_space<vmem>>[vector<16xi32>, vector<16xi32>], vector<16xf32>,
    %add3A_425 = arith.constant 1 : i32
    %add3A_426 = vector.broadcast %add3A_425 : i32 to vector<16xi32>
    %add3A_427 = arith.addi %broadcast_in_dim3A_5, %add3A_426 : vector<16xi32>
    %add3A_428 = arith.addf %gather3A_412, %gather3A_420 : vector<16xf32>
    tpu.vector_store_idx %arg9[%add3A_423, %add3A_427], %add3A_428 : memref<512x2xf32, #tpu.memory_space<vmem>>[vector<16xi32>, vector<16xi32>], vector<16xf32>,
    %get3A_429 = arith.constant 272 : index
    %get3A_430 = tpu.vector_load %arg7[%get3A_429] {strides = array<i32>} : memref<512xi32, #tpu.memory_space<vmem>>, vector<16xi32>,
    %get3A_431 = arith.constant 272 : index
    %get3A_432 = tpu.vector_load %arg8[%get3A_431] {strides = array<i32>} : memref<512xi32, #tpu.memory_space<vmem>>, vector<16xi32>,
    %gather3A_433 = tpu.vector_load_idx %arg6[%get3A_430, %broadcast_in_dim3A_5] : memref<10240x4xf32, #tpu.memory_space<vmem>>[vector<16xi32>, vector<16xi32>], vector<16xf32>,
    %add3A_434 = arith.constant 1 : i32
    %add3A_435 = vector.broadcast %add3A_434 : i32 to vector<16xi32>
    %add3A_436 = arith.addi %broadcast_in_dim3A_5, %add3A_435 : vector<16xi32>
    %gather3A_437 = tpu.vector_load_idx %arg6[%get3A_430, %add3A_436] : memref<10240x4xf32, #tpu.memory_space<vmem>>[vector<16xi32>, vector<16xi32>], vector<16xf32>,
    %add3A_438 = arith.constant 2 : i32
    %add3A_439 = vector.broadcast %add3A_438 : i32 to vector<16xi32>
    %add3A_440 = arith.addi %broadcast_in_dim3A_5, %add3A_439 : vector<16xi32>
    %gather3A_441 = tpu.vector_load_idx %arg6[%get3A_432, %add3A_440] : memref<10240x4xf32, #tpu.memory_space<vmem>>[vector<16xi32>, vector<16xi32>], vector<16xf32>,
    %add3A_442 = arith.constant 3 : i32
    %add3A_443 = vector.broadcast %add3A_442 : i32 to vector<16xi32>
    %add3A_444 = arith.addi %broadcast_in_dim3A_5, %add3A_443 : vector<16xi32>
    %gather3A_445 = tpu.vector_load_idx %arg6[%get3A_432, %add3A_444] : memref<10240x4xf32, #tpu.memory_space<vmem>>[vector<16xi32>, vector<16xi32>], vector<16xf32>,
    %add3A_446 = arith.constant 272 : i32
    %add3A_447 = vector.broadcast %add3A_446 : i32 to vector<16xi32>
    %add3A_448 = arith.addi %add3A_447, %iota3A : vector<16xi32>
    %add3A_449 = arith.addf %gather3A_433, %gather3A_441 : vector<16xf32>
    tpu.vector_store_idx %arg9[%add3A_448, %broadcast_in_dim3A_5], %add3A_449 : memref<512x2xf32, #tpu.memory_space<vmem>>[vector<16xi32>, vector<16xi32>], vector<16xf32>,
    %add3A_450 = arith.constant 1 : i32
    %add3A_451 = vector.broadcast %add3A_450 : i32 to vector<16xi32>
    %add3A_452 = arith.addi %broadcast_in_dim3A_5, %add3A_451 : vector<16xi32>
    %add3A_453 = arith.addf %gather3A_437, %gather3A_445 : vector<16xf32>
    tpu.vector_store_idx %arg9[%add3A_448, %add3A_452], %add3A_453 : memref<512x2xf32, #tpu.memory_space<vmem>>[vector<16xi32>, vector<16xi32>], vector<16xf32>,
    %get3A_454 = arith.constant 288 : index
    %get3A_455 = tpu.vector_load %arg7[%get3A_454] {strides = array<i32>} : memref<512xi32, #tpu.memory_space<vmem>>, vector<16xi32>,
    %get3A_456 = arith.constant 288 : index
    %get3A_457 = tpu.vector_load %arg8[%get3A_456] {strides = array<i32>} : memref<512xi32, #tpu.memory_space<vmem>>, vector<16xi32>,
    %gather3A_458 = tpu.vector_load_idx %arg6[%get3A_455, %broadcast_in_dim3A_5] : memref<10240x4xf32, #tpu.memory_space<vmem>>[vector<16xi32>, vector<16xi32>], vector<16xf32>,
    %add3A_459 = arith.constant 1 : i32
    %add3A_460 = vector.broadcast %add3A_459 : i32 to vector<16xi32>
    %add3A_461 = arith.addi %broadcast_in_dim3A_5, %add3A_460 : vector<16xi32>
    %gather3A_462 = tpu.vector_load_idx %arg6[%get3A_455, %add3A_461] : memref<10240x4xf32, #tpu.memory_space<vmem>>[vector<16xi32>, vector<16xi32>], vector<16xf32>,
    %add3A_463 = arith.constant 2 : i32
    %add3A_464 = vector.broadcast %add3A_463 : i32 to vector<16xi32>
    %add3A_465 = arith.addi %broadcast_in_dim3A_5, %add3A_464 : vector<16xi32>
    %gather3A_466 = tpu.vector_load_idx %arg6[%get3A_457, %add3A_465] : memref<10240x4xf32, #tpu.memory_space<vmem>>[vector<16xi32>, vector<16xi32>], vector<16xf32>,
    %add3A_467 = arith.constant 3 : i32
    %add3A_468 = vector.broadcast %add3A_467 : i32 to vector<16xi32>
    %add3A_469 = arith.addi %broadcast_in_dim3A_5, %add3A_468 : vector<16xi32>
    %gather3A_470 = tpu.vector_load_idx %arg6[%get3A_457, %add3A_469] : memref<10240x4xf32, #tpu.memory_space<vmem>>[vector<16xi32>, vector<16xi32>], vector<16xf32>,
    %add3A_471 = arith.constant 288 : i32
    %add3A_472 = vector.broadcast %add3A_471 : i32 to vector<16xi32>
    %add3A_473 = arith.addi %add3A_472, %iota3A : vector<16xi32>
    %add3A_474 = arith.addf %gather3A_458, %gather3A_466 : vector<16xf32>
    tpu.vector_store_idx %arg9[%add3A_473, %broadcast_in_dim3A_5], %add3A_474 : memref<512x2xf32, #tpu.memory_space<vmem>>[vector<16xi32>, vector<16xi32>], vector<16xf32>,
    %add3A_475 = arith.constant 1 : i32
    %add3A_476 = vector.broadcast %add3A_475 : i32 to vector<16xi32>
    %add3A_477 = arith.addi %broadcast_in_dim3A_5, %add3A_476 : vector<16xi32>
    %add3A_478 = arith.addf %gather3A_462, %gather3A_470 : vector<16xf32>
    tpu.vector_store_idx %arg9[%add3A_473, %add3A_477], %add3A_478 : memref<512x2xf32, #tpu.memory_space<vmem>>[vector<16xi32>, vector<16xi32>], vector<16xf32>,
    %get3A_479 = arith.constant 304 : index
    %get3A_480 = tpu.vector_load %arg7[%get3A_479] {strides = array<i32>} : memref<512xi32, #tpu.memory_space<vmem>>, vector<16xi32>,
    %get3A_481 = arith.constant 304 : index
    %get3A_482 = tpu.vector_load %arg8[%get3A_481] {strides = array<i32>} : memref<512xi32, #tpu.memory_space<vmem>>, vector<16xi32>,
    %gather3A_483 = tpu.vector_load_idx %arg6[%get3A_480, %broadcast_in_dim3A_5] : memref<10240x4xf32, #tpu.memory_space<vmem>>[vector<16xi32>, vector<16xi32>], vector<16xf32>,
    %add3A_484 = arith.constant 1 : i32
    %add3A_485 = vector.broadcast %add3A_484 : i32 to vector<16xi32>
    %add3A_486 = arith.addi %broadcast_in_dim3A_5, %add3A_485 : vector<16xi32>
    %gather3A_487 = tpu.vector_load_idx %arg6[%get3A_480, %add3A_486] : memref<10240x4xf32, #tpu.memory_space<vmem>>[vector<16xi32>, vector<16xi32>], vector<16xf32>,
    %add3A_488 = arith.constant 2 : i32
    %add3A_489 = vector.broadcast %add3A_488 : i32 to vector<16xi32>
    %add3A_490 = arith.addi %broadcast_in_dim3A_5, %add3A_489 : vector<16xi32>
    %gather3A_491 = tpu.vector_load_idx %arg6[%get3A_482, %add3A_490] : memref<10240x4xf32, #tpu.memory_space<vmem>>[vector<16xi32>, vector<16xi32>], vector<16xf32>,
    %add3A_492 = arith.constant 3 : i32
    %add3A_493 = vector.broadcast %add3A_492 : i32 to vector<16xi32>
    %add3A_494 = arith.addi %broadcast_in_dim3A_5, %add3A_493 : vector<16xi32>
    %gather3A_495 = tpu.vector_load_idx %arg6[%get3A_482, %add3A_494] : memref<10240x4xf32, #tpu.memory_space<vmem>>[vector<16xi32>, vector<16xi32>], vector<16xf32>,
    %add3A_496 = arith.constant 304 : i32
    %add3A_497 = vector.broadcast %add3A_496 : i32 to vector<16xi32>
    %add3A_498 = arith.addi %add3A_497, %iota3A : vector<16xi32>
    %add3A_499 = arith.addf %gather3A_483, %gather3A_491 : vector<16xf32>
    tpu.vector_store_idx %arg9[%add3A_498, %broadcast_in_dim3A_5], %add3A_499 : memref<512x2xf32, #tpu.memory_space<vmem>>[vector<16xi32>, vector<16xi32>], vector<16xf32>,
    %add3A_500 = arith.constant 1 : i32
    %add3A_501 = vector.broadcast %add3A_500 : i32 to vector<16xi32>
    %add3A_502 = arith.addi %broadcast_in_dim3A_5, %add3A_501 : vector<16xi32>
    %add3A_503 = arith.addf %gather3A_487, %gather3A_495 : vector<16xf32>
    tpu.vector_store_idx %arg9[%add3A_498, %add3A_502], %add3A_503 : memref<512x2xf32, #tpu.memory_space<vmem>>[vector<16xi32>, vector<16xi32>], vector<16xf32>,
    %get3A_504 = arith.constant 320 : index
    %get3A_505 = tpu.vector_load %arg7[%get3A_504] {strides = array<i32>} : memref<512xi32, #tpu.memory_space<vmem>>, vector<16xi32>,
    %get3A_506 = arith.constant 320 : index
    %get3A_507 = tpu.vector_load %arg8[%get3A_506] {strides = array<i32>} : memref<512xi32, #tpu.memory_space<vmem>>, vector<16xi32>,
    %gather3A_508 = tpu.vector_load_idx %arg6[%get3A_505, %broadcast_in_dim3A_5] : memref<10240x4xf32, #tpu.memory_space<vmem>>[vector<16xi32>, vector<16xi32>], vector<16xf32>,
    %add3A_509 = arith.constant 1 : i32
    %add3A_510 = vector.broadcast %add3A_509 : i32 to vector<16xi32>
    %add3A_511 = arith.addi %broadcast_in_dim3A_5, %add3A_510 : vector<16xi32>
    %gather3A_512 = tpu.vector_load_idx %arg6[%get3A_505, %add3A_511] : memref<10240x4xf32, #tpu.memory_space<vmem>>[vector<16xi32>, vector<16xi32>], vector<16xf32>,
    %add3A_513 = arith.constant 2 : i32
    %add3A_514 = vector.broadcast %add3A_513 : i32 to vector<16xi32>
    %add3A_515 = arith.addi %broadcast_in_dim3A_5, %add3A_514 : vector<16xi32>
    %gather3A_516 = tpu.vector_load_idx %arg6[%get3A_507, %add3A_515] : memref<10240x4xf32, #tpu.memory_space<vmem>>[vector<16xi32>, vector<16xi32>], vector<16xf32>,
    %add3A_517 = arith.constant 3 : i32
    %add3A_518 = vector.broadcast %add3A_517 : i32 to vector<16xi32>
    %add3A_519 = arith.addi %broadcast_in_dim3A_5, %add3A_518 : vector<16xi32>
    %gather3A_520 = tpu.vector_load_idx %arg6[%get3A_507, %add3A_519] : memref<10240x4xf32, #tpu.memory_space<vmem>>[vector<16xi32>, vector<16xi32>], vector<16xf32>,
    %add3A_521 = arith.constant 320 : i32
    %add3A_522 = vector.broadcast %add3A_521 : i32 to vector<16xi32>
    %add3A_523 = arith.addi %add3A_522, %iota3A : vector<16xi32>
    %add3A_524 = arith.addf %gather3A_508, %gather3A_516 : vector<16xf32>
    tpu.vector_store_idx %arg9[%add3A_523, %broadcast_in_dim3A_5], %add3A_524 : memref<512x2xf32, #tpu.memory_space<vmem>>[vector<16xi32>, vector<16xi32>], vector<16xf32>,
    %add3A_525 = arith.constant 1 : i32
    %add3A_526 = vector.broadcast %add3A_525 : i32 to vector<16xi32>
    %add3A_527 = arith.addi %broadcast_in_dim3A_5, %add3A_526 : vector<16xi32>
    %add3A_528 = arith.addf %gather3A_512, %gather3A_520 : vector<16xf32>
    tpu.vector_store_idx %arg9[%add3A_523, %add3A_527], %add3A_528 : memref<512x2xf32, #tpu.memory_space<vmem>>[vector<16xi32>, vector<16xi32>], vector<16xf32>,
    %get3A_529 = arith.constant 336 : index
    %get3A_530 = tpu.vector_load %arg7[%get3A_529] {strides = array<i32>} : memref<512xi32, #tpu.memory_space<vmem>>, vector<16xi32>,
    %get3A_531 = arith.constant 336 : index
    %get3A_532 = tpu.vector_load %arg8[%get3A_531] {strides = array<i32>} : memref<512xi32, #tpu.memory_space<vmem>>, vector<16xi32>,
    %gather3A_533 = tpu.vector_load_idx %arg6[%get3A_530, %broadcast_in_dim3A_5] : memref<10240x4xf32, #tpu.memory_space<vmem>>[vector<16xi32>, vector<16xi32>], vector<16xf32>,
    %add3A_534 = arith.constant 1 : i32
    %add3A_535 = vector.broadcast %add3A_534 : i32 to vector<16xi32>
    %add3A_536 = arith.addi %broadcast_in_dim3A_5, %add3A_535 : vector<16xi32>
    %gather3A_537 = tpu.vector_load_idx %arg6[%get3A_530, %add3A_536] : memref<10240x4xf32, #tpu.memory_space<vmem>>[vector<16xi32>, vector<16xi32>], vector<16xf32>,
    %add3A_538 = arith.constant 2 : i32
    %add3A_539 = vector.broadcast %add3A_538 : i32 to vector<16xi32>
    %add3A_540 = arith.addi %broadcast_in_dim3A_5, %add3A_539 : vector<16xi32>
    %gather3A_541 = tpu.vector_load_idx %arg6[%get3A_532, %add3A_540] : memref<10240x4xf32, #tpu.memory_space<vmem>>[vector<16xi32>, vector<16xi32>], vector<16xf32>,
    %add3A_542 = arith.constant 3 : i32
    %add3A_543 = vector.broadcast %add3A_542 : i32 to vector<16xi32>
    %add3A_544 = arith.addi %broadcast_in_dim3A_5, %add3A_543 : vector<16xi32>
    %gather3A_545 = tpu.vector_load_idx %arg6[%get3A_532, %add3A_544] : memref<10240x4xf32, #tpu.memory_space<vmem>>[vector<16xi32>, vector<16xi32>], vector<16xf32>,
    %add3A_546 = arith.constant 336 : i32
    %add3A_547 = vector.broadcast %add3A_546 : i32 to vector<16xi32>
    %add3A_548 = arith.addi %add3A_547, %iota3A : vector<16xi32>
    %add3A_549 = arith.addf %gather3A_533, %gather3A_541 : vector<16xf32>
    tpu.vector_store_idx %arg9[%add3A_548, %broadcast_in_dim3A_5], %add3A_549 : memref<512x2xf32, #tpu.memory_space<vmem>>[vector<16xi32>, vector<16xi32>], vector<16xf32>,
    %add3A_550 = arith.constant 1 : i32
    %add3A_551 = vector.broadcast %add3A_550 : i32 to vector<16xi32>
    %add3A_552 = arith.addi %broadcast_in_dim3A_5, %add3A_551 : vector<16xi32>
    %add3A_553 = arith.addf %gather3A_537, %gather3A_545 : vector<16xf32>
    tpu.vector_store_idx %arg9[%add3A_548, %add3A_552], %add3A_553 : memref<512x2xf32, #tpu.memory_space<vmem>>[vector<16xi32>, vector<16xi32>], vector<16xf32>,
    %get3A_554 = arith.constant 352 : index
    %get3A_555 = tpu.vector_load %arg7[%get3A_554] {strides = array<i32>} : memref<512xi32, #tpu.memory_space<vmem>>, vector<16xi32>,
    %get3A_556 = arith.constant 352 : index
    %get3A_557 = tpu.vector_load %arg8[%get3A_556] {strides = array<i32>} : memref<512xi32, #tpu.memory_space<vmem>>, vector<16xi32>,
    %gather3A_558 = tpu.vector_load_idx %arg6[%get3A_555, %broadcast_in_dim3A_5] : memref<10240x4xf32, #tpu.memory_space<vmem>>[vector<16xi32>, vector<16xi32>], vector<16xf32>,
    %add3A_559 = arith.constant 1 : i32
    %add3A_560 = vector.broadcast %add3A_559 : i32 to vector<16xi32>
    %add3A_561 = arith.addi %broadcast_in_dim3A_5, %add3A_560 : vector<16xi32>
    %gather3A_562 = tpu.vector_load_idx %arg6[%get3A_555, %add3A_561] : memref<10240x4xf32, #tpu.memory_space<vmem>>[vector<16xi32>, vector<16xi32>], vector<16xf32>,
    %add3A_563 = arith.constant 2 : i32
    %add3A_564 = vector.broadcast %add3A_563 : i32 to vector<16xi32>
    %add3A_565 = arith.addi %broadcast_in_dim3A_5, %add3A_564 : vector<16xi32>
    %gather3A_566 = tpu.vector_load_idx %arg6[%get3A_557, %add3A_565] : memref<10240x4xf32, #tpu.memory_space<vmem>>[vector<16xi32>, vector<16xi32>], vector<16xf32>,
    %add3A_567 = arith.constant 3 : i32
    %add3A_568 = vector.broadcast %add3A_567 : i32 to vector<16xi32>
    %add3A_569 = arith.addi %broadcast_in_dim3A_5, %add3A_568 : vector<16xi32>
    %gather3A_570 = tpu.vector_load_idx %arg6[%get3A_557, %add3A_569] : memref<10240x4xf32, #tpu.memory_space<vmem>>[vector<16xi32>, vector<16xi32>], vector<16xf32>,
    %add3A_571 = arith.constant 352 : i32
    %add3A_572 = vector.broadcast %add3A_571 : i32 to vector<16xi32>
    %add3A_573 = arith.addi %add3A_572, %iota3A : vector<16xi32>
    %add3A_574 = arith.addf %gather3A_558, %gather3A_566 : vector<16xf32>
    tpu.vector_store_idx %arg9[%add3A_573, %broadcast_in_dim3A_5], %add3A_574 : memref<512x2xf32, #tpu.memory_space<vmem>>[vector<16xi32>, vector<16xi32>], vector<16xf32>,
    %add3A_575 = arith.constant 1 : i32
    %add3A_576 = vector.broadcast %add3A_575 : i32 to vector<16xi32>
    %add3A_577 = arith.addi %broadcast_in_dim3A_5, %add3A_576 : vector<16xi32>
    %add3A_578 = arith.addf %gather3A_562, %gather3A_570 : vector<16xf32>
    tpu.vector_store_idx %arg9[%add3A_573, %add3A_577], %add3A_578 : memref<512x2xf32, #tpu.memory_space<vmem>>[vector<16xi32>, vector<16xi32>], vector<16xf32>,
    %get3A_579 = arith.constant 368 : index
    %get3A_580 = tpu.vector_load %arg7[%get3A_579] {strides = array<i32>} : memref<512xi32, #tpu.memory_space<vmem>>, vector<16xi32>,
    %get3A_581 = arith.constant 368 : index
    %get3A_582 = tpu.vector_load %arg8[%get3A_581] {strides = array<i32>} : memref<512xi32, #tpu.memory_space<vmem>>, vector<16xi32>,
    %gather3A_583 = tpu.vector_load_idx %arg6[%get3A_580, %broadcast_in_dim3A_5] : memref<10240x4xf32, #tpu.memory_space<vmem>>[vector<16xi32>, vector<16xi32>], vector<16xf32>,
    %add3A_584 = arith.constant 1 : i32
    %add3A_585 = vector.broadcast %add3A_584 : i32 to vector<16xi32>
    %add3A_586 = arith.addi %broadcast_in_dim3A_5, %add3A_585 : vector<16xi32>
    %gather3A_587 = tpu.vector_load_idx %arg6[%get3A_580, %add3A_586] : memref<10240x4xf32, #tpu.memory_space<vmem>>[vector<16xi32>, vector<16xi32>], vector<16xf32>,
    %add3A_588 = arith.constant 2 : i32
    %add3A_589 = vector.broadcast %add3A_588 : i32 to vector<16xi32>
    %add3A_590 = arith.addi %broadcast_in_dim3A_5, %add3A_589 : vector<16xi32>
    %gather3A_591 = tpu.vector_load_idx %arg6[%get3A_582, %add3A_590] : memref<10240x4xf32, #tpu.memory_space<vmem>>[vector<16xi32>, vector<16xi32>], vector<16xf32>,
    %add3A_592 = arith.constant 3 : i32
    %add3A_593 = vector.broadcast %add3A_592 : i32 to vector<16xi32>
    %add3A_594 = arith.addi %broadcast_in_dim3A_5, %add3A_593 : vector<16xi32>
    %gather3A_595 = tpu.vector_load_idx %arg6[%get3A_582, %add3A_594] : memref<10240x4xf32, #tpu.memory_space<vmem>>[vector<16xi32>, vector<16xi32>], vector<16xf32>,
    %add3A_596 = arith.constant 368 : i32
    %add3A_597 = vector.broadcast %add3A_596 : i32 to vector<16xi32>
    %add3A_598 = arith.addi %add3A_597, %iota3A : vector<16xi32>
    %add3A_599 = arith.addf %gather3A_583, %gather3A_591 : vector<16xf32>
    tpu.vector_store_idx %arg9[%add3A_598, %broadcast_in_dim3A_5], %add3A_599 : memref<512x2xf32, #tpu.memory_space<vmem>>[vector<16xi32>, vector<16xi32>], vector<16xf32>,
    %add3A_600 = arith.constant 1 : i32
    %add3A_601 = vector.broadcast %add3A_600 : i32 to vector<16xi32>
    %add3A_602 = arith.addi %broadcast_in_dim3A_5, %add3A_601 : vector<16xi32>
    %add3A_603 = arith.addf %gather3A_587, %gather3A_595 : vector<16xf32>
    tpu.vector_store_idx %arg9[%add3A_598, %add3A_602], %add3A_603 : memref<512x2xf32, #tpu.memory_space<vmem>>[vector<16xi32>, vector<16xi32>], vector<16xf32>,
    %get3A_604 = arith.constant 384 : index
    %get3A_605 = tpu.vector_load %arg7[%get3A_604] {strides = array<i32>} : memref<512xi32, #tpu.memory_space<vmem>>, vector<16xi32>,
    %get3A_606 = arith.constant 384 : index
    %get3A_607 = tpu.vector_load %arg8[%get3A_606] {strides = array<i32>} : memref<512xi32, #tpu.memory_space<vmem>>, vector<16xi32>,
    %gather3A_608 = tpu.vector_load_idx %arg6[%get3A_605, %broadcast_in_dim3A_5] : memref<10240x4xf32, #tpu.memory_space<vmem>>[vector<16xi32>, vector<16xi32>], vector<16xf32>,
    %add3A_609 = arith.constant 1 : i32
    %add3A_610 = vector.broadcast %add3A_609 : i32 to vector<16xi32>
    %add3A_611 = arith.addi %broadcast_in_dim3A_5, %add3A_610 : vector<16xi32>
    %gather3A_612 = tpu.vector_load_idx %arg6[%get3A_605, %add3A_611] : memref<10240x4xf32, #tpu.memory_space<vmem>>[vector<16xi32>, vector<16xi32>], vector<16xf32>,
    %add3A_613 = arith.constant 2 : i32
    %add3A_614 = vector.broadcast %add3A_613 : i32 to vector<16xi32>
    %add3A_615 = arith.addi %broadcast_in_dim3A_5, %add3A_614 : vector<16xi32>
    %gather3A_616 = tpu.vector_load_idx %arg6[%get3A_607, %add3A_615] : memref<10240x4xf32, #tpu.memory_space<vmem>>[vector<16xi32>, vector<16xi32>], vector<16xf32>,
    %add3A_617 = arith.constant 3 : i32
    %add3A_618 = vector.broadcast %add3A_617 : i32 to vector<16xi32>
    %add3A_619 = arith.addi %broadcast_in_dim3A_5, %add3A_618 : vector<16xi32>
    %gather3A_620 = tpu.vector_load_idx %arg6[%get3A_607, %add3A_619] : memref<10240x4xf32, #tpu.memory_space<vmem>>[vector<16xi32>, vector<16xi32>], vector<16xf32>,
    %add3A_621 = arith.constant 384 : i32
    %add3A_622 = vector.broadcast %add3A_621 : i32 to vector<16xi32>
    %add3A_623 = arith.addi %add3A_622, %iota3A : vector<16xi32>
    %add3A_624 = arith.addf %gather3A_608, %gather3A_616 : vector<16xf32>
    tpu.vector_store_idx %arg9[%add3A_623, %broadcast_in_dim3A_5], %add3A_624 : memref<512x2xf32, #tpu.memory_space<vmem>>[vector<16xi32>, vector<16xi32>], vector<16xf32>,
    %add3A_625 = arith.constant 1 : i32
    %add3A_626 = vector.broadcast %add3A_625 : i32 to vector<16xi32>
    %add3A_627 = arith.addi %broadcast_in_dim3A_5, %add3A_626 : vector<16xi32>
    %add3A_628 = arith.addf %gather3A_612, %gather3A_620 : vector<16xf32>
    tpu.vector_store_idx %arg9[%add3A_623, %add3A_627], %add3A_628 : memref<512x2xf32, #tpu.memory_space<vmem>>[vector<16xi32>, vector<16xi32>], vector<16xf32>,
    %get3A_629 = arith.constant 400 : index
    %get3A_630 = tpu.vector_load %arg7[%get3A_629] {strides = array<i32>} : memref<512xi32, #tpu.memory_space<vmem>>, vector<16xi32>,
    %get3A_631 = arith.constant 400 : index
    %get3A_632 = tpu.vector_load %arg8[%get3A_631] {strides = array<i32>} : memref<512xi32, #tpu.memory_space<vmem>>, vector<16xi32>,
    %gather3A_633 = tpu.vector_load_idx %arg6[%get3A_630, %broadcast_in_dim3A_5] : memref<10240x4xf32, #tpu.memory_space<vmem>>[vector<16xi32>, vector<16xi32>], vector<16xf32>,
    %add3A_634 = arith.constant 1 : i32
    %add3A_635 = vector.broadcast %add3A_634 : i32 to vector<16xi32>
    %add3A_636 = arith.addi %broadcast_in_dim3A_5, %add3A_635 : vector<16xi32>
    %gather3A_637 = tpu.vector_load_idx %arg6[%get3A_630, %add3A_636] : memref<10240x4xf32, #tpu.memory_space<vmem>>[vector<16xi32>, vector<16xi32>], vector<16xf32>,
    %add3A_638 = arith.constant 2 : i32
    %add3A_639 = vector.broadcast %add3A_638 : i32 to vector<16xi32>
    %add3A_640 = arith.addi %broadcast_in_dim3A_5, %add3A_639 : vector<16xi32>
    %gather3A_641 = tpu.vector_load_idx %arg6[%get3A_632, %add3A_640] : memref<10240x4xf32, #tpu.memory_space<vmem>>[vector<16xi32>, vector<16xi32>], vector<16xf32>,
    %add3A_642 = arith.constant 3 : i32
    %add3A_643 = vector.broadcast %add3A_642 : i32 to vector<16xi32>
    %add3A_644 = arith.addi %broadcast_in_dim3A_5, %add3A_643 : vector<16xi32>
    %gather3A_645 = tpu.vector_load_idx %arg6[%get3A_632, %add3A_644] : memref<10240x4xf32, #tpu.memory_space<vmem>>[vector<16xi32>, vector<16xi32>], vector<16xf32>,
    %add3A_646 = arith.constant 400 : i32
    %add3A_647 = vector.broadcast %add3A_646 : i32 to vector<16xi32>
    %add3A_648 = arith.addi %add3A_647, %iota3A : vector<16xi32>
    %add3A_649 = arith.addf %gather3A_633, %gather3A_641 : vector<16xf32>
    tpu.vector_store_idx %arg9[%add3A_648, %broadcast_in_dim3A_5], %add3A_649 : memref<512x2xf32, #tpu.memory_space<vmem>>[vector<16xi32>, vector<16xi32>], vector<16xf32>,
    %add3A_650 = arith.constant 1 : i32
    %add3A_651 = vector.broadcast %add3A_650 : i32 to vector<16xi32>
    %add3A_652 = arith.addi %broadcast_in_dim3A_5, %add3A_651 : vector<16xi32>
    %add3A_653 = arith.addf %gather3A_637, %gather3A_645 : vector<16xf32>
    tpu.vector_store_idx %arg9[%add3A_648, %add3A_652], %add3A_653 : memref<512x2xf32, #tpu.memory_space<vmem>>[vector<16xi32>, vector<16xi32>], vector<16xf32>,
    %get3A_654 = arith.constant 416 : index
    %get3A_655 = tpu.vector_load %arg7[%get3A_654] {strides = array<i32>} : memref<512xi32, #tpu.memory_space<vmem>>, vector<16xi32>,
    %get3A_656 = arith.constant 416 : index
    %get3A_657 = tpu.vector_load %arg8[%get3A_656] {strides = array<i32>} : memref<512xi32, #tpu.memory_space<vmem>>, vector<16xi32>,
    %gather3A_658 = tpu.vector_load_idx %arg6[%get3A_655, %broadcast_in_dim3A_5] : memref<10240x4xf32, #tpu.memory_space<vmem>>[vector<16xi32>, vector<16xi32>], vector<16xf32>,
    %add3A_659 = arith.constant 1 : i32
    %add3A_660 = vector.broadcast %add3A_659 : i32 to vector<16xi32>
    %add3A_661 = arith.addi %broadcast_in_dim3A_5, %add3A_660 : vector<16xi32>
    %gather3A_662 = tpu.vector_load_idx %arg6[%get3A_655, %add3A_661] : memref<10240x4xf32, #tpu.memory_space<vmem>>[vector<16xi32>, vector<16xi32>], vector<16xf32>,
    %add3A_663 = arith.constant 2 : i32
    %add3A_664 = vector.broadcast %add3A_663 : i32 to vector<16xi32>
    %add3A_665 = arith.addi %broadcast_in_dim3A_5, %add3A_664 : vector<16xi32>
    %gather3A_666 = tpu.vector_load_idx %arg6[%get3A_657, %add3A_665] : memref<10240x4xf32, #tpu.memory_space<vmem>>[vector<16xi32>, vector<16xi32>], vector<16xf32>,
    %add3A_667 = arith.constant 3 : i32
    %add3A_668 = vector.broadcast %add3A_667 : i32 to vector<16xi32>
    %add3A_669 = arith.addi %broadcast_in_dim3A_5, %add3A_668 : vector<16xi32>
    %gather3A_670 = tpu.vector_load_idx %arg6[%get3A_657, %add3A_669] : memref<10240x4xf32, #tpu.memory_space<vmem>>[vector<16xi32>, vector<16xi32>], vector<16xf32>,
    %add3A_671 = arith.constant 416 : i32
    %add3A_672 = vector.broadcast %add3A_671 : i32 to vector<16xi32>
    %add3A_673 = arith.addi %add3A_672, %iota3A : vector<16xi32>
    %add3A_674 = arith.addf %gather3A_658, %gather3A_666 : vector<16xf32>
    tpu.vector_store_idx %arg9[%add3A_673, %broadcast_in_dim3A_5], %add3A_674 : memref<512x2xf32, #tpu.memory_space<vmem>>[vector<16xi32>, vector<16xi32>], vector<16xf32>,
    %add3A_675 = arith.constant 1 : i32
    %add3A_676 = vector.broadcast %add3A_675 : i32 to vector<16xi32>
    %add3A_677 = arith.addi %broadcast_in_dim3A_5, %add3A_676 : vector<16xi32>
    %add3A_678 = arith.addf %gather3A_662, %gather3A_670 : vector<16xf32>
    tpu.vector_store_idx %arg9[%add3A_673, %add3A_677], %add3A_678 : memref<512x2xf32, #tpu.memory_space<vmem>>[vector<16xi32>, vector<16xi32>], vector<16xf32>,
    %get3A_679 = arith.constant 432 : index
    %get3A_680 = tpu.vector_load %arg7[%get3A_679] {strides = array<i32>} : memref<512xi32, #tpu.memory_space<vmem>>, vector<16xi32>,
    %get3A_681 = arith.constant 432 : index
    %get3A_682 = tpu.vector_load %arg8[%get3A_681] {strides = array<i32>} : memref<512xi32, #tpu.memory_space<vmem>>, vector<16xi32>,
    %gather3A_683 = tpu.vector_load_idx %arg6[%get3A_680, %broadcast_in_dim3A_5] : memref<10240x4xf32, #tpu.memory_space<vmem>>[vector<16xi32>, vector<16xi32>], vector<16xf32>,
    %add3A_684 = arith.constant 1 : i32
    %add3A_685 = vector.broadcast %add3A_684 : i32 to vector<16xi32>
    %add3A_686 = arith.addi %broadcast_in_dim3A_5, %add3A_685 : vector<16xi32>
    %gather3A_687 = tpu.vector_load_idx %arg6[%get3A_680, %add3A_686] : memref<10240x4xf32, #tpu.memory_space<vmem>>[vector<16xi32>, vector<16xi32>], vector<16xf32>,
    %add3A_688 = arith.constant 2 : i32
    %add3A_689 = vector.broadcast %add3A_688 : i32 to vector<16xi32>
    %add3A_690 = arith.addi %broadcast_in_dim3A_5, %add3A_689 : vector<16xi32>
    %gather3A_691 = tpu.vector_load_idx %arg6[%get3A_682, %add3A_690] : memref<10240x4xf32, #tpu.memory_space<vmem>>[vector<16xi32>, vector<16xi32>], vector<16xf32>,
    %add3A_692 = arith.constant 3 : i32
    %add3A_693 = vector.broadcast %add3A_692 : i32 to vector<16xi32>
    %add3A_694 = arith.addi %broadcast_in_dim3A_5, %add3A_693 : vector<16xi32>
    %gather3A_695 = tpu.vector_load_idx %arg6[%get3A_682, %add3A_694] : memref<10240x4xf32, #tpu.memory_space<vmem>>[vector<16xi32>, vector<16xi32>], vector<16xf32>,
    %add3A_696 = arith.constant 432 : i32
    %add3A_697 = vector.broadcast %add3A_696 : i32 to vector<16xi32>
    %add3A_698 = arith.addi %add3A_697, %iota3A : vector<16xi32>
    %add3A_699 = arith.addf %gather3A_683, %gather3A_691 : vector<16xf32>
    tpu.vector_store_idx %arg9[%add3A_698, %broadcast_in_dim3A_5], %add3A_699 : memref<512x2xf32, #tpu.memory_space<vmem>>[vector<16xi32>, vector<16xi32>], vector<16xf32>,
    %add3A_700 = arith.constant 1 : i32
    %add3A_701 = vector.broadcast %add3A_700 : i32 to vector<16xi32>
    %add3A_702 = arith.addi %broadcast_in_dim3A_5, %add3A_701 : vector<16xi32>
    %add3A_703 = arith.addf %gather3A_687, %gather3A_695 : vector<16xf32>
    tpu.vector_store_idx %arg9[%add3A_698, %add3A_702], %add3A_703 : memref<512x2xf32, #tpu.memory_space<vmem>>[vector<16xi32>, vector<16xi32>], vector<16xf32>,
    %get3A_704 = arith.constant 448 : index
    %get3A_705 = tpu.vector_load %arg7[%get3A_704] {strides = array<i32>} : memref<512xi32, #tpu.memory_space<vmem>>, vector<16xi32>,
    %get3A_706 = arith.constant 448 : index
    %get3A_707 = tpu.vector_load %arg8[%get3A_706] {strides = array<i32>} : memref<512xi32, #tpu.memory_space<vmem>>, vector<16xi32>,
    %gather3A_708 = tpu.vector_load_idx %arg6[%get3A_705, %broadcast_in_dim3A_5] : memref<10240x4xf32, #tpu.memory_space<vmem>>[vector<16xi32>, vector<16xi32>], vector<16xf32>,
    %add3A_709 = arith.constant 1 : i32
    %add3A_710 = vector.broadcast %add3A_709 : i32 to vector<16xi32>
    %add3A_711 = arith.addi %broadcast_in_dim3A_5, %add3A_710 : vector<16xi32>
    %gather3A_712 = tpu.vector_load_idx %arg6[%get3A_705, %add3A_711] : memref<10240x4xf32, #tpu.memory_space<vmem>>[vector<16xi32>, vector<16xi32>], vector<16xf32>,
    %add3A_713 = arith.constant 2 : i32
    %add3A_714 = vector.broadcast %add3A_713 : i32 to vector<16xi32>
    %add3A_715 = arith.addi %broadcast_in_dim3A_5, %add3A_714 : vector<16xi32>
    %gather3A_716 = tpu.vector_load_idx %arg6[%get3A_707, %add3A_715] : memref<10240x4xf32, #tpu.memory_space<vmem>>[vector<16xi32>, vector<16xi32>], vector<16xf32>,
    %add3A_717 = arith.constant 3 : i32
    %add3A_718 = vector.broadcast %add3A_717 : i32 to vector<16xi32>
    %add3A_719 = arith.addi %broadcast_in_dim3A_5, %add3A_718 : vector<16xi32>
    %gather3A_720 = tpu.vector_load_idx %arg6[%get3A_707, %add3A_719] : memref<10240x4xf32, #tpu.memory_space<vmem>>[vector<16xi32>, vector<16xi32>], vector<16xf32>,
    %add3A_721 = arith.constant 448 : i32
    %add3A_722 = vector.broadcast %add3A_721 : i32 to vector<16xi32>
    %add3A_723 = arith.addi %add3A_722, %iota3A : vector<16xi32>
    %add3A_724 = arith.addf %gather3A_708, %gather3A_716 : vector<16xf32>
    tpu.vector_store_idx %arg9[%add3A_723, %broadcast_in_dim3A_5], %add3A_724 : memref<512x2xf32, #tpu.memory_space<vmem>>[vector<16xi32>, vector<16xi32>], vector<16xf32>,
    %add3A_725 = arith.constant 1 : i32
    %add3A_726 = vector.broadcast %add3A_725 : i32 to vector<16xi32>
    %add3A_727 = arith.addi %broadcast_in_dim3A_5, %add3A_726 : vector<16xi32>
    %add3A_728 = arith.addf %gather3A_712, %gather3A_720 : vector<16xf32>
    tpu.vector_store_idx %arg9[%add3A_723, %add3A_727], %add3A_728 : memref<512x2xf32, #tpu.memory_space<vmem>>[vector<16xi32>, vector<16xi32>], vector<16xf32>,
    %get3A_729 = arith.constant 464 : index
    %get3A_730 = tpu.vector_load %arg7[%get3A_729] {strides = array<i32>} : memref<512xi32, #tpu.memory_space<vmem>>, vector<16xi32>,
    %get3A_731 = arith.constant 464 : index
    %get3A_732 = tpu.vector_load %arg8[%get3A_731] {strides = array<i32>} : memref<512xi32, #tpu.memory_space<vmem>>, vector<16xi32>,
    %gather3A_733 = tpu.vector_load_idx %arg6[%get3A_730, %broadcast_in_dim3A_5] : memref<10240x4xf32, #tpu.memory_space<vmem>>[vector<16xi32>, vector<16xi32>], vector<16xf32>,
    %add3A_734 = arith.constant 1 : i32
    %add3A_735 = vector.broadcast %add3A_734 : i32 to vector<16xi32>
    %add3A_736 = arith.addi %broadcast_in_dim3A_5, %add3A_735 : vector<16xi32>
    %gather3A_737 = tpu.vector_load_idx %arg6[%get3A_730, %add3A_736] : memref<10240x4xf32, #tpu.memory_space<vmem>>[vector<16xi32>, vector<16xi32>], vector<16xf32>,
    %add3A_738 = arith.constant 2 : i32
    %add3A_739 = vector.broadcast %add3A_738 : i32 to vector<16xi32>
    %add3A_740 = arith.addi %broadcast_in_dim3A_5, %add3A_739 : vector<16xi32>
    %gather3A_741 = tpu.vector_load_idx %arg6[%get3A_732, %add3A_740] : memref<10240x4xf32, #tpu.memory_space<vmem>>[vector<16xi32>, vector<16xi32>], vector<16xf32>,
    %add3A_742 = arith.constant 3 : i32
    %add3A_743 = vector.broadcast %add3A_742 : i32 to vector<16xi32>
    %add3A_744 = arith.addi %broadcast_in_dim3A_5, %add3A_743 : vector<16xi32>
    %gather3A_745 = tpu.vector_load_idx %arg6[%get3A_732, %add3A_744] : memref<10240x4xf32, #tpu.memory_space<vmem>>[vector<16xi32>, vector<16xi32>], vector<16xf32>,
    %add3A_746 = arith.constant 464 : i32
    %add3A_747 = vector.broadcast %add3A_746 : i32 to vector<16xi32>
    %add3A_748 = arith.addi %add3A_747, %iota3A : vector<16xi32>
    %add3A_749 = arith.addf %gather3A_733, %gather3A_741 : vector<16xf32>
    tpu.vector_store_idx %arg9[%add3A_748, %broadcast_in_dim3A_5], %add3A_749 : memref<512x2xf32, #tpu.memory_space<vmem>>[vector<16xi32>, vector<16xi32>], vector<16xf32>,
    %add3A_750 = arith.constant 1 : i32
    %add3A_751 = vector.broadcast %add3A_750 : i32 to vector<16xi32>
    %add3A_752 = arith.addi %broadcast_in_dim3A_5, %add3A_751 : vector<16xi32>
    %add3A_753 = arith.addf %gather3A_737, %gather3A_745 : vector<16xf32>
    tpu.vector_store_idx %arg9[%add3A_748, %add3A_752], %add3A_753 : memref<512x2xf32, #tpu.memory_space<vmem>>[vector<16xi32>, vector<16xi32>], vector<16xf32>,
    %get3A_754 = arith.constant 480 : index
    %get3A_755 = tpu.vector_load %arg7[%get3A_754] {strides = array<i32>} : memref<512xi32, #tpu.memory_space<vmem>>, vector<16xi32>,
    %get3A_756 = arith.constant 480 : index
    %get3A_757 = tpu.vector_load %arg8[%get3A_756] {strides = array<i32>} : memref<512xi32, #tpu.memory_space<vmem>>, vector<16xi32>,
    %gather3A_758 = tpu.vector_load_idx %arg6[%get3A_755, %broadcast_in_dim3A_5] : memref<10240x4xf32, #tpu.memory_space<vmem>>[vector<16xi32>, vector<16xi32>], vector<16xf32>,
    %add3A_759 = arith.constant 1 : i32
    %add3A_760 = vector.broadcast %add3A_759 : i32 to vector<16xi32>
    %add3A_761 = arith.addi %broadcast_in_dim3A_5, %add3A_760 : vector<16xi32>
    %gather3A_762 = tpu.vector_load_idx %arg6[%get3A_755, %add3A_761] : memref<10240x4xf32, #tpu.memory_space<vmem>>[vector<16xi32>, vector<16xi32>], vector<16xf32>,
    %add3A_763 = arith.constant 2 : i32
    %add3A_764 = vector.broadcast %add3A_763 : i32 to vector<16xi32>
    %add3A_765 = arith.addi %broadcast_in_dim3A_5, %add3A_764 : vector<16xi32>
    %gather3A_766 = tpu.vector_load_idx %arg6[%get3A_757, %add3A_765] : memref<10240x4xf32, #tpu.memory_space<vmem>>[vector<16xi32>, vector<16xi32>], vector<16xf32>,
    %add3A_767 = arith.constant 3 : i32
    %add3A_768 = vector.broadcast %add3A_767 : i32 to vector<16xi32>
    %add3A_769 = arith.addi %broadcast_in_dim3A_5, %add3A_768 : vector<16xi32>
    %gather3A_770 = tpu.vector_load_idx %arg6[%get3A_757, %add3A_769] : memref<10240x4xf32, #tpu.memory_space<vmem>>[vector<16xi32>, vector<16xi32>], vector<16xf32>,
    %add3A_771 = arith.constant 480 : i32
    %add3A_772 = vector.broadcast %add3A_771 : i32 to vector<16xi32>
    %add3A_773 = arith.addi %add3A_772, %iota3A : vector<16xi32>
    %add3A_774 = arith.addf %gather3A_758, %gather3A_766 : vector<16xf32>
    tpu.vector_store_idx %arg9[%add3A_773, %broadcast_in_dim3A_5], %add3A_774 : memref<512x2xf32, #tpu.memory_space<vmem>>[vector<16xi32>, vector<16xi32>], vector<16xf32>,
    %add3A_775 = arith.constant 1 : i32
    %add3A_776 = vector.broadcast %add3A_775 : i32 to vector<16xi32>
    %add3A_777 = arith.addi %broadcast_in_dim3A_5, %add3A_776 : vector<16xi32>
    %add3A_778 = arith.addf %gather3A_762, %gather3A_770 : vector<16xf32>
    tpu.vector_store_idx %arg9[%add3A_773, %add3A_777], %add3A_778 : memref<512x2xf32, #tpu.memory_space<vmem>>[vector<16xi32>, vector<16xi32>], vector<16xf32>,
    %get3A_779 = arith.constant 496 : index
    %get3A_780 = tpu.vector_load %arg7[%get3A_779] {strides = array<i32>} : memref<512xi32, #tpu.memory_space<vmem>>, vector<16xi32>,
    %get3A_781 = arith.constant 496 : index
    %get3A_782 = tpu.vector_load %arg8[%get3A_781] {strides = array<i32>} : memref<512xi32, #tpu.memory_space<vmem>>, vector<16xi32>,
    %gather3A_783 = tpu.vector_load_idx %arg6[%get3A_780, %broadcast_in_dim3A_5] : memref<10240x4xf32, #tpu.memory_space<vmem>>[vector<16xi32>, vector<16xi32>], vector<16xf32>,
    %add3A_784 = arith.constant 1 : i32
    %add3A_785 = vector.broadcast %add3A_784 : i32 to vector<16xi32>
    %add3A_786 = arith.addi %broadcast_in_dim3A_5, %add3A_785 : vector<16xi32>
    %gather3A_787 = tpu.vector_load_idx %arg6[%get3A_780, %add3A_786] : memref<10240x4xf32, #tpu.memory_space<vmem>>[vector<16xi32>, vector<16xi32>], vector<16xf32>,
    %add3A_788 = arith.constant 2 : i32
    %add3A_789 = vector.broadcast %add3A_788 : i32 to vector<16xi32>
    %add3A_790 = arith.addi %broadcast_in_dim3A_5, %add3A_789 : vector<16xi32>
    %gather3A_791 = tpu.vector_load_idx %arg6[%get3A_782, %add3A_790] : memref<10240x4xf32, #tpu.memory_space<vmem>>[vector<16xi32>, vector<16xi32>], vector<16xf32>,
    %add3A_792 = arith.constant 3 : i32
    %add3A_793 = vector.broadcast %add3A_792 : i32 to vector<16xi32>
    %add3A_794 = arith.addi %broadcast_in_dim3A_5, %add3A_793 : vector<16xi32>
    %gather3A_795 = tpu.vector_load_idx %arg6[%get3A_782, %add3A_794] : memref<10240x4xf32, #tpu.memory_space<vmem>>[vector<16xi32>, vector<16xi32>], vector<16xf32>,
    %add3A_796 = arith.constant 496 : i32
    %add3A_797 = vector.broadcast %add3A_796 : i32 to vector<16xi32>
    %add3A_798 = arith.addi %add3A_797, %iota3A : vector<16xi32>
    %add3A_799 = arith.addf %gather3A_783, %gather3A_791 : vector<16xf32>
    tpu.vector_store_idx %arg9[%add3A_798, %broadcast_in_dim3A_5], %add3A_799 : memref<512x2xf32, #tpu.memory_space<vmem>>[vector<16xi32>, vector<16xi32>], vector<16xf32>,
    %add3A_800 = arith.constant 1 : i32
    %add3A_801 = vector.broadcast %add3A_800 : i32 to vector<16xi32>
    %add3A_802 = arith.addi %broadcast_in_dim3A_5, %add3A_801 : vector<16xi32>
    %add3A_803 = arith.addf %gather3A_787, %gather3A_795 : vector<16xf32>
    tpu.vector_store_idx %arg9[%add3A_798, %add3A_802], %add3A_803 : memref<512x2xf32, #tpu.memory_space<vmem>>[vector<16xi32>, vector<16xi32>], vector<16xf32>,
    %mul3A_804 = arith.constant 512 : i32
    %mul3A_805 = arith.muli %add3A, %mul3A_804 : i32
    "tpu.region"() ({
      %run_scoped3A = tpu.sem_alloc : memref<!tpu.dma_semaphore, #tpu.memory_space<semaphore_mem>>
      %dma_start3A = arith.constant 0 : i32
      %dma_start3A_806 = tpu.memref_slice %arg5[%mul3A_805, %dma_start3A] : memref<16384x2xf32, #tpu.memory_space<hbm>> -> memref<512x2xf32, #tpu.memory_space<hbm>>
      %dma_start3A_807 = arith.constant 0 : i32
      %dma_start3A_808 = tpu.memref_slice %arg5[%mul3A_805, %dma_start3A_807] : memref<16384x2xf32, #tpu.memory_space<hbm>> -> memref<512x2xf32, #tpu.memory_space<hbm>>
      tpu.enqueue_dma source(%arg9 : memref<512x2xf32, #tpu.memory_space<vmem>>) target(%dma_start3A_808 : memref<512x2xf32, #tpu.memory_space<hbm>>) target_semaphore(%run_scoped3A : memref<!tpu.dma_semaphore, #tpu.memory_space<semaphore_mem>>)
      %dma_wait3A = arith.constant 0 : i32
      %dma_wait3A_809 = tpu.memref_slice %arg5[%mul3A_805, %dma_wait3A] : memref<16384x2xf32, #tpu.memory_space<hbm>> -> memref<512x2xf32, #tpu.memory_space<hbm>>
      %dma_wait3A_810 = arith.constant 0 : i32
      %dma_wait3A_811 = tpu.memref_slice %arg5[%mul3A_805, %dma_wait3A_810] : memref<16384x2xf32, #tpu.memory_space<hbm>> -> memref<512x2xf32, #tpu.memory_space<hbm>>
      tpu.wait_dma2 semaphore(%run_scoped3A : memref<!tpu.dma_semaphore, #tpu.memory_space<semaphore_mem>>) src(%arg9 : memref<512x2xf32, #tpu.memory_space<vmem>>) dst(%dma_wait3A_811 : memref<512x2xf32, #tpu.memory_space<hbm>>)
      tpu.yield
    }) : () -> ()
    return
  }
}

#map = affine_map<(d0, d1) -> (0, 0)>
#map1 = affine_map<(d0, d1) -> (0, 0, 0)>
module attributes {stable_mosaic.version = 14 : i64} {
  func.func @scatter_kernel(%arg0: i32, %arg1: i32, %arg2: memref<10240x64xf32, #tpu.memory_space<hbm>>, %arg3: memref<2x2560x125xi32, #tpu.memory_space<hbm>>, %arg4: memref<128x64xf32, #tpu.memory_space<hbm>>, %arg5: memref<20480x64xf32, #tpu.memory_space<hbm>>, %arg6: memref<80x125xi32, #tpu.memory_space<vmem>>, %arg7: memref<80x125xi32, #tpu.memory_space<vmem>>, %arg8: memref<4x125x64xf32, #tpu.memory_space<vmem>>, %arg9: memref<2x128x64xf32, #tpu.memory_space<vmem>>, %arg10: memref<10240x64xf32, #tpu.memory_space<vmem_shared>>, %arg11: memref<!tpu.dma_semaphore, #tpu.memory_space<semaphore_mem>>) attributes {dimension_semantics = [#tpu.dimension_semantics<core_parallel>, #tpu.dimension_semantics<subcore_parallel>], iteration_bounds = array<i64: 2, 16>, scalar_prefetch = 0 : i64, scratch_operands = 6 : i64, tpu.core_type = #tpu.core_type<sc_vector_subcore>, window_params = [{transform_indices = #map}, {transform_indices = #map1}, {transform_indices = #map}, {transform_indices = #map}]} {
    %mul3A = arith.constant 16 : i32
    %mul3A_0 = arith.muli %arg0, %mul3A : i32
    %add3A = arith.addi %mul3A_0, %arg1 : i32
    %mul3A_1 = arith.constant 80 : i32
    %mul3A_2 = arith.muli %add3A, %mul3A_1 : i32
    %run_scoped3A = arith.constant 0 : i32
    "tpu.region"() ({
      %run_scoped3A_419 = tpu.sem_alloc : memref<!tpu.dma_semaphore, #tpu.memory_space<semaphore_mem>>
      %dma_start3A_420 = arith.constant 0 : i32
      %dma_start3A_421 = tpu.memref_slice %arg3[%run_scoped3A, %mul3A_2, %dma_start3A_420] : memref<2x2560x125xi32, #tpu.memory_space<hbm>> -> memref<1x80x125xi32, #tpu.memory_space<hbm>>
      %dma_start3A_422 = tpu.memref_squeeze %dma_start3A_421 : memref<1x80x125xi32, #tpu.memory_space<hbm>> -> memref<80x125xi32, #tpu.memory_space<hbm>>
      %dma_start3A_423 = arith.constant 0 : i32
      %dma_start3A_424 = tpu.memref_slice %arg3[%run_scoped3A, %mul3A_2, %dma_start3A_423] : memref<2x2560x125xi32, #tpu.memory_space<hbm>> -> memref<1x80x125xi32, #tpu.memory_space<hbm>>
      %dma_start3A_425 = tpu.memref_squeeze %dma_start3A_424 : memref<1x80x125xi32, #tpu.memory_space<hbm>> -> memref<80x125xi32, #tpu.memory_space<hbm>>
      tpu.enqueue_dma source(%dma_start3A_425 : memref<80x125xi32, #tpu.memory_space<hbm>>) target(%arg6 : memref<80x125xi32, #tpu.memory_space<vmem>>) target_semaphore(%run_scoped3A_419 : memref<!tpu.dma_semaphore, #tpu.memory_space<semaphore_mem>>)
      %dma_wait3A_426 = arith.constant 0 : i32
      %dma_wait3A_427 = tpu.memref_slice %arg3[%run_scoped3A, %mul3A_2, %dma_wait3A_426] : memref<2x2560x125xi32, #tpu.memory_space<hbm>> -> memref<1x80x125xi32, #tpu.memory_space<hbm>>
      %dma_wait3A_428 = tpu.memref_squeeze %dma_wait3A_427 : memref<1x80x125xi32, #tpu.memory_space<hbm>> -> memref<80x125xi32, #tpu.memory_space<hbm>>
      %dma_wait3A_429 = arith.constant 0 : i32
      %dma_wait3A_430 = tpu.memref_slice %arg3[%run_scoped3A, %mul3A_2, %dma_wait3A_429] : memref<2x2560x125xi32, #tpu.memory_space<hbm>> -> memref<1x80x125xi32, #tpu.memory_space<hbm>>
      %dma_wait3A_431 = tpu.memref_squeeze %dma_wait3A_430 : memref<1x80x125xi32, #tpu.memory_space<hbm>> -> memref<80x125xi32, #tpu.memory_space<hbm>>
      tpu.wait_dma2 semaphore(%run_scoped3A_419 : memref<!tpu.dma_semaphore, #tpu.memory_space<semaphore_mem>>) src(%dma_wait3A_431 : memref<80x125xi32, #tpu.memory_space<hbm>>) dst(%arg6 : memref<80x125xi32, #tpu.memory_space<vmem>>)
      tpu.yield
    }) : () -> ()
    %mul3A_3 = arith.constant 80 : i32
    %mul3A_4 = arith.muli %add3A, %mul3A_3 : i32
    %run_scoped3A_5 = arith.constant 1 : i32
    "tpu.region"() ({
      %run_scoped3A_419 = tpu.sem_alloc : memref<!tpu.dma_semaphore, #tpu.memory_space<semaphore_mem>>
      %dma_start3A_420 = arith.constant 0 : i32
      %dma_start3A_421 = tpu.memref_slice %arg3[%run_scoped3A_5, %mul3A_4, %dma_start3A_420] : memref<2x2560x125xi32, #tpu.memory_space<hbm>> -> memref<1x80x125xi32, #tpu.memory_space<hbm>>
      %dma_start3A_422 = tpu.memref_squeeze %dma_start3A_421 : memref<1x80x125xi32, #tpu.memory_space<hbm>> -> memref<80x125xi32, #tpu.memory_space<hbm>>
      %dma_start3A_423 = arith.constant 0 : i32
      %dma_start3A_424 = tpu.memref_slice %arg3[%run_scoped3A_5, %mul3A_4, %dma_start3A_423] : memref<2x2560x125xi32, #tpu.memory_space<hbm>> -> memref<1x80x125xi32, #tpu.memory_space<hbm>>
      %dma_start3A_425 = tpu.memref_squeeze %dma_start3A_424 : memref<1x80x125xi32, #tpu.memory_space<hbm>> -> memref<80x125xi32, #tpu.memory_space<hbm>>
      tpu.enqueue_dma source(%dma_start3A_425 : memref<80x125xi32, #tpu.memory_space<hbm>>) target(%arg7 : memref<80x125xi32, #tpu.memory_space<vmem>>) target_semaphore(%run_scoped3A_419 : memref<!tpu.dma_semaphore, #tpu.memory_space<semaphore_mem>>)
      %dma_wait3A_426 = arith.constant 0 : i32
      %dma_wait3A_427 = tpu.memref_slice %arg3[%run_scoped3A_5, %mul3A_4, %dma_wait3A_426] : memref<2x2560x125xi32, #tpu.memory_space<hbm>> -> memref<1x80x125xi32, #tpu.memory_space<hbm>>
      %dma_wait3A_428 = tpu.memref_squeeze %dma_wait3A_427 : memref<1x80x125xi32, #tpu.memory_space<hbm>> -> memref<80x125xi32, #tpu.memory_space<hbm>>
      %dma_wait3A_429 = arith.constant 0 : i32
      %dma_wait3A_430 = tpu.memref_slice %arg3[%run_scoped3A_5, %mul3A_4, %dma_wait3A_429] : memref<2x2560x125xi32, #tpu.memory_space<hbm>> -> memref<1x80x125xi32, #tpu.memory_space<hbm>>
      %dma_wait3A_431 = tpu.memref_squeeze %dma_wait3A_430 : memref<1x80x125xi32, #tpu.memory_space<hbm>> -> memref<80x125xi32, #tpu.memory_space<hbm>>
      tpu.wait_dma2 semaphore(%run_scoped3A_419 : memref<!tpu.dma_semaphore, #tpu.memory_space<semaphore_mem>>) src(%dma_wait3A_431 : memref<80x125xi32, #tpu.memory_space<hbm>>) dst(%arg7 : memref<80x125xi32, #tpu.memory_space<vmem>>)
      tpu.yield
    }) : () -> ()
    %run_scoped3A_6 = arith.constant 0 : i32
    "tpu.region"() ({
      %run_scoped3A_419 = tpu.sem_alloc : memref<!tpu.dma_semaphore, #tpu.memory_space<semaphore_mem>>
      %dma_start3A_420 = arith.constant 0 : i32
      %dma_start3A_421 = arith.constant 0 : i32
      %dma_start3A_422 = tpu.memref_slice %arg9[%run_scoped3A_6, %dma_start3A_420, %dma_start3A_421] : memref<2x128x64xf32, #tpu.memory_space<vmem>> -> memref<1x128x64xf32, #tpu.memory_space<vmem>>
      %dma_start3A_423 = tpu.memref_squeeze %dma_start3A_422 : memref<1x128x64xf32, #tpu.memory_space<vmem>> -> memref<128x64xf32, #tpu.memory_space<vmem>>
      %dma_start3A_424 = arith.constant 0 : i32
      %dma_start3A_425 = arith.constant 0 : i32
      %dma_start3A_426 = tpu.memref_slice %arg9[%run_scoped3A_6, %dma_start3A_424, %dma_start3A_425] : memref<2x128x64xf32, #tpu.memory_space<vmem>> -> memref<1x128x64xf32, #tpu.memory_space<vmem>>
      %dma_start3A_427 = tpu.memref_squeeze %dma_start3A_426 : memref<1x128x64xf32, #tpu.memory_space<vmem>> -> memref<128x64xf32, #tpu.memory_space<vmem>>
      tpu.enqueue_dma source(%arg4 : memref<128x64xf32, #tpu.memory_space<hbm>>) target(%dma_start3A_427 : memref<128x64xf32, #tpu.memory_space<vmem>>) target_semaphore(%run_scoped3A_419 : memref<!tpu.dma_semaphore, #tpu.memory_space<semaphore_mem>>)
      %dma_wait3A_428 = arith.constant 0 : i32
      %dma_wait3A_429 = arith.constant 0 : i32
      %dma_wait3A_430 = tpu.memref_slice %arg9[%run_scoped3A_6, %dma_wait3A_428, %dma_wait3A_429] : memref<2x128x64xf32, #tpu.memory_space<vmem>> -> memref<1x128x64xf32, #tpu.memory_space<vmem>>
      %dma_wait3A_431 = tpu.memref_squeeze %dma_wait3A_430 : memref<1x128x64xf32, #tpu.memory_space<vmem>> -> memref<128x64xf32, #tpu.memory_space<vmem>>
      %dma_wait3A_432 = arith.constant 0 : i32
      %dma_wait3A_433 = arith.constant 0 : i32
      %dma_wait3A_434 = tpu.memref_slice %arg9[%run_scoped3A_6, %dma_wait3A_432, %dma_wait3A_433] : memref<2x128x64xf32, #tpu.memory_space<vmem>> -> memref<1x128x64xf32, #tpu.memory_space<vmem>>
      %dma_wait3A_435 = tpu.memref_squeeze %dma_wait3A_434 : memref<1x128x64xf32, #tpu.memory_space<vmem>> -> memref<128x64xf32, #tpu.memory_space<vmem>>
      tpu.wait_dma2 semaphore(%run_scoped3A_419 : memref<!tpu.dma_semaphore, #tpu.memory_space<semaphore_mem>>) src(%arg4 : memref<128x64xf32, #tpu.memory_space<hbm>>) dst(%dma_wait3A_435 : memref<128x64xf32, #tpu.memory_space<vmem>>)
      tpu.yield
    }) : () -> ()
    %mul3A_7 = arith.constant 640 : i32
    %mul3A_8 = arith.muli %arg1, %mul3A_7 : i32
    %add3A_9 = arith.constant 0 : i32
    %add3A_10 = arith.addi %mul3A_8, %add3A_9 : i32
    %dma_start3A = arith.constant 0 : i32
    %dma_start3A_11 = arith.constant 0 : i32
    %dma_start3A_12 = arith.constant 0 : i32
    %dma_start3A_13 = tpu.memref_slice %arg9[%dma_start3A, %dma_start3A_11, %dma_start3A_12] : memref<2x128x64xf32, #tpu.memory_space<vmem>> -> memref<1x128x64xf32, #tpu.memory_space<vmem>>
    %dma_start3A_14 = tpu.memref_squeeze %dma_start3A_13 : memref<1x128x64xf32, #tpu.memory_space<vmem>> -> memref<128x64xf32, #tpu.memory_space<vmem>>
    %dma_start3A_15 = arith.constant 0 : i32
    %dma_start3A_16 = tpu.memref_slice %arg10[%add3A_10, %dma_start3A_15] : memref<10240x64xf32, #tpu.memory_space<vmem_shared>> -> memref<128x64xf32, #tpu.memory_space<vmem_shared>>
    %dma_start3A_17 = arith.constant 0 : i32
    %dma_start3A_18 = tpu.memref_slice %arg10[%add3A_10, %dma_start3A_17] : memref<10240x64xf32, #tpu.memory_space<vmem_shared>> -> memref<128x64xf32, #tpu.memory_space<vmem_shared>>
    %dma_start3A_19 = arith.constant 0 : i32
    %dma_start3A_20 = arith.constant 0 : i32
    %dma_start3A_21 = tpu.memref_slice %arg9[%dma_start3A, %dma_start3A_19, %dma_start3A_20] : memref<2x128x64xf32, #tpu.memory_space<vmem>> -> memref<1x128x64xf32, #tpu.memory_space<vmem>>
    %dma_start3A_22 = tpu.memref_squeeze %dma_start3A_21 : memref<1x128x64xf32, #tpu.memory_space<vmem>> -> memref<128x64xf32, #tpu.memory_space<vmem>>
    tpu.enqueue_dma source(%dma_start3A_22 : memref<128x64xf32, #tpu.memory_space<vmem>>) target(%dma_start3A_18 : memref<128x64xf32, #tpu.memory_space<vmem_shared>>) target_semaphore(%arg11 : memref<!tpu.dma_semaphore, #tpu.memory_space<semaphore_mem>>)
    %mul3A_23 = arith.constant 640 : i32
    %mul3A_24 = arith.muli %arg1, %mul3A_23 : i32
    %add3A_25 = arith.constant 128 : i32
    %add3A_26 = arith.addi %mul3A_24, %add3A_25 : i32
    %dma_start3A_27 = arith.constant 0 : i32
    %dma_start3A_28 = arith.constant 0 : i32
    %dma_start3A_29 = arith.constant 0 : i32
    %dma_start3A_30 = tpu.memref_slice %arg9[%dma_start3A_27, %dma_start3A_28, %dma_start3A_29] : memref<2x128x64xf32, #tpu.memory_space<vmem>> -> memref<1x128x64xf32, #tpu.memory_space<vmem>>
    %dma_start3A_31 = tpu.memref_squeeze %dma_start3A_30 : memref<1x128x64xf32, #tpu.memory_space<vmem>> -> memref<128x64xf32, #tpu.memory_space<vmem>>
    %dma_start3A_32 = arith.constant 0 : i32
    %dma_start3A_33 = tpu.memref_slice %arg10[%add3A_26, %dma_start3A_32] : memref<10240x64xf32, #tpu.memory_space<vmem_shared>> -> memref<128x64xf32, #tpu.memory_space<vmem_shared>>
    %dma_start3A_34 = arith.constant 0 : i32
    %dma_start3A_35 = tpu.memref_slice %arg10[%add3A_26, %dma_start3A_34] : memref<10240x64xf32, #tpu.memory_space<vmem_shared>> -> memref<128x64xf32, #tpu.memory_space<vmem_shared>>
    %dma_start3A_36 = arith.constant 0 : i32
    %dma_start3A_37 = arith.constant 0 : i32
    %dma_start3A_38 = tpu.memref_slice %arg9[%dma_start3A_27, %dma_start3A_36, %dma_start3A_37] : memref<2x128x64xf32, #tpu.memory_space<vmem>> -> memref<1x128x64xf32, #tpu.memory_space<vmem>>
    %dma_start3A_39 = tpu.memref_squeeze %dma_start3A_38 : memref<1x128x64xf32, #tpu.memory_space<vmem>> -> memref<128x64xf32, #tpu.memory_space<vmem>>
    tpu.enqueue_dma source(%dma_start3A_39 : memref<128x64xf32, #tpu.memory_space<vmem>>) target(%dma_start3A_35 : memref<128x64xf32, #tpu.memory_space<vmem_shared>>) target_semaphore(%arg11 : memref<!tpu.dma_semaphore, #tpu.memory_space<semaphore_mem>>)
    %mul3A_40 = arith.constant 640 : i32
    %mul3A_41 = arith.muli %arg1, %mul3A_40 : i32
    %add3A_42 = arith.constant 256 : i32
    %add3A_43 = arith.addi %mul3A_41, %add3A_42 : i32
    %dma_start3A_44 = arith.constant 0 : i32
    %dma_start3A_45 = arith.constant 0 : i32
    %dma_start3A_46 = arith.constant 0 : i32
    %dma_start3A_47 = tpu.memref_slice %arg9[%dma_start3A_44, %dma_start3A_45, %dma_start3A_46] : memref<2x128x64xf32, #tpu.memory_space<vmem>> -> memref<1x128x64xf32, #tpu.memory_space<vmem>>
    %dma_start3A_48 = tpu.memref_squeeze %dma_start3A_47 : memref<1x128x64xf32, #tpu.memory_space<vmem>> -> memref<128x64xf32, #tpu.memory_space<vmem>>
    %dma_start3A_49 = arith.constant 0 : i32
    %dma_start3A_50 = tpu.memref_slice %arg10[%add3A_43, %dma_start3A_49] : memref<10240x64xf32, #tpu.memory_space<vmem_shared>> -> memref<128x64xf32, #tpu.memory_space<vmem_shared>>
    %dma_start3A_51 = arith.constant 0 : i32
    %dma_start3A_52 = tpu.memref_slice %arg10[%add3A_43, %dma_start3A_51] : memref<10240x64xf32, #tpu.memory_space<vmem_shared>> -> memref<128x64xf32, #tpu.memory_space<vmem_shared>>
    %dma_start3A_53 = arith.constant 0 : i32
    %dma_start3A_54 = arith.constant 0 : i32
    %dma_start3A_55 = tpu.memref_slice %arg9[%dma_start3A_44, %dma_start3A_53, %dma_start3A_54] : memref<2x128x64xf32, #tpu.memory_space<vmem>> -> memref<1x128x64xf32, #tpu.memory_space<vmem>>
    %dma_start3A_56 = tpu.memref_squeeze %dma_start3A_55 : memref<1x128x64xf32, #tpu.memory_space<vmem>> -> memref<128x64xf32, #tpu.memory_space<vmem>>
    tpu.enqueue_dma source(%dma_start3A_56 : memref<128x64xf32, #tpu.memory_space<vmem>>) target(%dma_start3A_52 : memref<128x64xf32, #tpu.memory_space<vmem_shared>>) target_semaphore(%arg11 : memref<!tpu.dma_semaphore, #tpu.memory_space<semaphore_mem>>)
    %mul3A_57 = arith.constant 640 : i32
    %mul3A_58 = arith.muli %arg1, %mul3A_57 : i32
    %add3A_59 = arith.constant 384 : i32
    %add3A_60 = arith.addi %mul3A_58, %add3A_59 : i32
    %dma_start3A_61 = arith.constant 0 : i32
    %dma_start3A_62 = arith.constant 0 : i32
    %dma_start3A_63 = arith.constant 0 : i32
    %dma_start3A_64 = tpu.memref_slice %arg9[%dma_start3A_61, %dma_start3A_62, %dma_start3A_63] : memref<2x128x64xf32, #tpu.memory_space<vmem>> -> memref<1x128x64xf32, #tpu.memory_space<vmem>>
    %dma_start3A_65 = tpu.memref_squeeze %dma_start3A_64 : memref<1x128x64xf32, #tpu.memory_space<vmem>> -> memref<128x64xf32, #tpu.memory_space<vmem>>
    %dma_start3A_66 = arith.constant 0 : i32
    %dma_start3A_67 = tpu.memref_slice %arg10[%add3A_60, %dma_start3A_66] : memref<10240x64xf32, #tpu.memory_space<vmem_shared>> -> memref<128x64xf32, #tpu.memory_space<vmem_shared>>
    %dma_start3A_68 = arith.constant 0 : i32
    %dma_start3A_69 = tpu.memref_slice %arg10[%add3A_60, %dma_start3A_68] : memref<10240x64xf32, #tpu.memory_space<vmem_shared>> -> memref<128x64xf32, #tpu.memory_space<vmem_shared>>
    %dma_start3A_70 = arith.constant 0 : i32
    %dma_start3A_71 = arith.constant 0 : i32
    %dma_start3A_72 = tpu.memref_slice %arg9[%dma_start3A_61, %dma_start3A_70, %dma_start3A_71] : memref<2x128x64xf32, #tpu.memory_space<vmem>> -> memref<1x128x64xf32, #tpu.memory_space<vmem>>
    %dma_start3A_73 = tpu.memref_squeeze %dma_start3A_72 : memref<1x128x64xf32, #tpu.memory_space<vmem>> -> memref<128x64xf32, #tpu.memory_space<vmem>>
    tpu.enqueue_dma source(%dma_start3A_73 : memref<128x64xf32, #tpu.memory_space<vmem>>) target(%dma_start3A_69 : memref<128x64xf32, #tpu.memory_space<vmem_shared>>) target_semaphore(%arg11 : memref<!tpu.dma_semaphore, #tpu.memory_space<semaphore_mem>>)
    %mul3A_74 = arith.constant 640 : i32
    %mul3A_75 = arith.muli %arg1, %mul3A_74 : i32
    %add3A_76 = arith.constant 512 : i32
    %add3A_77 = arith.addi %mul3A_75, %add3A_76 : i32
    %dma_start3A_78 = arith.constant 0 : i32
    %dma_start3A_79 = arith.constant 0 : i32
    %dma_start3A_80 = arith.constant 0 : i32
    %dma_start3A_81 = tpu.memref_slice %arg9[%dma_start3A_78, %dma_start3A_79, %dma_start3A_80] : memref<2x128x64xf32, #tpu.memory_space<vmem>> -> memref<1x128x64xf32, #tpu.memory_space<vmem>>
    %dma_start3A_82 = tpu.memref_squeeze %dma_start3A_81 : memref<1x128x64xf32, #tpu.memory_space<vmem>> -> memref<128x64xf32, #tpu.memory_space<vmem>>
    %dma_start3A_83 = arith.constant 0 : i32
    %dma_start3A_84 = tpu.memref_slice %arg10[%add3A_77, %dma_start3A_83] : memref<10240x64xf32, #tpu.memory_space<vmem_shared>> -> memref<128x64xf32, #tpu.memory_space<vmem_shared>>
    %dma_start3A_85 = arith.constant 0 : i32
    %dma_start3A_86 = tpu.memref_slice %arg10[%add3A_77, %dma_start3A_85] : memref<10240x64xf32, #tpu.memory_space<vmem_shared>> -> memref<128x64xf32, #tpu.memory_space<vmem_shared>>
    %dma_start3A_87 = arith.constant 0 : i32
    %dma_start3A_88 = arith.constant 0 : i32
    %dma_start3A_89 = tpu.memref_slice %arg9[%dma_start3A_78, %dma_start3A_87, %dma_start3A_88] : memref<2x128x64xf32, #tpu.memory_space<vmem>> -> memref<1x128x64xf32, #tpu.memory_space<vmem>>
    %dma_start3A_90 = tpu.memref_squeeze %dma_start3A_89 : memref<1x128x64xf32, #tpu.memory_space<vmem>> -> memref<128x64xf32, #tpu.memory_space<vmem>>
    tpu.enqueue_dma source(%dma_start3A_90 : memref<128x64xf32, #tpu.memory_space<vmem>>) target(%dma_start3A_86 : memref<128x64xf32, #tpu.memory_space<vmem_shared>>) target_semaphore(%arg11 : memref<!tpu.dma_semaphore, #tpu.memory_space<semaphore_mem>>)
    %mul3A_91 = arith.constant 640 : i32
    %mul3A_92 = arith.muli %arg1, %mul3A_91 : i32
    %dma_wait3A = arith.constant 0 : i32
    %dma_wait3A_93 = arith.constant 0 : i32
    %dma_wait3A_94 = arith.constant 0 : i32
    %dma_wait3A_95 = tpu.memref_slice %arg9[%dma_wait3A, %dma_wait3A_93, %dma_wait3A_94] : memref<2x128x64xf32, #tpu.memory_space<vmem>> -> memref<1x128x64xf32, #tpu.memory_space<vmem>>
    %dma_wait3A_96 = tpu.memref_squeeze %dma_wait3A_95 : memref<1x128x64xf32, #tpu.memory_space<vmem>> -> memref<128x64xf32, #tpu.memory_space<vmem>>
    %dma_wait3A_97 = arith.constant 0 : i32
    %dma_wait3A_98 = tpu.memref_slice %arg10[%mul3A_92, %dma_wait3A_97] : memref<10240x64xf32, #tpu.memory_space<vmem_shared>> -> memref<128x64xf32, #tpu.memory_space<vmem_shared>>
    %dma_wait3A_99 = arith.constant 0 : i32
    %dma_wait3A_100 = tpu.memref_slice %arg10[%mul3A_92, %dma_wait3A_99] : memref<10240x64xf32, #tpu.memory_space<vmem_shared>> -> memref<128x64xf32, #tpu.memory_space<vmem_shared>>
    %dma_wait3A_101 = arith.constant 0 : i32
    %dma_wait3A_102 = arith.constant 0 : i32
    %dma_wait3A_103 = tpu.memref_slice %arg9[%dma_wait3A, %dma_wait3A_101, %dma_wait3A_102] : memref<2x128x64xf32, #tpu.memory_space<vmem>> -> memref<1x128x64xf32, #tpu.memory_space<vmem>>
    %dma_wait3A_104 = tpu.memref_squeeze %dma_wait3A_103 : memref<1x128x64xf32, #tpu.memory_space<vmem>> -> memref<128x64xf32, #tpu.memory_space<vmem>>
    tpu.wait_dma2 semaphore(%arg11 : memref<!tpu.dma_semaphore, #tpu.memory_space<semaphore_mem>>) src(%dma_wait3A_104 : memref<128x64xf32, #tpu.memory_space<vmem>>) dst(%dma_wait3A_100 : memref<128x64xf32, #tpu.memory_space<vmem_shared>>)
    %mul3A_105 = arith.constant 640 : i32
    %mul3A_106 = arith.muli %arg1, %mul3A_105 : i32
    %dma_wait3A_107 = arith.constant 0 : i32
    %dma_wait3A_108 = arith.constant 0 : i32
    %dma_wait3A_109 = arith.constant 0 : i32
    %dma_wait3A_110 = tpu.memref_slice %arg9[%dma_wait3A_107, %dma_wait3A_108, %dma_wait3A_109] : memref<2x128x64xf32, #tpu.memory_space<vmem>> -> memref<1x128x64xf32, #tpu.memory_space<vmem>>
    %dma_wait3A_111 = tpu.memref_squeeze %dma_wait3A_110 : memref<1x128x64xf32, #tpu.memory_space<vmem>> -> memref<128x64xf32, #tpu.memory_space<vmem>>
    %dma_wait3A_112 = arith.constant 0 : i32
    %dma_wait3A_113 = tpu.memref_slice %arg10[%mul3A_106, %dma_wait3A_112] : memref<10240x64xf32, #tpu.memory_space<vmem_shared>> -> memref<128x64xf32, #tpu.memory_space<vmem_shared>>
    %dma_wait3A_114 = arith.constant 0 : i32
    %dma_wait3A_115 = tpu.memref_slice %arg10[%mul3A_106, %dma_wait3A_114] : memref<10240x64xf32, #tpu.memory_space<vmem_shared>> -> memref<128x64xf32, #tpu.memory_space<vmem_shared>>
    %dma_wait3A_116 = arith.constant 0 : i32
    %dma_wait3A_117 = arith.constant 0 : i32
    %dma_wait3A_118 = tpu.memref_slice %arg9[%dma_wait3A_107, %dma_wait3A_116, %dma_wait3A_117] : memref<2x128x64xf32, #tpu.memory_space<vmem>> -> memref<1x128x64xf32, #tpu.memory_space<vmem>>
    %dma_wait3A_119 = tpu.memref_squeeze %dma_wait3A_118 : memref<1x128x64xf32, #tpu.memory_space<vmem>> -> memref<128x64xf32, #tpu.memory_space<vmem>>
    tpu.wait_dma2 semaphore(%arg11 : memref<!tpu.dma_semaphore, #tpu.memory_space<semaphore_mem>>) src(%dma_wait3A_119 : memref<128x64xf32, #tpu.memory_space<vmem>>) dst(%dma_wait3A_115 : memref<128x64xf32, #tpu.memory_space<vmem_shared>>)
    %mul3A_120 = arith.constant 640 : i32
    %mul3A_121 = arith.muli %arg1, %mul3A_120 : i32
    %dma_wait3A_122 = arith.constant 0 : i32
    %dma_wait3A_123 = arith.constant 0 : i32
    %dma_wait3A_124 = arith.constant 0 : i32
    %dma_wait3A_125 = tpu.memref_slice %arg9[%dma_wait3A_122, %dma_wait3A_123, %dma_wait3A_124] : memref<2x128x64xf32, #tpu.memory_space<vmem>> -> memref<1x128x64xf32, #tpu.memory_space<vmem>>
    %dma_wait3A_126 = tpu.memref_squeeze %dma_wait3A_125 : memref<1x128x64xf32, #tpu.memory_space<vmem>> -> memref<128x64xf32, #tpu.memory_space<vmem>>
    %dma_wait3A_127 = arith.constant 0 : i32
    %dma_wait3A_128 = tpu.memref_slice %arg10[%mul3A_121, %dma_wait3A_127] : memref<10240x64xf32, #tpu.memory_space<vmem_shared>> -> memref<128x64xf32, #tpu.memory_space<vmem_shared>>
    %dma_wait3A_129 = arith.constant 0 : i32
    %dma_wait3A_130 = tpu.memref_slice %arg10[%mul3A_121, %dma_wait3A_129] : memref<10240x64xf32, #tpu.memory_space<vmem_shared>> -> memref<128x64xf32, #tpu.memory_space<vmem_shared>>
    %dma_wait3A_131 = arith.constant 0 : i32
    %dma_wait3A_132 = arith.constant 0 : i32
    %dma_wait3A_133 = tpu.memref_slice %arg9[%dma_wait3A_122, %dma_wait3A_131, %dma_wait3A_132] : memref<2x128x64xf32, #tpu.memory_space<vmem>> -> memref<1x128x64xf32, #tpu.memory_space<vmem>>
    %dma_wait3A_134 = tpu.memref_squeeze %dma_wait3A_133 : memref<1x128x64xf32, #tpu.memory_space<vmem>> -> memref<128x64xf32, #tpu.memory_space<vmem>>
    tpu.wait_dma2 semaphore(%arg11 : memref<!tpu.dma_semaphore, #tpu.memory_space<semaphore_mem>>) src(%dma_wait3A_134 : memref<128x64xf32, #tpu.memory_space<vmem>>) dst(%dma_wait3A_130 : memref<128x64xf32, #tpu.memory_space<vmem_shared>>)
    %mul3A_135 = arith.constant 640 : i32
    %mul3A_136 = arith.muli %arg1, %mul3A_135 : i32
    %dma_wait3A_137 = arith.constant 0 : i32
    %dma_wait3A_138 = arith.constant 0 : i32
    %dma_wait3A_139 = arith.constant 0 : i32
    %dma_wait3A_140 = tpu.memref_slice %arg9[%dma_wait3A_137, %dma_wait3A_138, %dma_wait3A_139] : memref<2x128x64xf32, #tpu.memory_space<vmem>> -> memref<1x128x64xf32, #tpu.memory_space<vmem>>
    %dma_wait3A_141 = tpu.memref_squeeze %dma_wait3A_140 : memref<1x128x64xf32, #tpu.memory_space<vmem>> -> memref<128x64xf32, #tpu.memory_space<vmem>>
    %dma_wait3A_142 = arith.constant 0 : i32
    %dma_wait3A_143 = tpu.memref_slice %arg10[%mul3A_136, %dma_wait3A_142] : memref<10240x64xf32, #tpu.memory_space<vmem_shared>> -> memref<128x64xf32, #tpu.memory_space<vmem_shared>>
    %dma_wait3A_144 = arith.constant 0 : i32
    %dma_wait3A_145 = tpu.memref_slice %arg10[%mul3A_136, %dma_wait3A_144] : memref<10240x64xf32, #tpu.memory_space<vmem_shared>> -> memref<128x64xf32, #tpu.memory_space<vmem_shared>>
    %dma_wait3A_146 = arith.constant 0 : i32
    %dma_wait3A_147 = arith.constant 0 : i32
    %dma_wait3A_148 = tpu.memref_slice %arg9[%dma_wait3A_137, %dma_wait3A_146, %dma_wait3A_147] : memref<2x128x64xf32, #tpu.memory_space<vmem>> -> memref<1x128x64xf32, #tpu.memory_space<vmem>>
    %dma_wait3A_149 = tpu.memref_squeeze %dma_wait3A_148 : memref<1x128x64xf32, #tpu.memory_space<vmem>> -> memref<128x64xf32, #tpu.memory_space<vmem>>
    tpu.wait_dma2 semaphore(%arg11 : memref<!tpu.dma_semaphore, #tpu.memory_space<semaphore_mem>>) src(%dma_wait3A_149 : memref<128x64xf32, #tpu.memory_space<vmem>>) dst(%dma_wait3A_145 : memref<128x64xf32, #tpu.memory_space<vmem_shared>>)
    %mul3A_150 = arith.constant 640 : i32
    %mul3A_151 = arith.muli %arg1, %mul3A_150 : i32
    %dma_wait3A_152 = arith.constant 0 : i32
    %dma_wait3A_153 = arith.constant 0 : i32
    %dma_wait3A_154 = arith.constant 0 : i32
    %dma_wait3A_155 = tpu.memref_slice %arg9[%dma_wait3A_152, %dma_wait3A_153, %dma_wait3A_154] : memref<2x128x64xf32, #tpu.memory_space<vmem>> -> memref<1x128x64xf32, #tpu.memory_space<vmem>>
    %dma_wait3A_156 = tpu.memref_squeeze %dma_wait3A_155 : memref<1x128x64xf32, #tpu.memory_space<vmem>> -> memref<128x64xf32, #tpu.memory_space<vmem>>
    %dma_wait3A_157 = arith.constant 0 : i32
    %dma_wait3A_158 = tpu.memref_slice %arg10[%mul3A_151, %dma_wait3A_157] : memref<10240x64xf32, #tpu.memory_space<vmem_shared>> -> memref<128x64xf32, #tpu.memory_space<vmem_shared>>
    %dma_wait3A_159 = arith.constant 0 : i32
    %dma_wait3A_160 = tpu.memref_slice %arg10[%mul3A_151, %dma_wait3A_159] : memref<10240x64xf32, #tpu.memory_space<vmem_shared>> -> memref<128x64xf32, #tpu.memory_space<vmem_shared>>
    %dma_wait3A_161 = arith.constant 0 : i32
    %dma_wait3A_162 = arith.constant 0 : i32
    %dma_wait3A_163 = tpu.memref_slice %arg9[%dma_wait3A_152, %dma_wait3A_161, %dma_wait3A_162] : memref<2x128x64xf32, #tpu.memory_space<vmem>> -> memref<1x128x64xf32, #tpu.memory_space<vmem>>
    %dma_wait3A_164 = tpu.memref_squeeze %dma_wait3A_163 : memref<1x128x64xf32, #tpu.memory_space<vmem>> -> memref<128x64xf32, #tpu.memory_space<vmem>>
    tpu.wait_dma2 semaphore(%arg11 : memref<!tpu.dma_semaphore, #tpu.memory_space<semaphore_mem>>) src(%dma_wait3A_164 : memref<128x64xf32, #tpu.memory_space<vmem>>) dst(%dma_wait3A_160 : memref<128x64xf32, #tpu.memory_space<vmem_shared>>)
    %barrier3A = arith.constant 0 : index
    tpu.barrier barrier_id(%barrier3A)
    %dma_start3A_165 = arith.constant 0 : i32
    %dma_start3A_166 = arith.constant 0 : i32
    %dma_start3A_167 = arith.constant 0 : i32
    %dma_start3A_168 = arith.constant 0 : i32
    %dma_start3A_169 = tpu.memref_slice %arg8[%dma_start3A_166, %dma_start3A_167, %dma_start3A_168] : memref<4x125x64xf32, #tpu.memory_space<vmem>> -> memref<1x125x64xf32, #tpu.memory_space<vmem>>
    %dma_start3A_170 = tpu.memref_squeeze %dma_start3A_169 : memref<1x125x64xf32, #tpu.memory_space<vmem>> -> memref<125x64xf32, #tpu.memory_space<vmem>>
    %dma_start3A_171 = arith.constant 0 : i32
    %dma_start3A_172 = tpu.memref_slice %arg6[%dma_start3A_165, %dma_start3A_171] : memref<80x125xi32, #tpu.memory_space<vmem>> -> memref<1x125xi32, #tpu.memory_space<vmem>>
    %dma_start3A_173 = tpu.memref_squeeze %dma_start3A_172 : memref<1x125xi32, #tpu.memory_space<vmem>> -> memref<125xi32, #tpu.memory_space<vmem>>
    %dma_start3A_174 = arith.constant 0 : i32
    %dma_start3A_175 = arith.constant 0 : i32
    %dma_start3A_176 = tpu.memref_slice %arg2[%dma_start3A_174, %dma_start3A_175] : memref<10240x64xf32, #tpu.memory_space<hbm>> -> memref<10240x64xf32, #tpu.memory_space<hbm>>
    tpu.enqueue_indirect_dma source(%dma_start3A_176 : memref<10240x64xf32, #tpu.memory_space<hbm>>) target(%dma_start3A_170 : memref<125x64xf32, #tpu.memory_space<vmem>>) offsets(%dma_start3A_173 : memref<125xi32, #tpu.memory_space<vmem>>) semaphore(%arg11 : memref<!tpu.dma_semaphore, #tpu.memory_space<semaphore_mem>>)
    %dma_start3A_177 = arith.constant 1 : i32
    %dma_start3A_178 = arith.constant 1 : i32
    %dma_start3A_179 = arith.constant 0 : i32
    %dma_start3A_180 = arith.constant 0 : i32
    %dma_start3A_181 = tpu.memref_slice %arg8[%dma_start3A_178, %dma_start3A_179, %dma_start3A_180] : memref<4x125x64xf32, #tpu.memory_space<vmem>> -> memref<1x125x64xf32, #tpu.memory_space<vmem>>
    %dma_start3A_182 = tpu.memref_squeeze %dma_start3A_181 : memref<1x125x64xf32, #tpu.memory_space<vmem>> -> memref<125x64xf32, #tpu.memory_space<vmem>>
    %dma_start3A_183 = arith.constant 0 : i32
    %dma_start3A_184 = tpu.memref_slice %arg6[%dma_start3A_177, %dma_start3A_183] : memref<80x125xi32, #tpu.memory_space<vmem>> -> memref<1x125xi32, #tpu.memory_space<vmem>>
    %dma_start3A_185 = tpu.memref_squeeze %dma_start3A_184 : memref<1x125xi32, #tpu.memory_space<vmem>> -> memref<125xi32, #tpu.memory_space<vmem>>
    %dma_start3A_186 = arith.constant 0 : i32
    %dma_start3A_187 = arith.constant 0 : i32
    %dma_start3A_188 = tpu.memref_slice %arg2[%dma_start3A_186, %dma_start3A_187] : memref<10240x64xf32, #tpu.memory_space<hbm>> -> memref<10240x64xf32, #tpu.memory_space<hbm>>
    tpu.enqueue_indirect_dma source(%dma_start3A_188 : memref<10240x64xf32, #tpu.memory_space<hbm>>) target(%dma_start3A_182 : memref<125x64xf32, #tpu.memory_space<vmem>>) offsets(%dma_start3A_185 : memref<125xi32, #tpu.memory_space<vmem>>) semaphore(%arg11 : memref<!tpu.dma_semaphore, #tpu.memory_space<semaphore_mem>>)
    %dma_start3A_189 = arith.constant 2 : i32
    %dma_start3A_190 = arith.constant 2 : i32
    %dma_start3A_191 = arith.constant 0 : i32
    %dma_start3A_192 = arith.constant 0 : i32
    %dma_start3A_193 = tpu.memref_slice %arg8[%dma_start3A_190, %dma_start3A_191, %dma_start3A_192] : memref<4x125x64xf32, #tpu.memory_space<vmem>> -> memref<1x125x64xf32, #tpu.memory_space<vmem>>
    %dma_start3A_194 = tpu.memref_squeeze %dma_start3A_193 : memref<1x125x64xf32, #tpu.memory_space<vmem>> -> memref<125x64xf32, #tpu.memory_space<vmem>>
    %dma_start3A_195 = arith.constant 0 : i32
    %dma_start3A_196 = tpu.memref_slice %arg6[%dma_start3A_189, %dma_start3A_195] : memref<80x125xi32, #tpu.memory_space<vmem>> -> memref<1x125xi32, #tpu.memory_space<vmem>>
    %dma_start3A_197 = tpu.memref_squeeze %dma_start3A_196 : memref<1x125xi32, #tpu.memory_space<vmem>> -> memref<125xi32, #tpu.memory_space<vmem>>
    %dma_start3A_198 = arith.constant 0 : i32
    %dma_start3A_199 = arith.constant 0 : i32
    %dma_start3A_200 = tpu.memref_slice %arg2[%dma_start3A_198, %dma_start3A_199] : memref<10240x64xf32, #tpu.memory_space<hbm>> -> memref<10240x64xf32, #tpu.memory_space<hbm>>
    tpu.enqueue_indirect_dma source(%dma_start3A_200 : memref<10240x64xf32, #tpu.memory_space<hbm>>) target(%dma_start3A_194 : memref<125x64xf32, #tpu.memory_space<vmem>>) offsets(%dma_start3A_197 : memref<125xi32, #tpu.memory_space<vmem>>) semaphore(%arg11 : memref<!tpu.dma_semaphore, #tpu.memory_space<semaphore_mem>>)
    %dma_start3A_201 = arith.constant 3 : i32
    %dma_start3A_202 = arith.constant 3 : i32
    %dma_start3A_203 = arith.constant 0 : i32
    %dma_start3A_204 = arith.constant 0 : i32
    %dma_start3A_205 = tpu.memref_slice %arg8[%dma_start3A_202, %dma_start3A_203, %dma_start3A_204] : memref<4x125x64xf32, #tpu.memory_space<vmem>> -> memref<1x125x64xf32, #tpu.memory_space<vmem>>
    %dma_start3A_206 = tpu.memref_squeeze %dma_start3A_205 : memref<1x125x64xf32, #tpu.memory_space<vmem>> -> memref<125x64xf32, #tpu.memory_space<vmem>>
    %dma_start3A_207 = arith.constant 0 : i32
    %dma_start3A_208 = tpu.memref_slice %arg6[%dma_start3A_201, %dma_start3A_207] : memref<80x125xi32, #tpu.memory_space<vmem>> -> memref<1x125xi32, #tpu.memory_space<vmem>>
    %dma_start3A_209 = tpu.memref_squeeze %dma_start3A_208 : memref<1x125xi32, #tpu.memory_space<vmem>> -> memref<125xi32, #tpu.memory_space<vmem>>
    %dma_start3A_210 = arith.constant 0 : i32
    %dma_start3A_211 = arith.constant 0 : i32
    %dma_start3A_212 = tpu.memref_slice %arg2[%dma_start3A_210, %dma_start3A_211] : memref<10240x64xf32, #tpu.memory_space<hbm>> -> memref<10240x64xf32, #tpu.memory_space<hbm>>
    tpu.enqueue_indirect_dma source(%dma_start3A_212 : memref<10240x64xf32, #tpu.memory_space<hbm>>) target(%dma_start3A_206 : memref<125x64xf32, #tpu.memory_space<vmem>>) offsets(%dma_start3A_209 : memref<125xi32, #tpu.memory_space<vmem>>) semaphore(%arg11 : memref<!tpu.dma_semaphore, #tpu.memory_space<semaphore_mem>>)
    %scan3A = arith.constant 0 : i32
    %scan3A_213 = arith.constant 0 : i32
    %scan3A_214 = arith.constant 20 : i32
    %scan3A_215 = arith.addi %scan3A_213, %scan3A_214 : i32
    %scan3A_216 = arith.constant 1 : i32
    scf.for %scan3A_419 = %scan3A_213 to %scan3A_215 step %scan3A_216  : i32 {
      %mul3A_420 = arith.constant 4 : i32
      %mul3A_421 = arith.muli %scan3A_419, %mul3A_420 : i32
      %add3A_422 = arith.constant 0 : i32
      %add3A_423 = arith.addi %mul3A_421, %add3A_422 : i32
      %dma_wait3A_424 = arith.constant 0 : i32
      %dma_wait3A_425 = arith.constant 0 : i32
      %dma_wait3A_426 = arith.constant 0 : i32
      %dma_wait3A_427 = arith.constant 0 : i32
      %dma_wait3A_428 = tpu.memref_slice %arg8[%dma_wait3A_425, %dma_wait3A_426, %dma_wait3A_427] : memref<4x125x64xf32, #tpu.memory_space<vmem>> -> memref<1x125x64xf32, #tpu.memory_space<vmem>>
      %dma_wait3A_429 = tpu.memref_squeeze %dma_wait3A_428 : memref<1x125x64xf32, #tpu.memory_space<vmem>> -> memref<125x64xf32, #tpu.memory_space<vmem>>
      %dma_wait3A_430 = arith.constant 0 : i32
      %dma_wait3A_431 = tpu.memref_slice %arg6[%dma_wait3A_424, %dma_wait3A_430] : memref<80x125xi32, #tpu.memory_space<vmem>> -> memref<1x125xi32, #tpu.memory_space<vmem>>
      %dma_wait3A_432 = tpu.memref_squeeze %dma_wait3A_431 : memref<1x125xi32, #tpu.memory_space<vmem>> -> memref<125xi32, #tpu.memory_space<vmem>>
      %dma_wait3A_433 = arith.constant 0 : i32
      %dma_wait3A_434 = arith.constant 0 : i32
      %dma_wait3A_435 = tpu.memref_slice %arg2[%dma_wait3A_433, %dma_wait3A_434] : memref<10240x64xf32, #tpu.memory_space<hbm>> -> memref<10240x64xf32, #tpu.memory_space<hbm>>
      tpu.wait_indirect_dma semaphore(%arg11 : memref<!tpu.dma_semaphore, #tpu.memory_space<semaphore_mem>>) src(%dma_wait3A_435 : memref<10240x64xf32, #tpu.memory_space<hbm>>) dst(%dma_wait3A_429 : memref<125x64xf32, #tpu.memory_space<vmem>>)
      %run_scoped3A_436 = arith.constant 0 : i32
      "tpu.region"() ({
        %run_scoped3A_505 = tpu.sem_alloc : memref<!tpu.dma_semaphore, #tpu.memory_space<semaphore_mem>>
        %dma_start3A_506 = arith.constant 0 : i32
        %dma_start3A_507 = arith.constant 0 : i32
        %dma_start3A_508 = tpu.memref_slice %arg8[%run_scoped3A_436, %dma_start3A_506, %dma_start3A_507] : memref<4x125x64xf32, #tpu.memory_space<vmem>> -> memref<1x125x64xf32, #tpu.memory_space<vmem>>
        %dma_start3A_509 = tpu.memref_squeeze %dma_start3A_508 : memref<1x125x64xf32, #tpu.memory_space<vmem>> -> memref<125x64xf32, #tpu.memory_space<vmem>>
        %dma_start3A_510 = arith.constant 0 : i32
        %dma_start3A_511 = tpu.memref_slice %arg7[%add3A_423, %dma_start3A_510] : memref<80x125xi32, #tpu.memory_space<vmem>> -> memref<1x125xi32, #tpu.memory_space<vmem>>
        %dma_start3A_512 = tpu.memref_squeeze %dma_start3A_511 : memref<1x125xi32, #tpu.memory_space<vmem>> -> memref<125xi32, #tpu.memory_space<vmem>>
        %dma_start3A_513 = arith.constant 0 : i32
        %dma_start3A_514 = arith.constant 0 : i32
        %dma_start3A_515 = tpu.memref_slice %arg10[%dma_start3A_513, %dma_start3A_514] : memref<10240x64xf32, #tpu.memory_space<vmem_shared>> -> memref<10240x64xf32, #tpu.memory_space<vmem_shared>>
        tpu.enqueue_indirect_dma source(%dma_start3A_509 : memref<125x64xf32, #tpu.memory_space<vmem>>) target(%dma_start3A_515 : memref<10240x64xf32, #tpu.memory_space<vmem_shared>>) offsets(%dma_start3A_512 : memref<125xi32, #tpu.memory_space<vmem>>) semaphore(%run_scoped3A_505 : memref<!tpu.dma_semaphore, #tpu.memory_space<semaphore_mem>>) {add = true}
        %dma_wait3A_516 = arith.constant 0 : i32
        %dma_wait3A_517 = arith.constant 0 : i32
        %dma_wait3A_518 = tpu.memref_slice %arg8[%run_scoped3A_436, %dma_wait3A_516, %dma_wait3A_517] : memref<4x125x64xf32, #tpu.memory_space<vmem>> -> memref<1x125x64xf32, #tpu.memory_space<vmem>>
        %dma_wait3A_519 = tpu.memref_squeeze %dma_wait3A_518 : memref<1x125x64xf32, #tpu.memory_space<vmem>> -> memref<125x64xf32, #tpu.memory_space<vmem>>
        %dma_wait3A_520 = arith.constant 0 : i32
        %dma_wait3A_521 = tpu.memref_slice %arg7[%add3A_423, %dma_wait3A_520] : memref<80x125xi32, #tpu.memory_space<vmem>> -> memref<1x125xi32, #tpu.memory_space<vmem>>
        %dma_wait3A_522 = tpu.memref_squeeze %dma_wait3A_521 : memref<1x125xi32, #tpu.memory_space<vmem>> -> memref<125xi32, #tpu.memory_space<vmem>>
        %dma_wait3A_523 = arith.constant 0 : i32
        %dma_wait3A_524 = arith.constant 0 : i32
        %dma_wait3A_525 = tpu.memref_slice %arg10[%dma_wait3A_523, %dma_wait3A_524] : memref<10240x64xf32, #tpu.memory_space<vmem_shared>> -> memref<10240x64xf32, #tpu.memory_space<vmem_shared>>
        tpu.wait_indirect_dma semaphore(%run_scoped3A_505 : memref<!tpu.dma_semaphore, #tpu.memory_space<semaphore_mem>>) src(%dma_wait3A_519 : memref<125x64xf32, #tpu.memory_space<vmem>>) dst(%dma_wait3A_525 : memref<10240x64xf32, #tpu.memory_space<vmem_shared>>)
        tpu.yield
      }) : () -> ()
      %lt3A = arith.constant 19 : i32
      %lt3A_437 = arith.cmpi slt, %scan3A_419, %lt3A : i32
      %convert_element_type3A = arith.extui %lt3A_437 : i1 to i32
      %cond3A = arith.constant 0 : i32
      %cond3A_438 = arith.cmpi ne, %convert_element_type3A, %cond3A : i32
      scf.if %cond3A_438 {
        %add3A_505 = arith.constant 4 : i32
        %add3A_506 = arith.addi %add3A_423, %add3A_505 : i32
        %dma_start3A_507 = arith.constant 0 : i32
        %dma_start3A_508 = arith.constant 0 : i32
        %dma_start3A_509 = arith.constant 0 : i32
        %dma_start3A_510 = tpu.memref_slice %arg8[%dma_start3A_507, %dma_start3A_508, %dma_start3A_509] : memref<4x125x64xf32, #tpu.memory_space<vmem>> -> memref<1x125x64xf32, #tpu.memory_space<vmem>>
        %dma_start3A_511 = tpu.memref_squeeze %dma_start3A_510 : memref<1x125x64xf32, #tpu.memory_space<vmem>> -> memref<125x64xf32, #tpu.memory_space<vmem>>
        %dma_start3A_512 = arith.constant 0 : i32
        %dma_start3A_513 = tpu.memref_slice %arg6[%add3A_506, %dma_start3A_512] : memref<80x125xi32, #tpu.memory_space<vmem>> -> memref<1x125xi32, #tpu.memory_space<vmem>>
        %dma_start3A_514 = tpu.memref_squeeze %dma_start3A_513 : memref<1x125xi32, #tpu.memory_space<vmem>> -> memref<125xi32, #tpu.memory_space<vmem>>
        %dma_start3A_515 = arith.constant 0 : i32
        %dma_start3A_516 = arith.constant 0 : i32
        %dma_start3A_517 = tpu.memref_slice %arg2[%dma_start3A_515, %dma_start3A_516] : memref<10240x64xf32, #tpu.memory_space<hbm>> -> memref<10240x64xf32, #tpu.memory_space<hbm>>
        tpu.enqueue_indirect_dma source(%dma_start3A_517 : memref<10240x64xf32, #tpu.memory_space<hbm>>) target(%dma_start3A_511 : memref<125x64xf32, #tpu.memory_space<vmem>>) offsets(%dma_start3A_514 : memref<125xi32, #tpu.memory_space<vmem>>) semaphore(%arg11 : memref<!tpu.dma_semaphore, #tpu.memory_space<semaphore_mem>>)
      } else {
      }
      %mul3A_439 = arith.constant 4 : i32
      %mul3A_440 = arith.muli %scan3A_419, %mul3A_439 : i32
      %add3A_441 = arith.constant 1 : i32
      %add3A_442 = arith.addi %mul3A_440, %add3A_441 : i32
      %dma_wait3A_443 = arith.constant 0 : i32
      %dma_wait3A_444 = arith.constant 1 : i32
      %dma_wait3A_445 = arith.constant 0 : i32
      %dma_wait3A_446 = arith.constant 0 : i32
      %dma_wait3A_447 = tpu.memref_slice %arg8[%dma_wait3A_444, %dma_wait3A_445, %dma_wait3A_446] : memref<4x125x64xf32, #tpu.memory_space<vmem>> -> memref<1x125x64xf32, #tpu.memory_space<vmem>>
      %dma_wait3A_448 = tpu.memref_squeeze %dma_wait3A_447 : memref<1x125x64xf32, #tpu.memory_space<vmem>> -> memref<125x64xf32, #tpu.memory_space<vmem>>
      %dma_wait3A_449 = arith.constant 0 : i32
      %dma_wait3A_450 = tpu.memref_slice %arg6[%dma_wait3A_443, %dma_wait3A_449] : memref<80x125xi32, #tpu.memory_space<vmem>> -> memref<1x125xi32, #tpu.memory_space<vmem>>
      %dma_wait3A_451 = tpu.memref_squeeze %dma_wait3A_450 : memref<1x125xi32, #tpu.memory_space<vmem>> -> memref<125xi32, #tpu.memory_space<vmem>>
      %dma_wait3A_452 = arith.constant 0 : i32
      %dma_wait3A_453 = arith.constant 0 : i32
      %dma_wait3A_454 = tpu.memref_slice %arg2[%dma_wait3A_452, %dma_wait3A_453] : memref<10240x64xf32, #tpu.memory_space<hbm>> -> memref<10240x64xf32, #tpu.memory_space<hbm>>
      tpu.wait_indirect_dma semaphore(%arg11 : memref<!tpu.dma_semaphore, #tpu.memory_space<semaphore_mem>>) src(%dma_wait3A_454 : memref<10240x64xf32, #tpu.memory_space<hbm>>) dst(%dma_wait3A_448 : memref<125x64xf32, #tpu.memory_space<vmem>>)
      %run_scoped3A_455 = arith.constant 1 : i32
      "tpu.region"() ({
        %run_scoped3A_505 = tpu.sem_alloc : memref<!tpu.dma_semaphore, #tpu.memory_space<semaphore_mem>>
        %dma_start3A_506 = arith.constant 0 : i32
        %dma_start3A_507 = arith.constant 0 : i32
        %dma_start3A_508 = tpu.memref_slice %arg8[%run_scoped3A_455, %dma_start3A_506, %dma_start3A_507] : memref<4x125x64xf32, #tpu.memory_space<vmem>> -> memref<1x125x64xf32, #tpu.memory_space<vmem>>
        %dma_start3A_509 = tpu.memref_squeeze %dma_start3A_508 : memref<1x125x64xf32, #tpu.memory_space<vmem>> -> memref<125x64xf32, #tpu.memory_space<vmem>>
        %dma_start3A_510 = arith.constant 0 : i32
        %dma_start3A_511 = tpu.memref_slice %arg7[%add3A_442, %dma_start3A_510] : memref<80x125xi32, #tpu.memory_space<vmem>> -> memref<1x125xi32, #tpu.memory_space<vmem>>
        %dma_start3A_512 = tpu.memref_squeeze %dma_start3A_511 : memref<1x125xi32, #tpu.memory_space<vmem>> -> memref<125xi32, #tpu.memory_space<vmem>>
        %dma_start3A_513 = arith.constant 0 : i32
        %dma_start3A_514 = arith.constant 0 : i32
        %dma_start3A_515 = tpu.memref_slice %arg10[%dma_start3A_513, %dma_start3A_514] : memref<10240x64xf32, #tpu.memory_space<vmem_shared>> -> memref<10240x64xf32, #tpu.memory_space<vmem_shared>>
        tpu.enqueue_indirect_dma source(%dma_start3A_509 : memref<125x64xf32, #tpu.memory_space<vmem>>) target(%dma_start3A_515 : memref<10240x64xf32, #tpu.memory_space<vmem_shared>>) offsets(%dma_start3A_512 : memref<125xi32, #tpu.memory_space<vmem>>) semaphore(%run_scoped3A_505 : memref<!tpu.dma_semaphore, #tpu.memory_space<semaphore_mem>>) {add = true}
        %dma_wait3A_516 = arith.constant 0 : i32
        %dma_wait3A_517 = arith.constant 0 : i32
        %dma_wait3A_518 = tpu.memref_slice %arg8[%run_scoped3A_455, %dma_wait3A_516, %dma_wait3A_517] : memref<4x125x64xf32, #tpu.memory_space<vmem>> -> memref<1x125x64xf32, #tpu.memory_space<vmem>>
        %dma_wait3A_519 = tpu.memref_squeeze %dma_wait3A_518 : memref<1x125x64xf32, #tpu.memory_space<vmem>> -> memref<125x64xf32, #tpu.memory_space<vmem>>
        %dma_wait3A_520 = arith.constant 0 : i32
        %dma_wait3A_521 = tpu.memref_slice %arg7[%add3A_442, %dma_wait3A_520] : memref<80x125xi32, #tpu.memory_space<vmem>> -> memref<1x125xi32, #tpu.memory_space<vmem>>
        %dma_wait3A_522 = tpu.memref_squeeze %dma_wait3A_521 : memref<1x125xi32, #tpu.memory_space<vmem>> -> memref<125xi32, #tpu.memory_space<vmem>>
        %dma_wait3A_523 = arith.constant 0 : i32
        %dma_wait3A_524 = arith.constant 0 : i32
        %dma_wait3A_525 = tpu.memref_slice %arg10[%dma_wait3A_523, %dma_wait3A_524] : memref<10240x64xf32, #tpu.memory_space<vmem_shared>> -> memref<10240x64xf32, #tpu.memory_space<vmem_shared>>
        tpu.wait_indirect_dma semaphore(%run_scoped3A_505 : memref<!tpu.dma_semaphore, #tpu.memory_space<semaphore_mem>>) src(%dma_wait3A_519 : memref<125x64xf32, #tpu.memory_space<vmem>>) dst(%dma_wait3A_525 : memref<10240x64xf32, #tpu.memory_space<vmem_shared>>)
        tpu.yield
      }) : () -> ()
      %lt3A_456 = arith.constant 19 : i32
      %lt3A_457 = arith.cmpi slt, %scan3A_419, %lt3A_456 : i32
      %convert_element_type3A_458 = arith.extui %lt3A_457 : i1 to i32
      %cond3A_459 = arith.constant 0 : i32
      %cond3A_460 = arith.cmpi ne, %convert_element_type3A_458, %cond3A_459 : i32
      scf.if %cond3A_460 {
        %add3A_505 = arith.constant 4 : i32
        %add3A_506 = arith.addi %add3A_442, %add3A_505 : i32
        %dma_start3A_507 = arith.constant 1 : i32
        %dma_start3A_508 = arith.constant 0 : i32
        %dma_start3A_509 = arith.constant 0 : i32
        %dma_start3A_510 = tpu.memref_slice %arg8[%dma_start3A_507, %dma_start3A_508, %dma_start3A_509] : memref<4x125x64xf32, #tpu.memory_space<vmem>> -> memref<1x125x64xf32, #tpu.memory_space<vmem>>
        %dma_start3A_511 = tpu.memref_squeeze %dma_start3A_510 : memref<1x125x64xf32, #tpu.memory_space<vmem>> -> memref<125x64xf32, #tpu.memory_space<vmem>>
        %dma_start3A_512 = arith.constant 0 : i32
        %dma_start3A_513 = tpu.memref_slice %arg6[%add3A_506, %dma_start3A_512] : memref<80x125xi32, #tpu.memory_space<vmem>> -> memref<1x125xi32, #tpu.memory_space<vmem>>
        %dma_start3A_514 = tpu.memref_squeeze %dma_start3A_513 : memref<1x125xi32, #tpu.memory_space<vmem>> -> memref<125xi32, #tpu.memory_space<vmem>>
        %dma_start3A_515 = arith.constant 0 : i32
        %dma_start3A_516 = arith.constant 0 : i32
        %dma_start3A_517 = tpu.memref_slice %arg2[%dma_start3A_515, %dma_start3A_516] : memref<10240x64xf32, #tpu.memory_space<hbm>> -> memref<10240x64xf32, #tpu.memory_space<hbm>>
        tpu.enqueue_indirect_dma source(%dma_start3A_517 : memref<10240x64xf32, #tpu.memory_space<hbm>>) target(%dma_start3A_511 : memref<125x64xf32, #tpu.memory_space<vmem>>) offsets(%dma_start3A_514 : memref<125xi32, #tpu.memory_space<vmem>>) semaphore(%arg11 : memref<!tpu.dma_semaphore, #tpu.memory_space<semaphore_mem>>)
      } else {
      }
      %mul3A_461 = arith.constant 4 : i32
      %mul3A_462 = arith.muli %scan3A_419, %mul3A_461 : i32
      %add3A_463 = arith.constant 2 : i32
      %add3A_464 = arith.addi %mul3A_462, %add3A_463 : i32
      %dma_wait3A_465 = arith.constant 0 : i32
      %dma_wait3A_466 = arith.constant 2 : i32
      %dma_wait3A_467 = arith.constant 0 : i32
      %dma_wait3A_468 = arith.constant 0 : i32
      %dma_wait3A_469 = tpu.memref_slice %arg8[%dma_wait3A_466, %dma_wait3A_467, %dma_wait3A_468] : memref<4x125x64xf32, #tpu.memory_space<vmem>> -> memref<1x125x64xf32, #tpu.memory_space<vmem>>
      %dma_wait3A_470 = tpu.memref_squeeze %dma_wait3A_469 : memref<1x125x64xf32, #tpu.memory_space<vmem>> -> memref<125x64xf32, #tpu.memory_space<vmem>>
      %dma_wait3A_471 = arith.constant 0 : i32
      %dma_wait3A_472 = tpu.memref_slice %arg6[%dma_wait3A_465, %dma_wait3A_471] : memref<80x125xi32, #tpu.memory_space<vmem>> -> memref<1x125xi32, #tpu.memory_space<vmem>>
      %dma_wait3A_473 = tpu.memref_squeeze %dma_wait3A_472 : memref<1x125xi32, #tpu.memory_space<vmem>> -> memref<125xi32, #tpu.memory_space<vmem>>
      %dma_wait3A_474 = arith.constant 0 : i32
      %dma_wait3A_475 = arith.constant 0 : i32
      %dma_wait3A_476 = tpu.memref_slice %arg2[%dma_wait3A_474, %dma_wait3A_475] : memref<10240x64xf32, #tpu.memory_space<hbm>> -> memref<10240x64xf32, #tpu.memory_space<hbm>>
      tpu.wait_indirect_dma semaphore(%arg11 : memref<!tpu.dma_semaphore, #tpu.memory_space<semaphore_mem>>) src(%dma_wait3A_476 : memref<10240x64xf32, #tpu.memory_space<hbm>>) dst(%dma_wait3A_470 : memref<125x64xf32, #tpu.memory_space<vmem>>)
      %run_scoped3A_477 = arith.constant 2 : i32
      "tpu.region"() ({
        %run_scoped3A_505 = tpu.sem_alloc : memref<!tpu.dma_semaphore, #tpu.memory_space<semaphore_mem>>
        %dma_start3A_506 = arith.constant 0 : i32
        %dma_start3A_507 = arith.constant 0 : i32
        %dma_start3A_508 = tpu.memref_slice %arg8[%run_scoped3A_477, %dma_start3A_506, %dma_start3A_507] : memref<4x125x64xf32, #tpu.memory_space<vmem>> -> memref<1x125x64xf32, #tpu.memory_space<vmem>>
        %dma_start3A_509 = tpu.memref_squeeze %dma_start3A_508 : memref<1x125x64xf32, #tpu.memory_space<vmem>> -> memref<125x64xf32, #tpu.memory_space<vmem>>
        %dma_start3A_510 = arith.constant 0 : i32
        %dma_start3A_511 = tpu.memref_slice %arg7[%add3A_464, %dma_start3A_510] : memref<80x125xi32, #tpu.memory_space<vmem>> -> memref<1x125xi32, #tpu.memory_space<vmem>>
        %dma_start3A_512 = tpu.memref_squeeze %dma_start3A_511 : memref<1x125xi32, #tpu.memory_space<vmem>> -> memref<125xi32, #tpu.memory_space<vmem>>
        %dma_start3A_513 = arith.constant 0 : i32
        %dma_start3A_514 = arith.constant 0 : i32
        %dma_start3A_515 = tpu.memref_slice %arg10[%dma_start3A_513, %dma_start3A_514] : memref<10240x64xf32, #tpu.memory_space<vmem_shared>> -> memref<10240x64xf32, #tpu.memory_space<vmem_shared>>
        tpu.enqueue_indirect_dma source(%dma_start3A_509 : memref<125x64xf32, #tpu.memory_space<vmem>>) target(%dma_start3A_515 : memref<10240x64xf32, #tpu.memory_space<vmem_shared>>) offsets(%dma_start3A_512 : memref<125xi32, #tpu.memory_space<vmem>>) semaphore(%run_scoped3A_505 : memref<!tpu.dma_semaphore, #tpu.memory_space<semaphore_mem>>) {add = true}
        %dma_wait3A_516 = arith.constant 0 : i32
        %dma_wait3A_517 = arith.constant 0 : i32
        %dma_wait3A_518 = tpu.memref_slice %arg8[%run_scoped3A_477, %dma_wait3A_516, %dma_wait3A_517] : memref<4x125x64xf32, #tpu.memory_space<vmem>> -> memref<1x125x64xf32, #tpu.memory_space<vmem>>
        %dma_wait3A_519 = tpu.memref_squeeze %dma_wait3A_518 : memref<1x125x64xf32, #tpu.memory_space<vmem>> -> memref<125x64xf32, #tpu.memory_space<vmem>>
        %dma_wait3A_520 = arith.constant 0 : i32
        %dma_wait3A_521 = tpu.memref_slice %arg7[%add3A_464, %dma_wait3A_520] : memref<80x125xi32, #tpu.memory_space<vmem>> -> memref<1x125xi32, #tpu.memory_space<vmem>>
        %dma_wait3A_522 = tpu.memref_squeeze %dma_wait3A_521 : memref<1x125xi32, #tpu.memory_space<vmem>> -> memref<125xi32, #tpu.memory_space<vmem>>
        %dma_wait3A_523 = arith.constant 0 : i32
        %dma_wait3A_524 = arith.constant 0 : i32
        %dma_wait3A_525 = tpu.memref_slice %arg10[%dma_wait3A_523, %dma_wait3A_524] : memref<10240x64xf32, #tpu.memory_space<vmem_shared>> -> memref<10240x64xf32, #tpu.memory_space<vmem_shared>>
        tpu.wait_indirect_dma semaphore(%run_scoped3A_505 : memref<!tpu.dma_semaphore, #tpu.memory_space<semaphore_mem>>) src(%dma_wait3A_519 : memref<125x64xf32, #tpu.memory_space<vmem>>) dst(%dma_wait3A_525 : memref<10240x64xf32, #tpu.memory_space<vmem_shared>>)
        tpu.yield
      }) : () -> ()
      %lt3A_478 = arith.constant 19 : i32
      %lt3A_479 = arith.cmpi slt, %scan3A_419, %lt3A_478 : i32
      %convert_element_type3A_480 = arith.extui %lt3A_479 : i1 to i32
      %cond3A_481 = arith.constant 0 : i32
      %cond3A_482 = arith.cmpi ne, %convert_element_type3A_480, %cond3A_481 : i32
      scf.if %cond3A_482 {
        %add3A_505 = arith.constant 4 : i32
        %add3A_506 = arith.addi %add3A_464, %add3A_505 : i32
        %dma_start3A_507 = arith.constant 2 : i32
        %dma_start3A_508 = arith.constant 0 : i32
        %dma_start3A_509 = arith.constant 0 : i32
        %dma_start3A_510 = tpu.memref_slice %arg8[%dma_start3A_507, %dma_start3A_508, %dma_start3A_509] : memref<4x125x64xf32, #tpu.memory_space<vmem>> -> memref<1x125x64xf32, #tpu.memory_space<vmem>>
        %dma_start3A_511 = tpu.memref_squeeze %dma_start3A_510 : memref<1x125x64xf32, #tpu.memory_space<vmem>> -> memref<125x64xf32, #tpu.memory_space<vmem>>
        %dma_start3A_512 = arith.constant 0 : i32
        %dma_start3A_513 = tpu.memref_slice %arg6[%add3A_506, %dma_start3A_512] : memref<80x125xi32, #tpu.memory_space<vmem>> -> memref<1x125xi32, #tpu.memory_space<vmem>>
        %dma_start3A_514 = tpu.memref_squeeze %dma_start3A_513 : memref<1x125xi32, #tpu.memory_space<vmem>> -> memref<125xi32, #tpu.memory_space<vmem>>
        %dma_start3A_515 = arith.constant 0 : i32
        %dma_start3A_516 = arith.constant 0 : i32
        %dma_start3A_517 = tpu.memref_slice %arg2[%dma_start3A_515, %dma_start3A_516] : memref<10240x64xf32, #tpu.memory_space<hbm>> -> memref<10240x64xf32, #tpu.memory_space<hbm>>
        tpu.enqueue_indirect_dma source(%dma_start3A_517 : memref<10240x64xf32, #tpu.memory_space<hbm>>) target(%dma_start3A_511 : memref<125x64xf32, #tpu.memory_space<vmem>>) offsets(%dma_start3A_514 : memref<125xi32, #tpu.memory_space<vmem>>) semaphore(%arg11 : memref<!tpu.dma_semaphore, #tpu.memory_space<semaphore_mem>>)
      } else {
      }
      %mul3A_483 = arith.constant 4 : i32
      %mul3A_484 = arith.muli %scan3A_419, %mul3A_483 : i32
      %add3A_485 = arith.constant 3 : i32
      %add3A_486 = arith.addi %mul3A_484, %add3A_485 : i32
      %dma_wait3A_487 = arith.constant 0 : i32
      %dma_wait3A_488 = arith.constant 3 : i32
      %dma_wait3A_489 = arith.constant 0 : i32
      %dma_wait3A_490 = arith.constant 0 : i32
      %dma_wait3A_491 = tpu.memref_slice %arg8[%dma_wait3A_488, %dma_wait3A_489, %dma_wait3A_490] : memref<4x125x64xf32, #tpu.memory_space<vmem>> -> memref<1x125x64xf32, #tpu.memory_space<vmem>>
      %dma_wait3A_492 = tpu.memref_squeeze %dma_wait3A_491 : memref<1x125x64xf32, #tpu.memory_space<vmem>> -> memref<125x64xf32, #tpu.memory_space<vmem>>
      %dma_wait3A_493 = arith.constant 0 : i32
      %dma_wait3A_494 = tpu.memref_slice %arg6[%dma_wait3A_487, %dma_wait3A_493] : memref<80x125xi32, #tpu.memory_space<vmem>> -> memref<1x125xi32, #tpu.memory_space<vmem>>
      %dma_wait3A_495 = tpu.memref_squeeze %dma_wait3A_494 : memref<1x125xi32, #tpu.memory_space<vmem>> -> memref<125xi32, #tpu.memory_space<vmem>>
      %dma_wait3A_496 = arith.constant 0 : i32
      %dma_wait3A_497 = arith.constant 0 : i32
      %dma_wait3A_498 = tpu.memref_slice %arg2[%dma_wait3A_496, %dma_wait3A_497] : memref<10240x64xf32, #tpu.memory_space<hbm>> -> memref<10240x64xf32, #tpu.memory_space<hbm>>
      tpu.wait_indirect_dma semaphore(%arg11 : memref<!tpu.dma_semaphore, #tpu.memory_space<semaphore_mem>>) src(%dma_wait3A_498 : memref<10240x64xf32, #tpu.memory_space<hbm>>) dst(%dma_wait3A_492 : memref<125x64xf32, #tpu.memory_space<vmem>>)
      %run_scoped3A_499 = arith.constant 3 : i32
      "tpu.region"() ({
        %run_scoped3A_505 = tpu.sem_alloc : memref<!tpu.dma_semaphore, #tpu.memory_space<semaphore_mem>>
        %dma_start3A_506 = arith.constant 0 : i32
        %dma_start3A_507 = arith.constant 0 : i32
        %dma_start3A_508 = tpu.memref_slice %arg8[%run_scoped3A_499, %dma_start3A_506, %dma_start3A_507] : memref<4x125x64xf32, #tpu.memory_space<vmem>> -> memref<1x125x64xf32, #tpu.memory_space<vmem>>
        %dma_start3A_509 = tpu.memref_squeeze %dma_start3A_508 : memref<1x125x64xf32, #tpu.memory_space<vmem>> -> memref<125x64xf32, #tpu.memory_space<vmem>>
        %dma_start3A_510 = arith.constant 0 : i32
        %dma_start3A_511 = tpu.memref_slice %arg7[%add3A_486, %dma_start3A_510] : memref<80x125xi32, #tpu.memory_space<vmem>> -> memref<1x125xi32, #tpu.memory_space<vmem>>
        %dma_start3A_512 = tpu.memref_squeeze %dma_start3A_511 : memref<1x125xi32, #tpu.memory_space<vmem>> -> memref<125xi32, #tpu.memory_space<vmem>>
        %dma_start3A_513 = arith.constant 0 : i32
        %dma_start3A_514 = arith.constant 0 : i32
        %dma_start3A_515 = tpu.memref_slice %arg10[%dma_start3A_513, %dma_start3A_514] : memref<10240x64xf32, #tpu.memory_space<vmem_shared>> -> memref<10240x64xf32, #tpu.memory_space<vmem_shared>>
        tpu.enqueue_indirect_dma source(%dma_start3A_509 : memref<125x64xf32, #tpu.memory_space<vmem>>) target(%dma_start3A_515 : memref<10240x64xf32, #tpu.memory_space<vmem_shared>>) offsets(%dma_start3A_512 : memref<125xi32, #tpu.memory_space<vmem>>) semaphore(%run_scoped3A_505 : memref<!tpu.dma_semaphore, #tpu.memory_space<semaphore_mem>>) {add = true}
        %dma_wait3A_516 = arith.constant 0 : i32
        %dma_wait3A_517 = arith.constant 0 : i32
        %dma_wait3A_518 = tpu.memref_slice %arg8[%run_scoped3A_499, %dma_wait3A_516, %dma_wait3A_517] : memref<4x125x64xf32, #tpu.memory_space<vmem>> -> memref<1x125x64xf32, #tpu.memory_space<vmem>>
        %dma_wait3A_519 = tpu.memref_squeeze %dma_wait3A_518 : memref<1x125x64xf32, #tpu.memory_space<vmem>> -> memref<125x64xf32, #tpu.memory_space<vmem>>
        %dma_wait3A_520 = arith.constant 0 : i32
        %dma_wait3A_521 = tpu.memref_slice %arg7[%add3A_486, %dma_wait3A_520] : memref<80x125xi32, #tpu.memory_space<vmem>> -> memref<1x125xi32, #tpu.memory_space<vmem>>
        %dma_wait3A_522 = tpu.memref_squeeze %dma_wait3A_521 : memref<1x125xi32, #tpu.memory_space<vmem>> -> memref<125xi32, #tpu.memory_space<vmem>>
        %dma_wait3A_523 = arith.constant 0 : i32
        %dma_wait3A_524 = arith.constant 0 : i32
        %dma_wait3A_525 = tpu.memref_slice %arg10[%dma_wait3A_523, %dma_wait3A_524] : memref<10240x64xf32, #tpu.memory_space<vmem_shared>> -> memref<10240x64xf32, #tpu.memory_space<vmem_shared>>
        tpu.wait_indirect_dma semaphore(%run_scoped3A_505 : memref<!tpu.dma_semaphore, #tpu.memory_space<semaphore_mem>>) src(%dma_wait3A_519 : memref<125x64xf32, #tpu.memory_space<vmem>>) dst(%dma_wait3A_525 : memref<10240x64xf32, #tpu.memory_space<vmem_shared>>)
        tpu.yield
      }) : () -> ()
      %lt3A_500 = arith.constant 19 : i32
      %lt3A_501 = arith.cmpi slt, %scan3A_419, %lt3A_500 : i32
      %convert_element_type3A_502 = arith.extui %lt3A_501 : i1 to i32
      %cond3A_503 = arith.constant 0 : i32
      %cond3A_504 = arith.cmpi ne, %convert_element_type3A_502, %cond3A_503 : i32
      scf.if %cond3A_504 {
        %add3A_505 = arith.constant 4 : i32
        %add3A_506 = arith.addi %add3A_486, %add3A_505 : i32
        %dma_start3A_507 = arith.constant 3 : i32
        %dma_start3A_508 = arith.constant 0 : i32
        %dma_start3A_509 = arith.constant 0 : i32
        %dma_start3A_510 = tpu.memref_slice %arg8[%dma_start3A_507, %dma_start3A_508, %dma_start3A_509] : memref<4x125x64xf32, #tpu.memory_space<vmem>> -> memref<1x125x64xf32, #tpu.memory_space<vmem>>
        %dma_start3A_511 = tpu.memref_squeeze %dma_start3A_510 : memref<1x125x64xf32, #tpu.memory_space<vmem>> -> memref<125x64xf32, #tpu.memory_space<vmem>>
        %dma_start3A_512 = arith.constant 0 : i32
        %dma_start3A_513 = tpu.memref_slice %arg6[%add3A_506, %dma_start3A_512] : memref<80x125xi32, #tpu.memory_space<vmem>> -> memref<1x125xi32, #tpu.memory_space<vmem>>
        %dma_start3A_514 = tpu.memref_squeeze %dma_start3A_513 : memref<1x125xi32, #tpu.memory_space<vmem>> -> memref<125xi32, #tpu.memory_space<vmem>>
        %dma_start3A_515 = arith.constant 0 : i32
        %dma_start3A_516 = arith.constant 0 : i32
        %dma_start3A_517 = tpu.memref_slice %arg2[%dma_start3A_515, %dma_start3A_516] : memref<10240x64xf32, #tpu.memory_space<hbm>> -> memref<10240x64xf32, #tpu.memory_space<hbm>>
        tpu.enqueue_indirect_dma source(%dma_start3A_517 : memref<10240x64xf32, #tpu.memory_space<hbm>>) target(%dma_start3A_511 : memref<125x64xf32, #tpu.memory_space<vmem>>) offsets(%dma_start3A_514 : memref<125xi32, #tpu.memory_space<vmem>>) semaphore(%arg11 : memref<!tpu.dma_semaphore, #tpu.memory_space<semaphore_mem>>)
      } else {
      }
    }
    %scan3A_217 = arith.constant 20 : i32
    %barrier3A_218 = arith.constant 0 : index
    tpu.barrier barrier_id(%barrier3A_218)
    %mul3A_219 = arith.constant 640 : i32
    %mul3A_220 = arith.muli %arg1, %mul3A_219 : i32
    %add3A_221 = arith.constant 0 : i32
    %add3A_222 = arith.addi %mul3A_220, %add3A_221 : i32
    %run_scoped3A_223 = arith.constant 0 : i32
    "tpu.region"() ({
      %run_scoped3A_419 = tpu.sem_alloc : memref<!tpu.dma_semaphore, #tpu.memory_space<semaphore_mem>>
      %dma_start3A_420 = arith.constant 0 : i32
      %dma_start3A_421 = arith.constant 0 : i32
      %dma_start3A_422 = tpu.memref_slice %arg9[%run_scoped3A_223, %dma_start3A_420, %dma_start3A_421] : memref<2x128x64xf32, #tpu.memory_space<vmem>> -> memref<1x128x64xf32, #tpu.memory_space<vmem>>
      %dma_start3A_423 = tpu.memref_squeeze %dma_start3A_422 : memref<1x128x64xf32, #tpu.memory_space<vmem>> -> memref<128x64xf32, #tpu.memory_space<vmem>>
      %dma_start3A_424 = arith.constant 0 : i32
      %dma_start3A_425 = tpu.memref_slice %arg10[%add3A_222, %dma_start3A_424] : memref<10240x64xf32, #tpu.memory_space<vmem_shared>> -> memref<128x64xf32, #tpu.memory_space<vmem_shared>>
      %dma_start3A_426 = arith.constant 0 : i32
      %dma_start3A_427 = arith.constant 0 : i32
      %dma_start3A_428 = tpu.memref_slice %arg9[%run_scoped3A_223, %dma_start3A_426, %dma_start3A_427] : memref<2x128x64xf32, #tpu.memory_space<vmem>> -> memref<1x128x64xf32, #tpu.memory_space<vmem>>
      %dma_start3A_429 = tpu.memref_squeeze %dma_start3A_428 : memref<1x128x64xf32, #tpu.memory_space<vmem>> -> memref<128x64xf32, #tpu.memory_space<vmem>>
      %dma_start3A_430 = arith.constant 0 : i32
      %dma_start3A_431 = tpu.memref_slice %arg10[%add3A_222, %dma_start3A_430] : memref<10240x64xf32, #tpu.memory_space<vmem_shared>> -> memref<128x64xf32, #tpu.memory_space<vmem_shared>>
      tpu.enqueue_dma source(%dma_start3A_431 : memref<128x64xf32, #tpu.memory_space<vmem_shared>>) target(%dma_start3A_429 : memref<128x64xf32, #tpu.memory_space<vmem>>) target_semaphore(%run_scoped3A_419 : memref<!tpu.dma_semaphore, #tpu.memory_space<semaphore_mem>>)
      %dma_wait3A_432 = arith.constant 0 : i32
      %dma_wait3A_433 = arith.constant 0 : i32
      %dma_wait3A_434 = tpu.memref_slice %arg9[%run_scoped3A_223, %dma_wait3A_432, %dma_wait3A_433] : memref<2x128x64xf32, #tpu.memory_space<vmem>> -> memref<1x128x64xf32, #tpu.memory_space<vmem>>
      %dma_wait3A_435 = tpu.memref_squeeze %dma_wait3A_434 : memref<1x128x64xf32, #tpu.memory_space<vmem>> -> memref<128x64xf32, #tpu.memory_space<vmem>>
      %dma_wait3A_436 = arith.constant 0 : i32
      %dma_wait3A_437 = tpu.memref_slice %arg10[%add3A_222, %dma_wait3A_436] : memref<10240x64xf32, #tpu.memory_space<vmem_shared>> -> memref<128x64xf32, #tpu.memory_space<vmem_shared>>
      %dma_wait3A_438 = arith.constant 0 : i32
      %dma_wait3A_439 = arith.constant 0 : i32
      %dma_wait3A_440 = tpu.memref_slice %arg9[%run_scoped3A_223, %dma_wait3A_438, %dma_wait3A_439] : memref<2x128x64xf32, #tpu.memory_space<vmem>> -> memref<1x128x64xf32, #tpu.memory_space<vmem>>
      %dma_wait3A_441 = tpu.memref_squeeze %dma_wait3A_440 : memref<1x128x64xf32, #tpu.memory_space<vmem>> -> memref<128x64xf32, #tpu.memory_space<vmem>>
      %dma_wait3A_442 = arith.constant 0 : i32
      %dma_wait3A_443 = tpu.memref_slice %arg10[%add3A_222, %dma_wait3A_442] : memref<10240x64xf32, #tpu.memory_space<vmem_shared>> -> memref<128x64xf32, #tpu.memory_space<vmem_shared>>
      tpu.wait_dma2 semaphore(%run_scoped3A_419 : memref<!tpu.dma_semaphore, #tpu.memory_space<semaphore_mem>>) src(%dma_wait3A_443 : memref<128x64xf32, #tpu.memory_space<vmem_shared>>) dst(%dma_wait3A_441 : memref<128x64xf32, #tpu.memory_space<vmem>>)
      tpu.yield
    }) : () -> ()
    %mul3A_224 = arith.constant 10240 : i32
    %mul3A_225 = arith.muli %arg0, %mul3A_224 : i32
    %mul3A_226 = arith.constant 640 : i32
    %mul3A_227 = arith.muli %arg1, %mul3A_226 : i32
    %add3A_228 = arith.addi %mul3A_225, %mul3A_227 : i32
    %add3A_229 = arith.constant 0 : i32
    %add3A_230 = arith.addi %add3A_228, %add3A_229 : i32
    %dma_start3A_231 = arith.constant 0 : i32
    %dma_start3A_232 = arith.constant 0 : i32
    %dma_start3A_233 = arith.constant 0 : i32
    %dma_start3A_234 = tpu.memref_slice %arg9[%dma_start3A_231, %dma_start3A_232, %dma_start3A_233] : memref<2x128x64xf32, #tpu.memory_space<vmem>> -> memref<1x128x64xf32, #tpu.memory_space<vmem>>
    %dma_start3A_235 = tpu.memref_squeeze %dma_start3A_234 : memref<1x128x64xf32, #tpu.memory_space<vmem>> -> memref<128x64xf32, #tpu.memory_space<vmem>>
    %dma_start3A_236 = arith.constant 0 : i32
    %dma_start3A_237 = tpu.memref_slice %arg5[%add3A_230, %dma_start3A_236] : memref<20480x64xf32, #tpu.memory_space<hbm>> -> memref<128x64xf32, #tpu.memory_space<hbm>>
    %dma_start3A_238 = arith.constant 0 : i32
    %dma_start3A_239 = tpu.memref_slice %arg5[%add3A_230, %dma_start3A_238] : memref<20480x64xf32, #tpu.memory_space<hbm>> -> memref<128x64xf32, #tpu.memory_space<hbm>>
    %dma_start3A_240 = arith.constant 0 : i32
    %dma_start3A_241 = arith.constant 0 : i32
    %dma_start3A_242 = tpu.memref_slice %arg9[%dma_start3A_231, %dma_start3A_240, %dma_start3A_241] : memref<2x128x64xf32, #tpu.memory_space<vmem>> -> memref<1x128x64xf32, #tpu.memory_space<vmem>>
    %dma_start3A_243 = tpu.memref_squeeze %dma_start3A_242 : memref<1x128x64xf32, #tpu.memory_space<vmem>> -> memref<128x64xf32, #tpu.memory_space<vmem>>
    tpu.enqueue_dma source(%dma_start3A_243 : memref<128x64xf32, #tpu.memory_space<vmem>>) target(%dma_start3A_239 : memref<128x64xf32, #tpu.memory_space<hbm>>) target_semaphore(%arg11 : memref<!tpu.dma_semaphore, #tpu.memory_space<semaphore_mem>>)
    %mul3A_244 = arith.constant 640 : i32
    %mul3A_245 = arith.muli %arg1, %mul3A_244 : i32
    %add3A_246 = arith.constant 128 : i32
    %add3A_247 = arith.addi %mul3A_245, %add3A_246 : i32
    %run_scoped3A_248 = arith.constant 1 : i32
    "tpu.region"() ({
      %run_scoped3A_419 = tpu.sem_alloc : memref<!tpu.dma_semaphore, #tpu.memory_space<semaphore_mem>>
      %dma_start3A_420 = arith.constant 0 : i32
      %dma_start3A_421 = arith.constant 0 : i32
      %dma_start3A_422 = tpu.memref_slice %arg9[%run_scoped3A_248, %dma_start3A_420, %dma_start3A_421] : memref<2x128x64xf32, #tpu.memory_space<vmem>> -> memref<1x128x64xf32, #tpu.memory_space<vmem>>
      %dma_start3A_423 = tpu.memref_squeeze %dma_start3A_422 : memref<1x128x64xf32, #tpu.memory_space<vmem>> -> memref<128x64xf32, #tpu.memory_space<vmem>>
      %dma_start3A_424 = arith.constant 0 : i32
      %dma_start3A_425 = tpu.memref_slice %arg10[%add3A_247, %dma_start3A_424] : memref<10240x64xf32, #tpu.memory_space<vmem_shared>> -> memref<128x64xf32, #tpu.memory_space<vmem_shared>>
      %dma_start3A_426 = arith.constant 0 : i32
      %dma_start3A_427 = arith.constant 0 : i32
      %dma_start3A_428 = tpu.memref_slice %arg9[%run_scoped3A_248, %dma_start3A_426, %dma_start3A_427] : memref<2x128x64xf32, #tpu.memory_space<vmem>> -> memref<1x128x64xf32, #tpu.memory_space<vmem>>
      %dma_start3A_429 = tpu.memref_squeeze %dma_start3A_428 : memref<1x128x64xf32, #tpu.memory_space<vmem>> -> memref<128x64xf32, #tpu.memory_space<vmem>>
      %dma_start3A_430 = arith.constant 0 : i32
      %dma_start3A_431 = tpu.memref_slice %arg10[%add3A_247, %dma_start3A_430] : memref<10240x64xf32, #tpu.memory_space<vmem_shared>> -> memref<128x64xf32, #tpu.memory_space<vmem_shared>>
      tpu.enqueue_dma source(%dma_start3A_431 : memref<128x64xf32, #tpu.memory_space<vmem_shared>>) target(%dma_start3A_429 : memref<128x64xf32, #tpu.memory_space<vmem>>) target_semaphore(%run_scoped3A_419 : memref<!tpu.dma_semaphore, #tpu.memory_space<semaphore_mem>>)
      %dma_wait3A_432 = arith.constant 0 : i32
      %dma_wait3A_433 = arith.constant 0 : i32
      %dma_wait3A_434 = tpu.memref_slice %arg9[%run_scoped3A_248, %dma_wait3A_432, %dma_wait3A_433] : memref<2x128x64xf32, #tpu.memory_space<vmem>> -> memref<1x128x64xf32, #tpu.memory_space<vmem>>
      %dma_wait3A_435 = tpu.memref_squeeze %dma_wait3A_434 : memref<1x128x64xf32, #tpu.memory_space<vmem>> -> memref<128x64xf32, #tpu.memory_space<vmem>>
      %dma_wait3A_436 = arith.constant 0 : i32
      %dma_wait3A_437 = tpu.memref_slice %arg10[%add3A_247, %dma_wait3A_436] : memref<10240x64xf32, #tpu.memory_space<vmem_shared>> -> memref<128x64xf32, #tpu.memory_space<vmem_shared>>
      %dma_wait3A_438 = arith.constant 0 : i32
      %dma_wait3A_439 = arith.constant 0 : i32
      %dma_wait3A_440 = tpu.memref_slice %arg9[%run_scoped3A_248, %dma_wait3A_438, %dma_wait3A_439] : memref<2x128x64xf32, #tpu.memory_space<vmem>> -> memref<1x128x64xf32, #tpu.memory_space<vmem>>
      %dma_wait3A_441 = tpu.memref_squeeze %dma_wait3A_440 : memref<1x128x64xf32, #tpu.memory_space<vmem>> -> memref<128x64xf32, #tpu.memory_space<vmem>>
      %dma_wait3A_442 = arith.constant 0 : i32
      %dma_wait3A_443 = tpu.memref_slice %arg10[%add3A_247, %dma_wait3A_442] : memref<10240x64xf32, #tpu.memory_space<vmem_shared>> -> memref<128x64xf32, #tpu.memory_space<vmem_shared>>
      tpu.wait_dma2 semaphore(%run_scoped3A_419 : memref<!tpu.dma_semaphore, #tpu.memory_space<semaphore_mem>>) src(%dma_wait3A_443 : memref<128x64xf32, #tpu.memory_space<vmem_shared>>) dst(%dma_wait3A_441 : memref<128x64xf32, #tpu.memory_space<vmem>>)
      tpu.yield
    }) : () -> ()
    %mul3A_249 = arith.constant 10240 : i32
    %mul3A_250 = arith.muli %arg0, %mul3A_249 : i32
    %mul3A_251 = arith.constant 640 : i32
    %mul3A_252 = arith.muli %arg1, %mul3A_251 : i32
    %add3A_253 = arith.addi %mul3A_250, %mul3A_252 : i32
    %add3A_254 = arith.constant 128 : i32
    %add3A_255 = arith.addi %add3A_253, %add3A_254 : i32
    %dma_start3A_256 = arith.constant 1 : i32
    %dma_start3A_257 = arith.constant 0 : i32
    %dma_start3A_258 = arith.constant 0 : i32
    %dma_start3A_259 = tpu.memref_slice %arg9[%dma_start3A_256, %dma_start3A_257, %dma_start3A_258] : memref<2x128x64xf32, #tpu.memory_space<vmem>> -> memref<1x128x64xf32, #tpu.memory_space<vmem>>
    %dma_start3A_260 = tpu.memref_squeeze %dma_start3A_259 : memref<1x128x64xf32, #tpu.memory_space<vmem>> -> memref<128x64xf32, #tpu.memory_space<vmem>>
    %dma_start3A_261 = arith.constant 0 : i32
    %dma_start3A_262 = tpu.memref_slice %arg5[%add3A_255, %dma_start3A_261] : memref<20480x64xf32, #tpu.memory_space<hbm>> -> memref<128x64xf32, #tpu.memory_space<hbm>>
    %dma_start3A_263 = arith.constant 0 : i32
    %dma_start3A_264 = tpu.memref_slice %arg5[%add3A_255, %dma_start3A_263] : memref<20480x64xf32, #tpu.memory_space<hbm>> -> memref<128x64xf32, #tpu.memory_space<hbm>>
    %dma_start3A_265 = arith.constant 0 : i32
    %dma_start3A_266 = arith.constant 0 : i32
    %dma_start3A_267 = tpu.memref_slice %arg9[%dma_start3A_256, %dma_start3A_265, %dma_start3A_266] : memref<2x128x64xf32, #tpu.memory_space<vmem>> -> memref<1x128x64xf32, #tpu.memory_space<vmem>>
    %dma_start3A_268 = tpu.memref_squeeze %dma_start3A_267 : memref<1x128x64xf32, #tpu.memory_space<vmem>> -> memref<128x64xf32, #tpu.memory_space<vmem>>
    tpu.enqueue_dma source(%dma_start3A_268 : memref<128x64xf32, #tpu.memory_space<vmem>>) target(%dma_start3A_264 : memref<128x64xf32, #tpu.memory_space<hbm>>) target_semaphore(%arg11 : memref<!tpu.dma_semaphore, #tpu.memory_space<semaphore_mem>>)
    %mul3A_269 = arith.constant 10240 : i32
    %mul3A_270 = arith.muli %arg0, %mul3A_269 : i32
    %dma_wait3A_271 = arith.constant 1 : i32
    %dma_wait3A_272 = arith.constant 0 : i32
    %dma_wait3A_273 = arith.constant 0 : i32
    %dma_wait3A_274 = tpu.memref_slice %arg9[%dma_wait3A_271, %dma_wait3A_272, %dma_wait3A_273] : memref<2x128x64xf32, #tpu.memory_space<vmem>> -> memref<1x128x64xf32, #tpu.memory_space<vmem>>
    %dma_wait3A_275 = tpu.memref_squeeze %dma_wait3A_274 : memref<1x128x64xf32, #tpu.memory_space<vmem>> -> memref<128x64xf32, #tpu.memory_space<vmem>>
    %dma_wait3A_276 = arith.constant 0 : i32
    %dma_wait3A_277 = tpu.memref_slice %arg5[%mul3A_270, %dma_wait3A_276] : memref<20480x64xf32, #tpu.memory_space<hbm>> -> memref<128x64xf32, #tpu.memory_space<hbm>>
    %dma_wait3A_278 = arith.constant 0 : i32
    %dma_wait3A_279 = tpu.memref_slice %arg5[%mul3A_270, %dma_wait3A_278] : memref<20480x64xf32, #tpu.memory_space<hbm>> -> memref<128x64xf32, #tpu.memory_space<hbm>>
    %dma_wait3A_280 = arith.constant 0 : i32
    %dma_wait3A_281 = arith.constant 0 : i32
    %dma_wait3A_282 = tpu.memref_slice %arg9[%dma_wait3A_271, %dma_wait3A_280, %dma_wait3A_281] : memref<2x128x64xf32, #tpu.memory_space<vmem>> -> memref<1x128x64xf32, #tpu.memory_space<vmem>>
    %dma_wait3A_283 = tpu.memref_squeeze %dma_wait3A_282 : memref<1x128x64xf32, #tpu.memory_space<vmem>> -> memref<128x64xf32, #tpu.memory_space<vmem>>
    tpu.wait_dma2 semaphore(%arg11 : memref<!tpu.dma_semaphore, #tpu.memory_space<semaphore_mem>>) src(%dma_wait3A_283 : memref<128x64xf32, #tpu.memory_space<vmem>>) dst(%dma_wait3A_279 : memref<128x64xf32, #tpu.memory_space<hbm>>)
    %mul3A_284 = arith.constant 640 : i32
    %mul3A_285 = arith.muli %arg1, %mul3A_284 : i32
    %add3A_286 = arith.constant 256 : i32
    %add3A_287 = arith.addi %mul3A_285, %add3A_286 : i32
    %run_scoped3A_288 = arith.constant 0 : i32
    "tpu.region"() ({
      %run_scoped3A_419 = tpu.sem_alloc : memref<!tpu.dma_semaphore, #tpu.memory_space<semaphore_mem>>
      %dma_start3A_420 = arith.constant 0 : i32
      %dma_start3A_421 = arith.constant 0 : i32
      %dma_start3A_422 = tpu.memref_slice %arg9[%run_scoped3A_288, %dma_start3A_420, %dma_start3A_421] : memref<2x128x64xf32, #tpu.memory_space<vmem>> -> memref<1x128x64xf32, #tpu.memory_space<vmem>>
      %dma_start3A_423 = tpu.memref_squeeze %dma_start3A_422 : memref<1x128x64xf32, #tpu.memory_space<vmem>> -> memref<128x64xf32, #tpu.memory_space<vmem>>
      %dma_start3A_424 = arith.constant 0 : i32
      %dma_start3A_425 = tpu.memref_slice %arg10[%add3A_287, %dma_start3A_424] : memref<10240x64xf32, #tpu.memory_space<vmem_shared>> -> memref<128x64xf32, #tpu.memory_space<vmem_shared>>
      %dma_start3A_426 = arith.constant 0 : i32
      %dma_start3A_427 = arith.constant 0 : i32
      %dma_start3A_428 = tpu.memref_slice %arg9[%run_scoped3A_288, %dma_start3A_426, %dma_start3A_427] : memref<2x128x64xf32, #tpu.memory_space<vmem>> -> memref<1x128x64xf32, #tpu.memory_space<vmem>>
      %dma_start3A_429 = tpu.memref_squeeze %dma_start3A_428 : memref<1x128x64xf32, #tpu.memory_space<vmem>> -> memref<128x64xf32, #tpu.memory_space<vmem>>
      %dma_start3A_430 = arith.constant 0 : i32
      %dma_start3A_431 = tpu.memref_slice %arg10[%add3A_287, %dma_start3A_430] : memref<10240x64xf32, #tpu.memory_space<vmem_shared>> -> memref<128x64xf32, #tpu.memory_space<vmem_shared>>
      tpu.enqueue_dma source(%dma_start3A_431 : memref<128x64xf32, #tpu.memory_space<vmem_shared>>) target(%dma_start3A_429 : memref<128x64xf32, #tpu.memory_space<vmem>>) target_semaphore(%run_scoped3A_419 : memref<!tpu.dma_semaphore, #tpu.memory_space<semaphore_mem>>)
      %dma_wait3A_432 = arith.constant 0 : i32
      %dma_wait3A_433 = arith.constant 0 : i32
      %dma_wait3A_434 = tpu.memref_slice %arg9[%run_scoped3A_288, %dma_wait3A_432, %dma_wait3A_433] : memref<2x128x64xf32, #tpu.memory_space<vmem>> -> memref<1x128x64xf32, #tpu.memory_space<vmem>>
      %dma_wait3A_435 = tpu.memref_squeeze %dma_wait3A_434 : memref<1x128x64xf32, #tpu.memory_space<vmem>> -> memref<128x64xf32, #tpu.memory_space<vmem>>
      %dma_wait3A_436 = arith.constant 0 : i32
      %dma_wait3A_437 = tpu.memref_slice %arg10[%add3A_287, %dma_wait3A_436] : memref<10240x64xf32, #tpu.memory_space<vmem_shared>> -> memref<128x64xf32, #tpu.memory_space<vmem_shared>>
      %dma_wait3A_438 = arith.constant 0 : i32
      %dma_wait3A_439 = arith.constant 0 : i32
      %dma_wait3A_440 = tpu.memref_slice %arg9[%run_scoped3A_288, %dma_wait3A_438, %dma_wait3A_439] : memref<2x128x64xf32, #tpu.memory_space<vmem>> -> memref<1x128x64xf32, #tpu.memory_space<vmem>>
      %dma_wait3A_441 = tpu.memref_squeeze %dma_wait3A_440 : memref<1x128x64xf32, #tpu.memory_space<vmem>> -> memref<128x64xf32, #tpu.memory_space<vmem>>
      %dma_wait3A_442 = arith.constant 0 : i32
      %dma_wait3A_443 = tpu.memref_slice %arg10[%add3A_287, %dma_wait3A_442] : memref<10240x64xf32, #tpu.memory_space<vmem_shared>> -> memref<128x64xf32, #tpu.memory_space<vmem_shared>>
      tpu.wait_dma2 semaphore(%run_scoped3A_419 : memref<!tpu.dma_semaphore, #tpu.memory_space<semaphore_mem>>) src(%dma_wait3A_443 : memref<128x64xf32, #tpu.memory_space<vmem_shared>>) dst(%dma_wait3A_441 : memref<128x64xf32, #tpu.memory_space<vmem>>)
      tpu.yield
    }) : () -> ()
    %mul3A_289 = arith.constant 10240 : i32
    %mul3A_290 = arith.muli %arg0, %mul3A_289 : i32
    %mul3A_291 = arith.constant 640 : i32
    %mul3A_292 = arith.muli %arg1, %mul3A_291 : i32
    %add3A_293 = arith.addi %mul3A_290, %mul3A_292 : i32
    %add3A_294 = arith.constant 256 : i32
    %add3A_295 = arith.addi %add3A_293, %add3A_294 : i32
    %dma_start3A_296 = arith.constant 0 : i32
    %dma_start3A_297 = arith.constant 0 : i32
    %dma_start3A_298 = arith.constant 0 : i32
    %dma_start3A_299 = tpu.memref_slice %arg9[%dma_start3A_296, %dma_start3A_297, %dma_start3A_298] : memref<2x128x64xf32, #tpu.memory_space<vmem>> -> memref<1x128x64xf32, #tpu.memory_space<vmem>>
    %dma_start3A_300 = tpu.memref_squeeze %dma_start3A_299 : memref<1x128x64xf32, #tpu.memory_space<vmem>> -> memref<128x64xf32, #tpu.memory_space<vmem>>
    %dma_start3A_301 = arith.constant 0 : i32
    %dma_start3A_302 = tpu.memref_slice %arg5[%add3A_295, %dma_start3A_301] : memref<20480x64xf32, #tpu.memory_space<hbm>> -> memref<128x64xf32, #tpu.memory_space<hbm>>
    %dma_start3A_303 = arith.constant 0 : i32
    %dma_start3A_304 = tpu.memref_slice %arg5[%add3A_295, %dma_start3A_303] : memref<20480x64xf32, #tpu.memory_space<hbm>> -> memref<128x64xf32, #tpu.memory_space<hbm>>
    %dma_start3A_305 = arith.constant 0 : i32
    %dma_start3A_306 = arith.constant 0 : i32
    %dma_start3A_307 = tpu.memref_slice %arg9[%dma_start3A_296, %dma_start3A_305, %dma_start3A_306] : memref<2x128x64xf32, #tpu.memory_space<vmem>> -> memref<1x128x64xf32, #tpu.memory_space<vmem>>
    %dma_start3A_308 = tpu.memref_squeeze %dma_start3A_307 : memref<1x128x64xf32, #tpu.memory_space<vmem>> -> memref<128x64xf32, #tpu.memory_space<vmem>>
    tpu.enqueue_dma source(%dma_start3A_308 : memref<128x64xf32, #tpu.memory_space<vmem>>) target(%dma_start3A_304 : memref<128x64xf32, #tpu.memory_space<hbm>>) target_semaphore(%arg11 : memref<!tpu.dma_semaphore, #tpu.memory_space<semaphore_mem>>)
    %mul3A_309 = arith.constant 10240 : i32
    %mul3A_310 = arith.muli %arg0, %mul3A_309 : i32
    %dma_wait3A_311 = arith.constant 0 : i32
    %dma_wait3A_312 = arith.constant 0 : i32
    %dma_wait3A_313 = arith.constant 0 : i32
    %dma_wait3A_314 = tpu.memref_slice %arg9[%dma_wait3A_311, %dma_wait3A_312, %dma_wait3A_313] : memref<2x128x64xf32, #tpu.memory_space<vmem>> -> memref<1x128x64xf32, #tpu.memory_space<vmem>>
    %dma_wait3A_315 = tpu.memref_squeeze %dma_wait3A_314 : memref<1x128x64xf32, #tpu.memory_space<vmem>> -> memref<128x64xf32, #tpu.memory_space<vmem>>
    %dma_wait3A_316 = arith.constant 0 : i32
    %dma_wait3A_317 = tpu.memref_slice %arg5[%mul3A_310, %dma_wait3A_316] : memref<20480x64xf32, #tpu.memory_space<hbm>> -> memref<128x64xf32, #tpu.memory_space<hbm>>
    %dma_wait3A_318 = arith.constant 0 : i32
    %dma_wait3A_319 = tpu.memref_slice %arg5[%mul3A_310, %dma_wait3A_318] : memref<20480x64xf32, #tpu.memory_space<hbm>> -> memref<128x64xf32, #tpu.memory_space<hbm>>
    %dma_wait3A_320 = arith.constant 0 : i32
    %dma_wait3A_321 = arith.constant 0 : i32
    %dma_wait3A_322 = tpu.memref_slice %arg9[%dma_wait3A_311, %dma_wait3A_320, %dma_wait3A_321] : memref<2x128x64xf32, #tpu.memory_space<vmem>> -> memref<1x128x64xf32, #tpu.memory_space<vmem>>
    %dma_wait3A_323 = tpu.memref_squeeze %dma_wait3A_322 : memref<1x128x64xf32, #tpu.memory_space<vmem>> -> memref<128x64xf32, #tpu.memory_space<vmem>>
    tpu.wait_dma2 semaphore(%arg11 : memref<!tpu.dma_semaphore, #tpu.memory_space<semaphore_mem>>) src(%dma_wait3A_323 : memref<128x64xf32, #tpu.memory_space<vmem>>) dst(%dma_wait3A_319 : memref<128x64xf32, #tpu.memory_space<hbm>>)
    %mul3A_324 = arith.constant 640 : i32
    %mul3A_325 = arith.muli %arg1, %mul3A_324 : i32
    %add3A_326 = arith.constant 384 : i32
    %add3A_327 = arith.addi %mul3A_325, %add3A_326 : i32
    %run_scoped3A_328 = arith.constant 1 : i32
    "tpu.region"() ({
      %run_scoped3A_419 = tpu.sem_alloc : memref<!tpu.dma_semaphore, #tpu.memory_space<semaphore_mem>>
      %dma_start3A_420 = arith.constant 0 : i32
      %dma_start3A_421 = arith.constant 0 : i32
      %dma_start3A_422 = tpu.memref_slice %arg9[%run_scoped3A_328, %dma_start3A_420, %dma_start3A_421] : memref<2x128x64xf32, #tpu.memory_space<vmem>> -> memref<1x128x64xf32, #tpu.memory_space<vmem>>
      %dma_start3A_423 = tpu.memref_squeeze %dma_start3A_422 : memref<1x128x64xf32, #tpu.memory_space<vmem>> -> memref<128x64xf32, #tpu.memory_space<vmem>>
      %dma_start3A_424 = arith.constant 0 : i32
      %dma_start3A_425 = tpu.memref_slice %arg10[%add3A_327, %dma_start3A_424] : memref<10240x64xf32, #tpu.memory_space<vmem_shared>> -> memref<128x64xf32, #tpu.memory_space<vmem_shared>>
      %dma_start3A_426 = arith.constant 0 : i32
      %dma_start3A_427 = arith.constant 0 : i32
      %dma_start3A_428 = tpu.memref_slice %arg9[%run_scoped3A_328, %dma_start3A_426, %dma_start3A_427] : memref<2x128x64xf32, #tpu.memory_space<vmem>> -> memref<1x128x64xf32, #tpu.memory_space<vmem>>
      %dma_start3A_429 = tpu.memref_squeeze %dma_start3A_428 : memref<1x128x64xf32, #tpu.memory_space<vmem>> -> memref<128x64xf32, #tpu.memory_space<vmem>>
      %dma_start3A_430 = arith.constant 0 : i32
      %dma_start3A_431 = tpu.memref_slice %arg10[%add3A_327, %dma_start3A_430] : memref<10240x64xf32, #tpu.memory_space<vmem_shared>> -> memref<128x64xf32, #tpu.memory_space<vmem_shared>>
      tpu.enqueue_dma source(%dma_start3A_431 : memref<128x64xf32, #tpu.memory_space<vmem_shared>>) target(%dma_start3A_429 : memref<128x64xf32, #tpu.memory_space<vmem>>) target_semaphore(%run_scoped3A_419 : memref<!tpu.dma_semaphore, #tpu.memory_space<semaphore_mem>>)
      %dma_wait3A_432 = arith.constant 0 : i32
      %dma_wait3A_433 = arith.constant 0 : i32
      %dma_wait3A_434 = tpu.memref_slice %arg9[%run_scoped3A_328, %dma_wait3A_432, %dma_wait3A_433] : memref<2x128x64xf32, #tpu.memory_space<vmem>> -> memref<1x128x64xf32, #tpu.memory_space<vmem>>
      %dma_wait3A_435 = tpu.memref_squeeze %dma_wait3A_434 : memref<1x128x64xf32, #tpu.memory_space<vmem>> -> memref<128x64xf32, #tpu.memory_space<vmem>>
      %dma_wait3A_436 = arith.constant 0 : i32
      %dma_wait3A_437 = tpu.memref_slice %arg10[%add3A_327, %dma_wait3A_436] : memref<10240x64xf32, #tpu.memory_space<vmem_shared>> -> memref<128x64xf32, #tpu.memory_space<vmem_shared>>
      %dma_wait3A_438 = arith.constant 0 : i32
      %dma_wait3A_439 = arith.constant 0 : i32
      %dma_wait3A_440 = tpu.memref_slice %arg9[%run_scoped3A_328, %dma_wait3A_438, %dma_wait3A_439] : memref<2x128x64xf32, #tpu.memory_space<vmem>> -> memref<1x128x64xf32, #tpu.memory_space<vmem>>
      %dma_wait3A_441 = tpu.memref_squeeze %dma_wait3A_440 : memref<1x128x64xf32, #tpu.memory_space<vmem>> -> memref<128x64xf32, #tpu.memory_space<vmem>>
      %dma_wait3A_442 = arith.constant 0 : i32
      %dma_wait3A_443 = tpu.memref_slice %arg10[%add3A_327, %dma_wait3A_442] : memref<10240x64xf32, #tpu.memory_space<vmem_shared>> -> memref<128x64xf32, #tpu.memory_space<vmem_shared>>
      tpu.wait_dma2 semaphore(%run_scoped3A_419 : memref<!tpu.dma_semaphore, #tpu.memory_space<semaphore_mem>>) src(%dma_wait3A_443 : memref<128x64xf32, #tpu.memory_space<vmem_shared>>) dst(%dma_wait3A_441 : memref<128x64xf32, #tpu.memory_space<vmem>>)
      tpu.yield
    }) : () -> ()
    %mul3A_329 = arith.constant 10240 : i32
    %mul3A_330 = arith.muli %arg0, %mul3A_329 : i32
    %mul3A_331 = arith.constant 640 : i32
    %mul3A_332 = arith.muli %arg1, %mul3A_331 : i32
    %add3A_333 = arith.addi %mul3A_330, %mul3A_332 : i32
    %add3A_334 = arith.constant 384 : i32
    %add3A_335 = arith.addi %add3A_333, %add3A_334 : i32
    %dma_start3A_336 = arith.constant 1 : i32
    %dma_start3A_337 = arith.constant 0 : i32
    %dma_start3A_338 = arith.constant 0 : i32
    %dma_start3A_339 = tpu.memref_slice %arg9[%dma_start3A_336, %dma_start3A_337, %dma_start3A_338] : memref<2x128x64xf32, #tpu.memory_space<vmem>> -> memref<1x128x64xf32, #tpu.memory_space<vmem>>
    %dma_start3A_340 = tpu.memref_squeeze %dma_start3A_339 : memref<1x128x64xf32, #tpu.memory_space<vmem>> -> memref<128x64xf32, #tpu.memory_space<vmem>>
    %dma_start3A_341 = arith.constant 0 : i32
    %dma_start3A_342 = tpu.memref_slice %arg5[%add3A_335, %dma_start3A_341] : memref<20480x64xf32, #tpu.memory_space<hbm>> -> memref<128x64xf32, #tpu.memory_space<hbm>>
    %dma_start3A_343 = arith.constant 0 : i32
    %dma_start3A_344 = tpu.memref_slice %arg5[%add3A_335, %dma_start3A_343] : memref<20480x64xf32, #tpu.memory_space<hbm>> -> memref<128x64xf32, #tpu.memory_space<hbm>>
    %dma_start3A_345 = arith.constant 0 : i32
    %dma_start3A_346 = arith.constant 0 : i32
    %dma_start3A_347 = tpu.memref_slice %arg9[%dma_start3A_336, %dma_start3A_345, %dma_start3A_346] : memref<2x128x64xf32, #tpu.memory_space<vmem>> -> memref<1x128x64xf32, #tpu.memory_space<vmem>>
    %dma_start3A_348 = tpu.memref_squeeze %dma_start3A_347 : memref<1x128x64xf32, #tpu.memory_space<vmem>> -> memref<128x64xf32, #tpu.memory_space<vmem>>
    tpu.enqueue_dma source(%dma_start3A_348 : memref<128x64xf32, #tpu.memory_space<vmem>>) target(%dma_start3A_344 : memref<128x64xf32, #tpu.memory_space<hbm>>) target_semaphore(%arg11 : memref<!tpu.dma_semaphore, #tpu.memory_space<semaphore_mem>>)
    %mul3A_349 = arith.constant 10240 : i32
    %mul3A_350 = arith.muli %arg0, %mul3A_349 : i32
    %dma_wait3A_351 = arith.constant 1 : i32
    %dma_wait3A_352 = arith.constant 0 : i32
    %dma_wait3A_353 = arith.constant 0 : i32
    %dma_wait3A_354 = tpu.memref_slice %arg9[%dma_wait3A_351, %dma_wait3A_352, %dma_wait3A_353] : memref<2x128x64xf32, #tpu.memory_space<vmem>> -> memref<1x128x64xf32, #tpu.memory_space<vmem>>
    %dma_wait3A_355 = tpu.memref_squeeze %dma_wait3A_354 : memref<1x128x64xf32, #tpu.memory_space<vmem>> -> memref<128x64xf32, #tpu.memory_space<vmem>>
    %dma_wait3A_356 = arith.constant 0 : i32
    %dma_wait3A_357 = tpu.memref_slice %arg5[%mul3A_350, %dma_wait3A_356] : memref<20480x64xf32, #tpu.memory_space<hbm>> -> memref<128x64xf32, #tpu.memory_space<hbm>>
    %dma_wait3A_358 = arith.constant 0 : i32
    %dma_wait3A_359 = tpu.memref_slice %arg5[%mul3A_350, %dma_wait3A_358] : memref<20480x64xf32, #tpu.memory_space<hbm>> -> memref<128x64xf32, #tpu.memory_space<hbm>>
    %dma_wait3A_360 = arith.constant 0 : i32
    %dma_wait3A_361 = arith.constant 0 : i32
    %dma_wait3A_362 = tpu.memref_slice %arg9[%dma_wait3A_351, %dma_wait3A_360, %dma_wait3A_361] : memref<2x128x64xf32, #tpu.memory_space<vmem>> -> memref<1x128x64xf32, #tpu.memory_space<vmem>>
    %dma_wait3A_363 = tpu.memref_squeeze %dma_wait3A_362 : memref<1x128x64xf32, #tpu.memory_space<vmem>> -> memref<128x64xf32, #tpu.memory_space<vmem>>
    tpu.wait_dma2 semaphore(%arg11 : memref<!tpu.dma_semaphore, #tpu.memory_space<semaphore_mem>>) src(%dma_wait3A_363 : memref<128x64xf32, #tpu.memory_space<vmem>>) dst(%dma_wait3A_359 : memref<128x64xf32, #tpu.memory_space<hbm>>)
    %mul3A_364 = arith.constant 640 : i32
    %mul3A_365 = arith.muli %arg1, %mul3A_364 : i32
    %add3A_366 = arith.constant 512 : i32
    %add3A_367 = arith.addi %mul3A_365, %add3A_366 : i32
    %run_scoped3A_368 = arith.constant 0 : i32
    "tpu.region"() ({
      %run_scoped3A_419 = tpu.sem_alloc : memref<!tpu.dma_semaphore, #tpu.memory_space<semaphore_mem>>
      %dma_start3A_420 = arith.constant 0 : i32
      %dma_start3A_421 = arith.constant 0 : i32
      %dma_start3A_422 = tpu.memref_slice %arg9[%run_scoped3A_368, %dma_start3A_420, %dma_start3A_421] : memref<2x128x64xf32, #tpu.memory_space<vmem>> -> memref<1x128x64xf32, #tpu.memory_space<vmem>>
      %dma_start3A_423 = tpu.memref_squeeze %dma_start3A_422 : memref<1x128x64xf32, #tpu.memory_space<vmem>> -> memref<128x64xf32, #tpu.memory_space<vmem>>
      %dma_start3A_424 = arith.constant 0 : i32
      %dma_start3A_425 = tpu.memref_slice %arg10[%add3A_367, %dma_start3A_424] : memref<10240x64xf32, #tpu.memory_space<vmem_shared>> -> memref<128x64xf32, #tpu.memory_space<vmem_shared>>
      %dma_start3A_426 = arith.constant 0 : i32
      %dma_start3A_427 = arith.constant 0 : i32
      %dma_start3A_428 = tpu.memref_slice %arg9[%run_scoped3A_368, %dma_start3A_426, %dma_start3A_427] : memref<2x128x64xf32, #tpu.memory_space<vmem>> -> memref<1x128x64xf32, #tpu.memory_space<vmem>>
      %dma_start3A_429 = tpu.memref_squeeze %dma_start3A_428 : memref<1x128x64xf32, #tpu.memory_space<vmem>> -> memref<128x64xf32, #tpu.memory_space<vmem>>
      %dma_start3A_430 = arith.constant 0 : i32
      %dma_start3A_431 = tpu.memref_slice %arg10[%add3A_367, %dma_start3A_430] : memref<10240x64xf32, #tpu.memory_space<vmem_shared>> -> memref<128x64xf32, #tpu.memory_space<vmem_shared>>
      tpu.enqueue_dma source(%dma_start3A_431 : memref<128x64xf32, #tpu.memory_space<vmem_shared>>) target(%dma_start3A_429 : memref<128x64xf32, #tpu.memory_space<vmem>>) target_semaphore(%run_scoped3A_419 : memref<!tpu.dma_semaphore, #tpu.memory_space<semaphore_mem>>)
      %dma_wait3A_432 = arith.constant 0 : i32
      %dma_wait3A_433 = arith.constant 0 : i32
      %dma_wait3A_434 = tpu.memref_slice %arg9[%run_scoped3A_368, %dma_wait3A_432, %dma_wait3A_433] : memref<2x128x64xf32, #tpu.memory_space<vmem>> -> memref<1x128x64xf32, #tpu.memory_space<vmem>>
      %dma_wait3A_435 = tpu.memref_squeeze %dma_wait3A_434 : memref<1x128x64xf32, #tpu.memory_space<vmem>> -> memref<128x64xf32, #tpu.memory_space<vmem>>
      %dma_wait3A_436 = arith.constant 0 : i32
      %dma_wait3A_437 = tpu.memref_slice %arg10[%add3A_367, %dma_wait3A_436] : memref<10240x64xf32, #tpu.memory_space<vmem_shared>> -> memref<128x64xf32, #tpu.memory_space<vmem_shared>>
      %dma_wait3A_438 = arith.constant 0 : i32
      %dma_wait3A_439 = arith.constant 0 : i32
      %dma_wait3A_440 = tpu.memref_slice %arg9[%run_scoped3A_368, %dma_wait3A_438, %dma_wait3A_439] : memref<2x128x64xf32, #tpu.memory_space<vmem>> -> memref<1x128x64xf32, #tpu.memory_space<vmem>>
      %dma_wait3A_441 = tpu.memref_squeeze %dma_wait3A_440 : memref<1x128x64xf32, #tpu.memory_space<vmem>> -> memref<128x64xf32, #tpu.memory_space<vmem>>
      %dma_wait3A_442 = arith.constant 0 : i32
      %dma_wait3A_443 = tpu.memref_slice %arg10[%add3A_367, %dma_wait3A_442] : memref<10240x64xf32, #tpu.memory_space<vmem_shared>> -> memref<128x64xf32, #tpu.memory_space<vmem_shared>>
      tpu.wait_dma2 semaphore(%run_scoped3A_419 : memref<!tpu.dma_semaphore, #tpu.memory_space<semaphore_mem>>) src(%dma_wait3A_443 : memref<128x64xf32, #tpu.memory_space<vmem_shared>>) dst(%dma_wait3A_441 : memref<128x64xf32, #tpu.memory_space<vmem>>)
      tpu.yield
    }) : () -> ()
    %mul3A_369 = arith.constant 10240 : i32
    %mul3A_370 = arith.muli %arg0, %mul3A_369 : i32
    %mul3A_371 = arith.constant 640 : i32
    %mul3A_372 = arith.muli %arg1, %mul3A_371 : i32
    %add3A_373 = arith.addi %mul3A_370, %mul3A_372 : i32
    %add3A_374 = arith.constant 512 : i32
    %add3A_375 = arith.addi %add3A_373, %add3A_374 : i32
    %dma_start3A_376 = arith.constant 0 : i32
    %dma_start3A_377 = arith.constant 0 : i32
    %dma_start3A_378 = arith.constant 0 : i32
    %dma_start3A_379 = tpu.memref_slice %arg9[%dma_start3A_376, %dma_start3A_377, %dma_start3A_378] : memref<2x128x64xf32, #tpu.memory_space<vmem>> -> memref<1x128x64xf32, #tpu.memory_space<vmem>>
    %dma_start3A_380 = tpu.memref_squeeze %dma_start3A_379 : memref<1x128x64xf32, #tpu.memory_space<vmem>> -> memref<128x64xf32, #tpu.memory_space<vmem>>
    %dma_start3A_381 = arith.constant 0 : i32
    %dma_start3A_382 = tpu.memref_slice %arg5[%add3A_375, %dma_start3A_381] : memref<20480x64xf32, #tpu.memory_space<hbm>> -> memref<128x64xf32, #tpu.memory_space<hbm>>
    %dma_start3A_383 = arith.constant 0 : i32
    %dma_start3A_384 = tpu.memref_slice %arg5[%add3A_375, %dma_start3A_383] : memref<20480x64xf32, #tpu.memory_space<hbm>> -> memref<128x64xf32, #tpu.memory_space<hbm>>
    %dma_start3A_385 = arith.constant 0 : i32
    %dma_start3A_386 = arith.constant 0 : i32
    %dma_start3A_387 = tpu.memref_slice %arg9[%dma_start3A_376, %dma_start3A_385, %dma_start3A_386] : memref<2x128x64xf32, #tpu.memory_space<vmem>> -> memref<1x128x64xf32, #tpu.memory_space<vmem>>
    %dma_start3A_388 = tpu.memref_squeeze %dma_start3A_387 : memref<1x128x64xf32, #tpu.memory_space<vmem>> -> memref<128x64xf32, #tpu.memory_space<vmem>>
    tpu.enqueue_dma source(%dma_start3A_388 : memref<128x64xf32, #tpu.memory_space<vmem>>) target(%dma_start3A_384 : memref<128x64xf32, #tpu.memory_space<hbm>>) target_semaphore(%arg11 : memref<!tpu.dma_semaphore, #tpu.memory_space<semaphore_mem>>)
    %mul3A_389 = arith.constant 10240 : i32
    %mul3A_390 = arith.muli %arg0, %mul3A_389 : i32
    %dma_wait3A_391 = arith.constant 0 : i32
    %dma_wait3A_392 = arith.constant 0 : i32
    %dma_wait3A_393 = arith.constant 0 : i32
    %dma_wait3A_394 = tpu.memref_slice %arg9[%dma_wait3A_391, %dma_wait3A_392, %dma_wait3A_393] : memref<2x128x64xf32, #tpu.memory_space<vmem>> -> memref<1x128x64xf32, #tpu.memory_space<vmem>>
    %dma_wait3A_395 = tpu.memref_squeeze %dma_wait3A_394 : memref<1x128x64xf32, #tpu.memory_space<vmem>> -> memref<128x64xf32, #tpu.memory_space<vmem>>
    %dma_wait3A_396 = arith.constant 0 : i32
    %dma_wait3A_397 = tpu.memref_slice %arg5[%mul3A_390, %dma_wait3A_396] : memref<20480x64xf32, #tpu.memory_space<hbm>> -> memref<128x64xf32, #tpu.memory_space<hbm>>
    %dma_wait3A_398 = arith.constant 0 : i32
    %dma_wait3A_399 = tpu.memref_slice %arg5[%mul3A_390, %dma_wait3A_398] : memref<20480x64xf32, #tpu.memory_space<hbm>> -> memref<128x64xf32, #tpu.memory_space<hbm>>
    %dma_wait3A_400 = arith.constant 0 : i32
    %dma_wait3A_401 = arith.constant 0 : i32
    %dma_wait3A_402 = tpu.memref_slice %arg9[%dma_wait3A_391, %dma_wait3A_400, %dma_wait3A_401] : memref<2x128x64xf32, #tpu.memory_space<vmem>> -> memref<1x128x64xf32, #tpu.memory_space<vmem>>
    %dma_wait3A_403 = tpu.memref_squeeze %dma_wait3A_402 : memref<1x128x64xf32, #tpu.memory_space<vmem>> -> memref<128x64xf32, #tpu.memory_space<vmem>>
    tpu.wait_dma2 semaphore(%arg11 : memref<!tpu.dma_semaphore, #tpu.memory_space<semaphore_mem>>) src(%dma_wait3A_403 : memref<128x64xf32, #tpu.memory_space<vmem>>) dst(%dma_wait3A_399 : memref<128x64xf32, #tpu.memory_space<hbm>>)
    %mul3A_404 = arith.constant 10240 : i32
    %mul3A_405 = arith.muli %arg0, %mul3A_404 : i32
    %dma_wait3A_406 = arith.constant 0 : i32
    %dma_wait3A_407 = arith.constant 0 : i32
    %dma_wait3A_408 = arith.constant 0 : i32
    %dma_wait3A_409 = tpu.memref_slice %arg9[%dma_wait3A_406, %dma_wait3A_407, %dma_wait3A_408] : memref<2x128x64xf32, #tpu.memory_space<vmem>> -> memref<1x128x64xf32, #tpu.memory_space<vmem>>
    %dma_wait3A_410 = tpu.memref_squeeze %dma_wait3A_409 : memref<1x128x64xf32, #tpu.memory_space<vmem>> -> memref<128x64xf32, #tpu.memory_space<vmem>>
    %dma_wait3A_411 = arith.constant 0 : i32
    %dma_wait3A_412 = tpu.memref_slice %arg5[%mul3A_405, %dma_wait3A_411] : memref<20480x64xf32, #tpu.memory_space<hbm>> -> memref<128x64xf32, #tpu.memory_space<hbm>>
    %dma_wait3A_413 = arith.constant 0 : i32
    %dma_wait3A_414 = tpu.memref_slice %arg5[%mul3A_405, %dma_wait3A_413] : memref<20480x64xf32, #tpu.memory_space<hbm>> -> memref<128x64xf32, #tpu.memory_space<hbm>>
    %dma_wait3A_415 = arith.constant 0 : i32
    %dma_wait3A_416 = arith.constant 0 : i32
    %dma_wait3A_417 = tpu.memref_slice %arg9[%dma_wait3A_406, %dma_wait3A_415, %dma_wait3A_416] : memref<2x128x64xf32, #tpu.memory_space<vmem>> -> memref<1x128x64xf32, #tpu.memory_space<vmem>>
    %dma_wait3A_418 = tpu.memref_squeeze %dma_wait3A_417 : memref<1x128x64xf32, #tpu.memory_space<vmem>> -> memref<128x64xf32, #tpu.memory_space<vmem>>
    tpu.wait_dma2 semaphore(%arg11 : memref<!tpu.dma_semaphore, #tpu.memory_space<semaphore_mem>>) src(%dma_wait3A_418 : memref<128x64xf32, #tpu.memory_space<vmem>>) dst(%dma_wait3A_414 : memref<128x64xf32, #tpu.memory_space<hbm>>)
    return
  }
}

module attributes {stable_mosaic.version = 14 : i64} {
  func.func @_tc_mm_body(%arg0: i32, %arg1: memref<5120x128xf32, #tpu.memory_space<vmem>>, %arg2: memref<128x64xf32, #tpu.memory_space<vmem>>, %arg3: memref<5120x64xf32, #tpu.memory_space<vmem>>) attributes {dimension_semantics = [#tpu.dimension_semantics<arbitrary>], iteration_bounds = array<i64: 2>, scalar_prefetch = 0 : i64, scratch_operands = 0 : i64, tpu.core_type = #tpu.core_type<tc>, window_params = [{transform_indices = @transform_0, window_bounds = array<i64: 5120, 128>}, {pipeline_mode = #tpu.pipeline_mode<synchronous>, transform_indices = @transform_1, window_bounds = array<i64: 128, 64>}, {transform_indices = @transform_2, window_bounds = array<i64: 5120, 64>}]} {
    %get3A = arith.constant 0 : index
    %get3A_0 = arith.constant 0 : index
    %get3A_1 = vector.load %arg1[%get3A, %get3A_0] : memref<5120x128xf32, #tpu.memory_space<vmem>>, vector<5120x128xf32>
    %get3A_2 = arith.constant 0 : index
    %get3A_3 = arith.constant 0 : index
    %get3A_4 = vector.load %arg2[%get3A_2, %get3A_3] : memref<128x64xf32, #tpu.memory_space<vmem>>, vector<128x64xf32>
    %dot_general3A = arith.constant dense<0.000000e+00> : vector<5120x64xf32>
    %dot_general3A_5 = tpu.matmul %get3A_1, %get3A_4, %dot_general3A {dimension_numbers = #tpu.dot_dimension_numbers<[1], [0], [0], [1], [0, 0, 1, 1], [], []>, transpose_lhs_hint = false} : vector<5120x128xf32>, vector<128x64xf32>, vector<5120x64xf32> -> vector<5120x64xf32>
    %swap3A = arith.constant 0 : index
    %swap3A_6 = arith.constant 0 : index
    %swap3A_7 = vector.load %arg3[%swap3A, %swap3A_6] : memref<5120x64xf32, #tpu.memory_space<vmem>>, vector<5120x64xf32>
    tpu.vector_store %arg3[%swap3A, %swap3A_6], %dot_general3A_5 {strides = array<i32>} : memref<5120x64xf32, #tpu.memory_space<vmem>>, vector<5120x64xf32>,
    return
  }
  func.func @transform_0(%arg0: i32) -> (i32, i32) {
    %c0_i32 = arith.constant 0 : i32
    %c0_i32_0 = arith.constant 0 : i32
    return %arg0, %c0_i32 : i32, i32
  }
  func.func @transform_1(%arg0: i32) -> (i32, i32) {
    %c0_i32 = arith.constant 0 : i32
    %c0_i32_0 = arith.constant 0 : i32
    %c0_i32_1 = arith.constant 0 : i32
    return %c0_i32, %c0_i32_0 : i32, i32
  }
  func.func @transform_2(%arg0: i32) -> (i32, i32) {
    %c0_i32 = arith.constant 0 : i32
    %c0_i32_0 = arith.constant 0 : i32
    return %arg0, %c0_i32 : i32, i32
  }
}

module attributes {stable_mosaic.version = 14 : i64} {
  func.func @_tc_scale_body(%arg0: i32, %arg1: memref<5120x64xf32, #tpu.memory_space<vmem>>, %arg2: memref<5120x16xf32, #tpu.memory_space<vmem>>, %arg3: memref<5120x16xf32, #tpu.memory_space<vmem>>, %arg4: memref<8x64xf32, #tpu.memory_space<vmem>>, %arg5: memref<5120x64xf32, #tpu.memory_space<vmem>>, %arg6: memref<5120x64xf32, #tpu.memory_space<vmem>>) attributes {dimension_semantics = [#tpu.dimension_semantics<arbitrary>], iteration_bounds = array<i64: 2>, scalar_prefetch = 0 : i64, scratch_operands = 0 : i64, tpu.core_type = #tpu.core_type<tc>, window_params = [{transform_indices = @transform_0, window_bounds = array<i64: 5120, 64>}, {transform_indices = @transform_1, window_bounds = array<i64: 5120, 16>}, {transform_indices = @transform_2, window_bounds = array<i64: 5120, 16>}, {pipeline_mode = #tpu.pipeline_mode<synchronous>, transform_indices = @transform_3, window_bounds = array<i64: 8, 64>}, {transform_indices = @transform_4, window_bounds = array<i64: 5120, 64>}, {transform_indices = @transform_5, window_bounds = array<i64: 5120, 64>}]} {
    %get3A = arith.constant 0 : index
    %get3A_0 = arith.constant 0 : index
    %get3A_1 = vector.load %arg1[%get3A, %get3A_0] : memref<5120x64xf32, #tpu.memory_space<vmem>>, vector<5120x64xf32>
    %get3A_2 = arith.constant 0 : index
    %get3A_3 = arith.constant 0 : index
    %get3A_4 = vector.load %arg2[%get3A_2, %get3A_3] : memref<5120x16xf32, #tpu.memory_space<vmem>>, vector<5120x16xf32>
    %slice3A = vector.extract_strided_slice %get3A_4 {offsets = [0, 0], sizes = [5120, 1], strides = [1, 1]} : vector<5120x16xf32> to vector<5120x1xf32>
    %squeeze3A = vector.shape_cast %slice3A : vector<5120x1xf32> to vector<5120xf32>
    %get3A_5 = arith.constant 0 : index
    %get3A_6 = arith.constant 0 : index
    %get3A_7 = vector.load %arg3[%get3A_5, %get3A_6] : memref<5120x16xf32, #tpu.memory_space<vmem>>, vector<5120x16xf32>
    %slice3A_8 = vector.extract_strided_slice %get3A_7 {offsets = [0, 0], sizes = [5120, 1], strides = [1, 1]} : vector<5120x16xf32> to vector<5120x1xf32>
    %squeeze3A_9 = vector.shape_cast %slice3A_8 : vector<5120x1xf32> to vector<5120xf32>
    %add3A = arith.addf %squeeze3A, %squeeze3A_9 : vector<5120xf32>
    %add3A_10 = arith.constant 1.000000e+00 : f32
    %add3A_11 = vector.broadcast %add3A_10 : f32 to vector<5120xf32>
    %add3A_12 = arith.addf %add3A, %add3A_11 : vector<5120xf32>
    %rsqrt3A = math.rsqrt %add3A_12 : vector<5120xf32>
    %broadcast_in_dim3A = vector.shape_cast %rsqrt3A : vector<5120xf32> to vector<5120x1xf32>
    %mul3A = vector.broadcast %broadcast_in_dim3A : vector<5120x1xf32> to vector<5120x64xf32>
    %mul3A_13 = arith.mulf %mul3A, %get3A_1 : vector<5120x64xf32>
    %swap3A = arith.constant 0 : index
    %swap3A_14 = arith.constant 0 : index
    %swap3A_15 = vector.load %arg5[%swap3A, %swap3A_14] : memref<5120x64xf32, #tpu.memory_space<vmem>>, vector<5120x64xf32>
    tpu.vector_store %arg5[%swap3A, %swap3A_14], %mul3A_13 {strides = array<i32>} : memref<5120x64xf32, #tpu.memory_space<vmem>>, vector<5120x64xf32>,
    %mul3A_16 = arith.mulf %broadcast_in_dim3A, %broadcast_in_dim3A : vector<5120x1xf32>
    %mul3A_17 = vector.broadcast %mul3A_16 : vector<5120x1xf32> to vector<5120x64xf32>
    %mul3A_18 = arith.mulf %mul3A_17, %get3A_1 : vector<5120x64xf32>
    %get3A_19 = arith.constant 0 : index
    %get3A_20 = arith.constant 0 : index
    %get3A_21 = vector.load %arg4[%get3A_19, %get3A_20] : memref<8x64xf32, #tpu.memory_space<vmem>>, vector<8x64xf32>
    %slice3A_22 = vector.extract_strided_slice %get3A_21 {offsets = [0, 0], sizes = [1, 64], strides = [1, 1]} : vector<8x64xf32> to vector<1x64xf32>
    %add3A_23 = vector.broadcast %slice3A_22 : vector<1x64xf32> to vector<5120x64xf32>
    %add3A_24 = arith.addf %mul3A_18, %add3A_23 : vector<5120x64xf32>
    %swap3A_25 = arith.constant 0 : index
    %swap3A_26 = arith.constant 0 : index
    %swap3A_27 = vector.load %arg6[%swap3A_25, %swap3A_26] : memref<5120x64xf32, #tpu.memory_space<vmem>>, vector<5120x64xf32>
    tpu.vector_store %arg6[%swap3A_25, %swap3A_26], %add3A_24 {strides = array<i32>} : memref<5120x64xf32, #tpu.memory_space<vmem>>, vector<5120x64xf32>,
    return
  }
  func.func @transform_0(%arg0: i32) -> (i32, i32) {
    %c0_i32 = arith.constant 0 : i32
    %c0_i32_0 = arith.constant 0 : i32
    return %arg0, %c0_i32 : i32, i32
  }
  func.func @transform_1(%arg0: i32) -> (i32, i32) {
    %c0_i32 = arith.constant 0 : i32
    %c0_i32_0 = arith.constant 0 : i32
    return %arg0, %c0_i32 : i32, i32
  }
  func.func @transform_2(%arg0: i32) -> (i32, i32) {
    %add3A = arith.constant 2 : i32
    %add3A_0 = arith.addi %arg0, %add3A : i32
    %c0_i32 = arith.constant 0 : i32
    %c0_i32_1 = arith.constant 0 : i32
    return %add3A_0, %c0_i32 : i32, i32
  }
  func.func @transform_3(%arg0: i32) -> (i32, i32) {
    %c0_i32 = arith.constant 0 : i32
    %c0_i32_0 = arith.constant 0 : i32
    %c0_i32_1 = arith.constant 0 : i32
    return %c0_i32, %c0_i32_0 : i32, i32
  }
  func.func @transform_4(%arg0: i32) -> (i32, i32) {
    %c0_i32 = arith.constant 0 : i32
    %c0_i32_0 = arith.constant 0 : i32
    return %arg0, %c0_i32 : i32, i32
  }
  func.func @transform_5(%arg0: i32) -> (i32, i32) {
    %c0_i32 = arith.constant 0 : i32
    %c0_i32_0 = arith.constant 0 : i32
    return %arg0, %c0_i32 : i32, i32
  }
}

module attributes {stable_mosaic.version = 14 : i64} {
  func.func @_tc_post_body(%arg0: i32, %arg1: memref<5120x64xf32, #tpu.memory_space<vmem>>, %arg2: memref<5120x64xf32, #tpu.memory_space<vmem>>, %arg3: memref<5120x64xf32, #tpu.memory_space<vmem>>, %arg4: memref<5120x16xf32, #tpu.memory_space<vmem>>, %arg5: memref<5120x16xf32, #tpu.memory_space<vmem>>, %arg6: memref<64x4xf32, #tpu.memory_space<vmem>>, %arg7: memref<8x4xf32, #tpu.memory_space<vmem>>, %arg8: memref<5120x4xf32, #tpu.memory_space<vmem>>) attributes {dimension_semantics = [#tpu.dimension_semantics<arbitrary>], iteration_bounds = array<i64: 2>, scalar_prefetch = 0 : i64, scratch_operands = 0 : i64, tpu.core_type = #tpu.core_type<tc>, window_params = [{transform_indices = @transform_0, window_bounds = array<i64: 5120, 64>}, {transform_indices = @transform_1, window_bounds = array<i64: 5120, 64>}, {transform_indices = @transform_2, window_bounds = array<i64: 5120, 64>}, {transform_indices = @transform_3, window_bounds = array<i64: 5120, 16>}, {transform_indices = @transform_4, window_bounds = array<i64: 5120, 16>}, {pipeline_mode = #tpu.pipeline_mode<synchronous>, transform_indices = @transform_5, window_bounds = array<i64: 64, 4>}, {pipeline_mode = #tpu.pipeline_mode<synchronous>, transform_indices = @transform_6, window_bounds = array<i64: 8, 4>}, {transform_indices = @transform_7, window_bounds = array<i64: 5120, 4>}]} {
    %get3A = arith.constant 0 : index
    %get3A_0 = arith.constant 0 : index
    %get3A_1 = vector.load %arg4[%get3A, %get3A_0] : memref<5120x16xf32, #tpu.memory_space<vmem>>, vector<5120x16xf32>
    %slice3A = vector.extract_strided_slice %get3A_1 {offsets = [0, 0], sizes = [5120, 1], strides = [1, 1]} : vector<5120x16xf32> to vector<5120x1xf32>
    %squeeze3A = vector.shape_cast %slice3A : vector<5120x1xf32> to vector<5120xf32>
    %get3A_2 = arith.constant 0 : index
    %get3A_3 = arith.constant 0 : index
    %get3A_4 = vector.load %arg5[%get3A_2, %get3A_3] : memref<5120x16xf32, #tpu.memory_space<vmem>>, vector<5120x16xf32>
    %slice3A_5 = vector.extract_strided_slice %get3A_4 {offsets = [0, 0], sizes = [5120, 1], strides = [1, 1]} : vector<5120x16xf32> to vector<5120x1xf32>
    %squeeze3A_6 = vector.shape_cast %slice3A_5 : vector<5120x1xf32> to vector<5120xf32>
    %add3A = arith.addf %squeeze3A, %squeeze3A_6 : vector<5120xf32>
    %add3A_7 = arith.constant 1.000000e+00 : f32
    %add3A_8 = vector.broadcast %add3A_7 : f32 to vector<5120xf32>
    %add3A_9 = arith.addf %add3A, %add3A_8 : vector<5120xf32>
    %rsqrt3A = math.rsqrt %add3A_9 : vector<5120xf32>
    %broadcast_in_dim3A = vector.shape_cast %rsqrt3A : vector<5120xf32> to vector<5120x1xf32>
    %get3A_10 = arith.constant 0 : index
    %get3A_11 = arith.constant 0 : index
    %get3A_12 = vector.load %arg1[%get3A_10, %get3A_11] : memref<5120x64xf32, #tpu.memory_space<vmem>>, vector<5120x64xf32>
    %get3A_13 = arith.constant 0 : index
    %get3A_14 = arith.constant 0 : index
    %get3A_15 = vector.load %arg2[%get3A_13, %get3A_14] : memref<5120x64xf32, #tpu.memory_space<vmem>>, vector<5120x64xf32>
    %add3A_16 = arith.addf %get3A_12, %get3A_15 : vector<5120x64xf32>
    %mul3A = vector.broadcast %broadcast_in_dim3A : vector<5120x1xf32> to vector<5120x64xf32>
    %mul3A_17 = arith.mulf %mul3A, %add3A_16 : vector<5120x64xf32>
    %get3A_18 = arith.constant 0 : index
    %get3A_19 = arith.constant 0 : index
    %get3A_20 = vector.load %arg3[%get3A_18, %get3A_19] : memref<5120x64xf32, #tpu.memory_space<vmem>>, vector<5120x64xf32>
    %add3A_21 = arith.addf %mul3A_17, %get3A_20 : vector<5120x64xf32>
    %max3A = arith.constant 0.000000e+00 : f32
    %max3A_22 = vector.broadcast %max3A : f32 to vector<5120x64xf32>
    %max3A_23 = arith.maximumf %add3A_21, %max3A_22 : vector<5120x64xf32>
    %get3A_24 = arith.constant 0 : index
    %get3A_25 = arith.constant 0 : index
    %get3A_26 = vector.load %arg6[%get3A_24, %get3A_25] : memref<64x4xf32, #tpu.memory_space<vmem>>, vector<64x4xf32>
    %dot_general3A = arith.constant dense<0.000000e+00> : vector<5120x4xf32>
    %dot_general3A_27 = tpu.matmul %max3A_23, %get3A_26, %dot_general3A {dimension_numbers = #tpu.dot_dimension_numbers<[1], [0], [0], [1], [0, 0, 1, 1], [], []>, transpose_lhs_hint = false} : vector<5120x64xf32>, vector<64x4xf32>, vector<5120x4xf32> -> vector<5120x4xf32>
    %get3A_28 = arith.constant 0 : index
    %get3A_29 = arith.constant 0 : index
    %get3A_30 = vector.load %arg7[%get3A_28, %get3A_29] : memref<8x4xf32, #tpu.memory_space<vmem>>, vector<8x4xf32>
    %slice3A_31 = vector.extract_strided_slice %get3A_30 {offsets = [0, 0], sizes = [1, 4], strides = [1, 1]} : vector<8x4xf32> to vector<1x4xf32>
    %add3A_32 = vector.broadcast %slice3A_31 : vector<1x4xf32> to vector<5120x4xf32>
    %add3A_33 = arith.addf %dot_general3A_27, %add3A_32 : vector<5120x4xf32>
    %swap3A = arith.constant 0 : index
    %swap3A_34 = arith.constant 0 : index
    %swap3A_35 = vector.load %arg8[%swap3A, %swap3A_34] : memref<5120x4xf32, #tpu.memory_space<vmem>>, vector<5120x4xf32>
    tpu.vector_store %arg8[%swap3A, %swap3A_34], %add3A_33 {strides = array<i32>} : memref<5120x4xf32, #tpu.memory_space<vmem>>, vector<5120x4xf32>,
    return
  }
  func.func @transform_0(%arg0: i32) -> (i32, i32) {
    %c0_i32 = arith.constant 0 : i32
    %c0_i32_0 = arith.constant 0 : i32
    return %arg0, %c0_i32 : i32, i32
  }
  func.func @transform_1(%arg0: i32) -> (i32, i32) {
    %add3A = arith.constant 2 : i32
    %add3A_0 = arith.addi %arg0, %add3A : i32
    %c0_i32 = arith.constant 0 : i32
    %c0_i32_1 = arith.constant 0 : i32
    return %add3A_0, %c0_i32 : i32, i32
  }
  func.func @transform_2(%arg0: i32) -> (i32, i32) {
    %c0_i32 = arith.constant 0 : i32
    %c0_i32_0 = arith.constant 0 : i32
    return %arg0, %c0_i32 : i32, i32
  }
  func.func @transform_3(%arg0: i32) -> (i32, i32) {
    %c0_i32 = arith.constant 0 : i32
    %c0_i32_0 = arith.constant 0 : i32
    return %arg0, %c0_i32 : i32, i32
  }
  func.func @transform_4(%arg0: i32) -> (i32, i32) {
    %add3A = arith.constant 2 : i32
    %add3A_0 = arith.addi %arg0, %add3A : i32
    %c0_i32 = arith.constant 0 : i32
    %c0_i32_1 = arith.constant 0 : i32
    return %add3A_0, %c0_i32 : i32, i32
  }
  func.func @transform_5(%arg0: i32) -> (i32, i32) {
    %c0_i32 = arith.constant 0 : i32
    %c0_i32_0 = arith.constant 0 : i32
    %c0_i32_1 = arith.constant 0 : i32
    return %c0_i32, %c0_i32_0 : i32, i32
  }
  func.func @transform_6(%arg0: i32) -> (i32, i32) {
    %c0_i32 = arith.constant 0 : i32
    %c0_i32_0 = arith.constant 0 : i32
    %c0_i32_1 = arith.constant 0 : i32
    return %c0_i32, %c0_i32_0 : i32, i32
  }
  func.func @transform_7(%arg0: i32) -> (i32, i32) {
    %c0_i32 = arith.constant 0 : i32
    %c0_i32_0 = arith.constant 0 : i32
    return %arg0, %c0_i32 : i32, i32
  }
}

</mosaic_0001>

<sc_bundles>
// kernel: kernel.11.cloned.1.call-start
scs
__scs_entry_jumppad:
0x0: {  	(pc) =	sbr.rel $0x88, $3  }
0x1: {  	(tag) =	ssettag $0x0;
	lr =	simm.s32 $0x1  }
0x2: {  	[smem:$0x3F99] =	sst lr;
	_ =	strace $0xD0000000  }
0x3: {  	_ = 	snop  }
0x4: {  	_ = 	snop  }
0x5: {  	_ = 	snop  }
0x6: {  	_ = 	snop  }
0x7: {  	_ = 	snop  }
__scs_overlays_trampoline_lowered:
0x8: {  	[smem:$0x3FA8] =	sst s0  }
0x9: {  	[smem:$0x3FA9] =	sst s1  }
0xa: {  	[smem:$0x3FAA] =	sst s2  }
0xb: {  	[smem:$0x3FAB] =	sst s3  }
0xc: {  	[smem:$0x3FAC] =	sst s4  }
0xd: {  	[smem:$0x3FAD] =	sst s5  }
0xe: {  	[smem:$0x3FAE] =	sst s6  }
0xf: {  	[smem:$0x3FAF] =	sst s7  }
0x10: {  	[smem:$0x3FB0] =	sst s8  }
0x11: {  	[smem:$0x3FB1] =	sst s9;
	s0 =	simm.s32 @!p0 $0x0  }
0x12: {  	s1 =	sld [smem:$0x3F97];
	s0 =	simm.s32 @p0 $0x1  }
0x13: {  	[smem:$0x3FB2] =	sst s0;
	s0 =	simm.s32 @!p1 $0x0  }
0x14: {  	s2 =	sld [smem:$0x3F96];
	s0 =	simm.s32 @p1 $0x1  }
0x15: {  	[smem:$0x3FB3] =	sst s0;
	s0 =	simm.s32 @!p2 $0x0  }
0x16: {  	s3 =	sld [smem:$0x3FDB];
	s0 =	simm.s32 @p2 $0x1  }
0x17: {  	s4 =	simm.s32 $0x1BF5;
	[smem:$0x3FB5] =	sst s0  }
0x18: {  	s0 =	sld [smem:$0x3F98];
	_ =	swait.ge [sflag:s4], $0x0  }
0x19: {  	s7 =	sld [smem:$0x3F99]  }
0x1a: {  	s8 =	sadd.s32 $0xFFFFE003, lr  }
0x1b: {  	s9 =	sadd.s32 $0xFFFFFEF7, lr;
	s5 =	simm.s32 $0xFFFFFFFF;
	p2 =	slt.u32 s8, $0xFFFFF086  }
0x1c: {  	p1 =	slt.u32 s9, $0xF7A;
	s5 =	simm.s32 @!p2 $0x0  }
0x1d: {  	s5 =	simm.s32 @p1 $0x1;
	p0 =	seq.s32 s7, s2  }
0x1e: {  	s7 =	smul.u32 @!p0 $0xF7A, s2;
	p2 =	seq.s32 @!p0 s5, $0x0  }
0x1f: {  	s9 =	smul.u32 $0xF7A, s1;
	s8 =	simm.s32 @!p0 $0x1BF5;
	p2 =	por !p2, p0  }
0x20: {  	[sflag:s8] =	ssyncset.s32 @!p0 $0xFFFFF086;
	s6 =	sadd.s32 @!p0 s3, s7;
	s7 =	simm.s32 @!p0 $0x108  }
0x21: {  	s3 =	sadd.s32 s3, s9;
	s6 =	sadd.s32 @!p0 $0x88, s6;
	s7 =	simm.s32 @p2 $0x1082  }
0x22: {  	[simem:s7], [sflag:s8] =	dma.local @!p0 [hbm:s6], $0xF7A  }
0x23: {  	s9 =	sor.u32 $0xD0000000, s2;
	s6 =	simm.s32 $0x108;
	_ =	swait.ge @!p0 [sflag:s8], $0x0  }
0x24: {  	s3 =	sadd.s32 $0x88, s3;
	s6 =	simm.s32 @!p1 $0x1082;
	[sflag:s4] =	ssyncset.s32 $0xFFFFF086  }
0x25: {  	[simem:s6], [sflag:s4] =	dma.local [hbm:s3], $0xF7A  }
0x26: {  	[smem:$0x3F99] =	sst s1;
	(tag) =	ssettag s2;
	_ =	strace s9  }
0x27: {  	s1 =	sld [smem:$0x3FA9]  }
0x28: {  	s2 =	sld [smem:$0x3FAA]  }
0x29: {  	s4 =	sld [smem:$0x3FAC]  }
0x2a: {  	p0 =	seq.s32 s5, $0x0;
	s5 =	sld [smem:$0x3FAD]  }
0x2b: {  	s6 =	sld [smem:$0x3FAE]  }
0x2c: {  	s7 =	sld [smem:$0x3FAF]  }
0x2d: {  	s3 =	simm.s32 $0x108;
	s8 =	sld [smem:$0x3FB0]  }
0x2e: {  	s3 =	simm.s32 @!p0 $0x1082;
	s9 =	sld [smem:$0x3FB1]  }
0x2f: {  	lr =	sadd.s32 s0, s3;
	s0 =	sld [smem:$0x3FA8]  }
0x30: {  	s3 =	sld [smem:$0x3FAB]  }
0x31: {  	[smem:$0x3FB4] =	sst s10  }
0x32: {  	s10 =	sld [smem:$0x3FB2];
	_ =	sdelay $0x3  }
0x33: {  	p0 =	seq.s32 s10, $0x1;
	s10 =	sld [smem:$0x3FB4];
	_ =	sdelay $0x3  }
0x34: {  	[smem:$0x3FB4] =	sst s10  }
0x35: {  	s10 =	sld [smem:$0x3FB3];
	_ =	sdelay $0x3  }
0x36: {  	p1 =	seq.s32 s10, $0x1;
	s10 =	sld [smem:$0x3FB4];
	_ =	sdelay $0x3  }
0x37: {  	[smem:$0x3FB4] =	sst s10  }
0x38: {  	s10 =	sld [smem:$0x3FB5]  }
0x39: {  	_ = 	snop;
	(pc) =	sbr.ind lr, $3  }
0x3a: {  	_ = 	snop  }
0x3b: {  	_ = 	snop  }
0x3c: {  	p2 =	seq.s32 s10, $0x1;
	s10 =	sld [smem:$0x3FB4]  }
0x3d: {  	_ =	shalt  }
0x3e: {  	_ =	shalt  }
0x3f: {  	_ =	shalt  }
0x40: {  	_ =	shalt  }
0x41: {  	_ =	shalt  }
0x42: {  	_ =	shalt  }
0x43: {  	_ =	shalt  }
0x44: {  	_ =	shalt  }
0x45: {  	_ =	shalt  }
0x46: {  	_ =	shalt  }
0x47: {  	_ =	shalt  }
0x48: {  	_ =	shalt  }
0x49: {  	_ =	shalt  }
0x4a: {  	_ =	shalt  }
0x4b: {  	_ =	shalt  }
0x4c: {  	_ =	shalt  }
0x4d: {  	_ =	shalt  }
0x4e: {  	_ =	shalt  }
0x4f: {  	_ =	shalt  }
0x50: {  	_ =	shalt  }
0x51: {  	_ =	shalt  }
0x52: {  	_ =	shalt  }
0x53: {  	_ =	shalt  }
0x54: {  	_ =	shalt  }
0x55: {  	_ =	shalt  }
0x56: {  	_ =	shalt  }
0x57: {  	_ =	shalt  }
0x58: {  	_ =	shalt  }
0x59: {  	_ =	shalt  }
0x5a: {  	_ =	shalt  }
0x5b: {  	_ =	shalt  }
0x5c: {  	_ =	shalt  }
0x5d: {  	_ =	shalt  }
0x5e: {  	_ =	shalt  }
0x5f: {  	_ =	shalt  }
0x60: {  	_ =	shalt  }
0x61: {  	_ =	shalt  }
0x62: {  	_ =	shalt  }
0x63: {  	_ =	shalt  }
0x64: {  	_ =	shalt  }
0x65: {  	_ =	shalt  }
0x66: {  	_ =	shalt  }
0x67: {  	_ =	shalt  }
0x68: {  	_ =	shalt  }
0x69: {  	_ =	shalt  }
0x6a: {  	_ =	shalt  }
0x6b: {  	_ =	shalt  }
0x6c: {  	_ =	shalt  }
0x6d: {  	_ =	shalt  }
0x6e: {  	_ =	shalt  }
0x6f: {  	_ =	shalt  }
0x70: {  	_ =	shalt  }
0x71: {  	_ =	shalt  }
0x72: {  	_ =	shalt  }
0x73: {  	_ =	shalt  }
0x74: {  	_ =	shalt  }
0x75: {  	_ =	shalt  }
0x76: {  	_ =	shalt  }
0x77: {  	_ =	shalt  }
0x78: {  	_ =	shalt  }
0x79: {  	_ =	shalt  }
0x7a: {  	_ =	shalt  }
0x7b: {  	_ =	shalt  }
0x7c: {  	_ =	shalt  }
0x7d: {  	_ =	shalt  }
0x7e: {  	_ =	shalt  }
0x7f: {  	_ =	shalt  }
0x80: {  	_ =	shalt  }
0x81: {  	_ =	shalt  }
0x82: {  	_ =	shalt  }
0x83: {  	_ =	shalt  }
0x84: {  	_ =	shalt  }
0x85: {  	_ =	shalt  }
0x86: {  	_ =	shalt  }
0x87: {  	_ =	shalt  }
.Lfunc_end0:
.L_simem_size_0:
called_computation.1_lowered:
.L_overlay_start_0:
0x88: {  	s2 =	sld [smem:$0x3FD9]  }
0x89: {  	s3 =	sld [smem:$0x3FFE];
	_ =	sdelay $0x1  }
0x8a: {  	s1 =	srdreg.scid  }
0x8b: {  	s0 =	sand.u32 $0x1, s1  }
0x8c: {  	s17 =	sshll.u32 s0, $0xA;
	s2 =	sadd.s32 s3, s2  }
0x8d: {  	s2 =	sadd.s32 s2, s17  }
0x8e: {  	[smem:$0x3FC0] =	sst s2  }
0x8f: {  	_ = 	snop  }
0x90: {  	s2 =	sld [smem:$0x3FD0];
	(tm) =	ssettm $0x1  }
0x91: {  	s18 =	sld [smem:$0x3FFB];
	_ =	sdelay $0x3  }
0x92: {  	_ =	strace s18  }
0x93: {  	s3 =	sld [smem:$0x3FFC];
	_ =	sdelay $0x3  }
0x94: {  	_ =	strace s3  }
0x95: {  	s3 =	sld [smem:$0x3FFD];
	_ =	sdelay $0x3  }
0x96: {  	_ =	strace s3  }
0x97: {  	_ =	strace $0x8FFFFFFF  }
0x98: {  	s19 =	sld [smem:$0x3FDB];
	_ =	sdelay $0x1  }
0x99: {  	s4 =	simm.s32 $_scs_section_size  }
0x9a: {  	s5 =	simm.s32 $_size__tile_overlayer_lowered;
	s6 =	simm.s32 $_tile_overlayer_lowered  }
0x9b: {  	s22 =	simm.s32 $0x1BFF;
	s21 =	sshll.u32 s6, $0x1;
	s3 =	sadd.s32 s4, s19  }
0x9c: {  	s7 =	simm.s32 $0x0;
	s20 =	sshll.u32 s5, $0x1;
	s5 =	sadd.s32 s21, s3  }
0x9d: {  	[timem:s7], [sflag:s22] =	dma.local [hbm:s5], s20  }
0x9e: {  	_ =	swait.ge [sflag:s22], s20  }
0x9f: {  	s4 =	ssub.s32 $0x0, s20;
	[sflag:s22] =	ssyncset.done $0x0  }
0xa0: {  	[sflag:s22] =	ssyncadd.s32 s4;
	_ =	sdelay $0x1  }
0xa1: {  	s23 =	simm.s32 $0x1B8B  }
0xa2: {  	_ =	swait.ge [sflag:s23], $0x1  }
0xa3: {  	[sflag:s23] =	ssyncset.done $0x0  }
0xa4: {  	s25 =	simm.s32 $0x1B8E;
	s24 =	sld [smem:$0x3FFE];
	[sflag:s23] =	ssyncadd.s32 $0xFFFFFFFF  }
0xa5: {  	s26 =	simm.s32 $execute0_lowered;
	[smem:$0x3FD2] =	sst s25  }
0xa6: {  	s5 =	sshll.u32 s26, $0x1;
	_ =	strace $0x80000049;
	[dreg:$0x1] =	wrdreg $0xFFFFFFFF  }
0xa7: {  	s28 =	simm.s32 $_size_execute0_lowered;
	s3 =	sadd.s32 s3, s5;
	[dreg:$0x0] =	wrdreg $0x0  }
0xa8: {  	s5 =	sshll.u32 s28, $0x1;
	[dreg:$0x2] =	wrdreg s3  }
0xa9: {  	[dreg:$0x3] =	wrdreg s5  }
0xaa: {  	[dreg:$0x4] =	wrdreg $0xC0  }
0xab: {  	_ =	task [dreg:s7], $0x5FFFF  }
0xac: {  	[dreg:$0x1] =	wrdreg $0xFFFFFFFF  }
0xad: {  	[dreg:$0x0] =	wrdreg $0x60  }
0xae: {  	[dreg:$0x2] =	wrdreg s24  }
0xaf: {  	[dreg:$0x3] =	wrdreg s2  }
0xb0: {  	[dreg:$0x4] =	wrdreg $0x10D000  }
0xb1: {  	[dreg:$0x5] =	wrdreg $0x9  }
0xb2: {  	_ =	task.clear_ibuf [dreg:s7], $0x6FFFF;
	_ =	strace $0x90000049  }
0xb3: {  	s29 =	simm.s32 $0x9;
	_ =	strace $0x8000004B  }
0xb4: {  	_ =	swait.ge [sflag:s29], $0x1  }
0xb5: {  	[sflag:s29] =	ssyncadd.s32 $0xFFFFFFFF  }
0xb6: {  	_ =	strace $0x9000004B  }
0xb7: {  	_ =	sfence  }
0xb8: {  	s30 =	sld [smem:$0x0];
	_ =	sdelay $0x2  }
0xb9: {  	s31 =	sshll.u32 s1, $0xD;
	s1 =	sshrl.u32 s1, $0x2  }
0xba: {  	s3 =	sand.u32 $0x4000, s31;
	s1 =	sadd.s32 s1, s30  }
0xbb: {  	s0 =	sor.u32 s3, s0;
	s1 =	sshll.u32 s1, $0x11  }
0xbc: {  	s0 =	sor.u32 s1, s0  }
0xbd: {  	s0 =	sadd.s32 $0x8F2B, s0  }
0xbe: {  	[sflag:s0] =	ssyncadd.remote.s32 $0x1  }
0xbf: {  	_ =	sfence.sel $0xFFFF  }
0xc0: {  	[dreg:$0x0] =	wrdreg $0xFFFFFFFF;
	(pc) =	sbr.abs _section_cstart, $3  }
0xc1: {  	[dreg:$0x1] =	wrdreg $0xFFFFFFFF  }
0xc2: {  	_ =	task.clear_ibuf [dreg:s7], $0x2FFFF;
	_ =	strace $0x9FFFFFFF  }
0xc3: {  	(tm) =	ssettm $0x7FFFFFFF  }
tec
execute0_lowered:
.L_overlay_start_1:
0x0: {  	(tag) =	ssettag $0x1  }
0x1: {  	s0 =	srdreg.scid;
	s1 =	rddreg [dreg:$0x0]  }
0x2: {  	s8 =	stileid.u32;
	s3 =	rddreg [dreg:$0x2]  }
0x3: {  	s4 =	simm.s32 $0x0;
	s19 =	simm.s32 $0x2;
	s21 =	simm.s32 $0xCD00  }
0x4: {  	s22 =	simm.s32 $0x1;
	s23 =	simm.s32 $0x7D;
	s24 =	simm.s32 $0x5000  }
0x5: {  	s26 =	simm.s32 $0x6F40;
	s29 =	simm.s32 $0x8E80;
	s31 =	simm.s32 $0xADC0  }
0x6: {  	s20 =	simm.s32 $0x4F80;
	s25 =	simm.s32 $0xED00;
	s28 =	simm.s32 $0x0  }
0x7: {  	s0 =	sand.u32 $0x1, s0;
	[smem:$0x7FF] =	sst s4;
	s6 =	smul.u32 $0x280, s8  }
0x8: {  	s5 =	sadd.s32 $0x70200, s1;
	s2 =	sshll.u32 s0, $0x4;
	s7 =	smul.u32 $0x2800, s0  }
0x9: {  	s0 =	ssub.s32 $0x2, s0;
	s2 =	sor.u32 s8, s2;
	s8 =	smul.u32 $0x28000, s8  }
0xa: {  	s30 =	sshrl.u32 s0, $0x1;
	s2 =	smul.u32 $0x2800, s2;
	s6 =	sadd.s32 s6, s7  }
0xb: {  	_ =	strace $0x8000004A;
	s0 =	ssub.s32 s0, s30;
	s6 =	sshll.u32 s6, $0x3  }
0xc: {  	s8 =	sshrl.u32 s8, $0x2;
	s18 =	smax.u32 s0, $0x1;
	s2 =	sshrl.u32 s2, $0x3  }
0xd: {  	s2 =	sadd.s32 s2, s1;
	s1 =	sadd.s32 s6, s1;
	s6 =	sadd.s32 s8, s3  }
0xe: {  	s7 =	sadd.s32 $0x2000, s2;
	s8 =	sadd.s32 $0xC000, s2;
	s9 =	sadd.s32 $0x2000, s6  }
0xf: {  	s10 =	sadd.s32 $0x4000, s6;
	s11 =	sadd.s32 $0x6000, s6;
	s12 =	sadd.s32 $0x8000, s6  }
0x10: {  	s13 =	sadd.s32 $0x84200, s1;
	s14 =	sadd.s32 $0x84600, s1;
	s15 =	sadd.s32 $0x84A00, s1  }
0x11: {  	s16 =	sadd.s32 $0x84E00, s1;
	s17 =	sadd.s32 $0x85200, s1;
	s2 =	simm.s32 $0x4F00  }
.LBB2_1:
0x12: {  	[tilespmem:s4], [sflag:$0x2] =	stream.linear.gather [hbm4b:s7+s4], $0x2800, $0x38;
	[tilespmem:$0x1AD00] =	vst v63  }
0x13: {  	_ =	swait.ge [sflag:s19], $0x2800  }
0x14: {  	[sflag:s19] =	ssyncset.done $0x0  }
0x15: {  	s0 =	simm.s32 $0x2800;
	[sflag:s19] =	ssyncadd.s32 $0xFFFFD800  }
0x16: {  	[tilespmem:s0], [sflag:$0x2] =	stream.linear.gather [hbm4b:s8+s4], $0x2800, $0x38;
	[tilespmem:$0x1AD00] =	vst v63  }
0x17: {  	_ =	swait.ge [sflag:s19], $0x2800  }
0x18: {  	[sflag:s19] =	ssyncset.done $0x0  }
0x19: {  	[sflag:s19] =	ssyncadd.s32 $0xFFFFD800  }
0x1a: {  	s1 =	rddreg [dreg:$0x1]  }
0x1b: {  	[tilespmem:s21], [sflag:$0x2] =	stream.linear.gather [hbm4b:s1+s4], $0x2000, $0x38;
	[tilespmem:$0x1AD00] =	vst v63  }
0x1c: {  	_ =	swait.ge [sflag:s19], $0x2000  }
0x1d: {  	[sflag:s19] =	ssyncset.done $0x0  }
0x1e: {  	[sflag:s19] =	ssyncadd.s32 $0xFFFFE000  }
0x1f: {  	[spmem:s6] =	stream.linear.scatter [tilespmem:s21], [sflag:$0x1], $0x2000, $0x38;
	[tilespmem:$0x1AD00] =	vst v63  }
0x20: {  	_ = 	snop  }
0x21: {  	[spmem:s9] =	stream.linear.scatter [tilespmem:s21], [sflag:$0x1], $0x2000, $0x38;
	[tilespmem:$0x1AD00] =	vst v63  }
0x22: {  	_ = 	snop  }
0x23: {  	[spmem:s10] =	stream.linear.scatter [tilespmem:s21], [sflag:$0x1], $0x2000, $0x38;
	[tilespmem:$0x1AD00] =	vst v63  }
0x24: {  	_ = 	snop  }
0x25: {  	[spmem:s11] =	stream.linear.scatter [tilespmem:s21], [sflag:$0x1], $0x2000, $0x38;
	[tilespmem:$0x1AD00] =	vst v63  }
0x26: {  	_ = 	snop  }
0x27: {  	[spmem:s12] =	stream.linear.scatter [tilespmem:s21], [sflag:$0x1], $0x2000, $0x38;
	[tilespmem:$0x1AD00] =	vst v63  }
0x28: {  	_ =	swait.ge [sflag:s22], $0x2000  }
0x29: {  	[sflag:s22] =	ssyncset.done $0x0  }
0x2a: {  	[sflag:s22] =	ssyncadd.s32 $0xFFFFE000  }
0x2b: {  	_ =	swait.ge [sflag:s22], $0x2000  }
0x2c: {  	[sflag:s22] =	ssyncset.done $0x0  }
0x2d: {  	[sflag:s22] =	ssyncadd.s32 $0xFFFFE000  }
0x2e: {  	_ =	swait.ge [sflag:s22], $0x2000  }
0x2f: {  	[sflag:s22] =	ssyncset.done $0x0  }
0x30: {  	[sflag:s22] =	ssyncadd.s32 $0xFFFFE000  }
0x31: {  	_ =	swait.ge [sflag:s22], $0x2000  }
0x32: {  	[sflag:s22] =	ssyncset.done $0x0  }
0x33: {  	[sflag:s22] =	ssyncadd.s32 $0xFFFFE000  }
0x34: {  	_ =	swait.ge [sflag:s22], $0x2000  }
0x35: {  	[sflag:s22] =	ssyncset.done $0x0  }
0x36: {  	[sflag:s22] =	ssyncadd.s32 $0xFFFFE000  }
0x37: {  	[bflag:$0x0] =	sbarrier.arrive $0xFFFF  }
0x38: {  	[tilespmem:s24], [sflag:$0x1] =	stream.indirect.gather [hbm4b:s5+s23], $0x40, s4, s23, $0xb8;
	[tilespmem:$0x1AD00] =	vst v63  }
0x39: {  	s1 =	simm.s32 $0x80  }
0x3a: {  	[tilespmem:s26], [sflag:$0x1] =	stream.indirect.gather [hbm4b:s5+s23], $0x40, s1, s23, $0xb8;
	[tilespmem:$0x1AD00] =	vst v63  }
0x3b: {  	s1 =	simm.s32 $0x100  }
0x3c: {  	[tilespmem:s29], [sflag:$0x1] =	stream.indirect.gather [hbm4b:s5+s23], $0x40, s1, s23, $0xb8;
	[tilespmem:$0x1AD00] =	vst v63  }
0x3d: {  	s1 =	simm.s32 $0x180  }
0x3e: {  	[tilespmem:s31], [sflag:$0x1] =	stream.indirect.gather [hbm4b:s5+s23], $0x40, s1, s23, $0xb8;
	[tilespmem:$0x1AD00] =	vst v63  }
0x3f: {  	_ =	swait.ge [sflag:s22], $0x1F40  }
0x40: {  	[sflag:s22] =	ssyncset.done $0x0  }
0x41: {  	s1 =	simm.s32 $0x2800;
	[sflag:s22] =	ssyncadd.s32 $0xFFFFE0C0  }
0x42: {  	[spmem:s3] =	stream.indirect.scatter.add.f32 [tilespmem:s24], [sflag:$0x2], $0x40, s1, s23, $0xb8;
	[tilespmem:$0x1AD00] =	vst v63  }
0x43: {  	_ =	swait.ge [sflag:s19], $0x1F40  }
0x44: {  	[sflag:s19] =	ssyncset.done $0x0  }
0x45: {  	s0 =	simm.s32 $0x200;
	[sflag:s19] =	ssyncadd.s32 $0xFFFFE0C0  }
0x46: {  	[tilespmem:s24], [sflag:$0x1] =	stream.indirect.gather [hbm4b:s5+s23], $0x40, s0, s23, $0xb8;
	[tilespmem:$0x1AD00] =	vst v63  }
0x47: {  	_ =	swait.ge [sflag:s22], $0x1F40  }
0x48: {  	[sflag:s22] =	ssyncset.done $0x0  }
0x49: {  	s0 =	simm.s32 $0x2880;
	[sflag:s22] =	ssyncadd.s32 $0xFFFFE0C0  }
0x4a: {  	[spmem:s3] =	stream.indirect.scatter.add.f32 [tilespmem:s26], [sflag:$0x2], $0x40, s0, s23, $0xb8;
	[tilespmem:$0x1AD00] =	vst v63  }
0x4b: {  	_ =	swait.ge [sflag:s19], $0x1F40  }
0x4c: {  	[sflag:s19] =	ssyncset.done $0x0  }
0x4d: {  	s0 =	simm.s32 $0x280;
	[sflag:s19] =	ssyncadd.s32 $0xFFFFE0C0  }
0x4e: {  	[tilespmem:s26], [sflag:$0x1] =	stream.indirect.gather [hbm4b:s5+s23], $0x40, s0, s23, $0xb8;
	[tilespmem:$0x1AD00] =	vst v63  }
0x4f: {  	_ =	swait.ge [sflag:s22], $0x1F40  }
0x50: {  	[sflag:s22] =	ssyncset.done $0x0  }
0x51: {  	s0 =	simm.s32 $0x2900;
	[sflag:s22] =	ssyncadd.s32 $0xFFFFE0C0  }
0x52: {  	[spmem:s3] =	stream.indirect.scatter.add.f32 [tilespmem:s29], [sflag:$0x2], $0x40, s0, s23, $0xb8;
	[tilespmem:$0x1AD00] =	vst v63  }
0x53: {  	_ =	swait.ge [sflag:s19], $0x1F40  }
0x54: {  	[sflag:s19] =	ssyncset.done $0x0  }
0x55: {  	s0 =	simm.s32 $0x300;
	[sflag:s19] =	ssyncadd.s32 $0xFFFFE0C0  }
0x56: {  	[tilespmem:s29], [sflag:$0x1] =	stream.indirect.gather [hbm4b:s5+s23], $0x40, s0, s23, $0xb8;
	[tilespmem:$0x1AD00] =	vst v63  }
0x57: {  	_ =	swait.ge [sflag:s22], $0x1F40  }
0x58: {  	[sflag:s22] =	ssyncset.done $0x0  }
0x59: {  	s0 =	simm.s32 $0x2980;
	[sflag:s22] =	ssyncadd.s32 $0xFFFFE0C0  }
0x5a: {  	[spmem:s3] =	stream.indirect.scatter.add.f32 [tilespmem:s31], [sflag:$0x2], $0x40, s0, s23, $0xb8;
	[tilespmem:$0x1AD00] =	vst v63  }
0x5b: {  	_ =	swait.ge [sflag:s19], $0x1F40  }
0x5c: {  	[sflag:s19] =	ssyncset.done $0x0  }
0x5d: {  	s30 =	simm.s32 $0x800;
	s1 =	simm.s32 $0x380;
	[sflag:s19] =	ssyncadd.s32 $0xFFFFE0C0  }
.LBB2_2:
0x5e: {  	[tilespmem:s31], [sflag:$0x1] =	stream.indirect.gather [hbm4b:s5+s23], $0x40, s1, s23, $0xb8;
	[tilespmem:$0x1AD00] =	vst v63  }
0x5f: {  	s1 =	smov.u32 s30  }
0x60: {  	p0 =	sne.s32 s30, $0x9000;
	s30 =	sadd.s32 $0x800, s30;
	_ =	swait.ge [sflag:s22], $0x1F40  }
0x61: {  	s1 =	sshra.s32 s1, $0x2;
	[sflag:s22] =	ssyncset.done $0x0  }
0x62: {  	s0 =	sadd.s32 $0x2800, s1;
	[sflag:s22] =	ssyncadd.s32 $0xFFFFE0C0  }
0x63: {  	[spmem:s3] =	stream.indirect.scatter.add.f32 [tilespmem:s24], [sflag:$0x2], $0x40, s0, s23, $0xb8;
	[tilespmem:$0x1AD00] =	vst v63  }
0x64: {  	_ =	swait.ge [sflag:s19], $0x1F40  }
0x65: {  	[sflag:s19] =	ssyncset.done $0x0  }
0x66: {  	s0 =	sadd.s32 $0x200, s1;
	[sflag:s19] =	ssyncadd.s32 $0xFFFFE0C0  }
0x67: {  	[tilespmem:s24], [sflag:$0x1] =	stream.indirect.gather [hbm4b:s5+s23], $0x40, s0, s23, $0xb8;
	[tilespmem:$0x1AD00] =	vst v63  }
0x68: {  	_ =	swait.ge [sflag:s22], $0x1F40  }
0x69: {  	[sflag:s22] =	ssyncset.done $0x0  }
0x6a: {  	s0 =	sadd.s32 $0x2880, s1;
	[sflag:s22] =	ssyncadd.s32 $0xFFFFE0C0  }
0x6b: {  	[spmem:s3] =	stream.indirect.scatter.add.f32 [tilespmem:s26], [sflag:$0x2], $0x40, s0, s23, $0xb8;
	[tilespmem:$0x1AD00] =	vst v63  }
0x6c: {  	_ =	swait.ge [sflag:s19], $0x1F40  }
0x6d: {  	[sflag:s19] =	ssyncset.done $0x0  }
0x6e: {  	s0 =	sadd.s32 $0x280, s1;
	[sflag:s19] =	ssyncadd.s32 $0xFFFFE0C0  }
0x6f: {  	[tilespmem:s26], [sflag:$0x1] =	stream.indirect.gather [hbm4b:s5+s23], $0x40, s0, s23, $0xb8;
	[tilespmem:$0x1AD00] =	vst v63  }
0x70: {  	_ =	swait.ge [sflag:s22], $0x1F40  }
0x71: {  	[sflag:s22] =	ssyncset.done $0x0  }
0x72: {  	s0 =	sadd.s32 $0x2900, s1;
	[sflag:s22] =	ssyncadd.s32 $0xFFFFE0C0  }
0x73: {  	[spmem:s3] =	stream.indirect.scatter.add.f32 [tilespmem:s29], [sflag:$0x2], $0x40, s0, s23, $0xb8;
	[tilespmem:$0x1AD00] =	vst v63  }
0x74: {  	_ =	swait.ge [sflag:s19], $0x1F40  }
0x75: {  	[sflag:s19] =	ssyncset.done $0x0  }
0x76: {  	s0 =	sadd.s32 $0x300, s1;
	[sflag:s19] =	ssyncadd.s32 $0xFFFFE0C0  }
0x77: {  	[tilespmem:s29], [sflag:$0x1] =	stream.indirect.gather [hbm4b:s5+s23], $0x40, s0, s23, $0xb8;
	[tilespmem:$0x1AD00] =	vst v63  }
0x78: {  	_ =	swait.ge [sflag:s22], $0x1F40  }
0x79: {  	[sflag:s22] =	ssyncset.done $0x0  }
.Ltmp0:
0x7a: {  	s0 =	sadd.s32 $0x2980, s1;
	[sflag:s22] =	ssyncadd.s32 $0xFFFFE0C0;
	(pc) =	sbr.rel @p0 .LBB2_2-.Ltmp0, $4  }
0x7b: {  	[spmem:s3] =	stream.indirect.scatter.add.f32 [tilespmem:s31], [sflag:$0x2], $0x40, s0, s23, $0xb8;
	[tilespmem:$0x1AD00] =	vst v63  }
0x7c: {  	_ =	swait.ge [sflag:s19], $0x1F40  }
0x7d: {  	[sflag:s19] =	ssyncset.done $0x0  }
0x7e: {  	s1 =	sadd.s32 $0x380, s1;
	[sflag:s19] =	ssyncadd.s32 $0xFFFFE0C0  }
0x7f: {  	[tilespmem:s31], [sflag:$0x1] =	stream.indirect.gather [hbm4b:s5+s23], $0x40, s1, s23, $0xb8;
	[tilespmem:$0x1AD00] =	vst v63  }
0x80: {  	_ =	swait.ge [sflag:s22], $0x1F40  }
0x81: {  	[sflag:s22] =	ssyncset.done $0x0  }
0x82: {  	s0 =	simm.s32 $0x4E00;
	[sflag:s22] =	ssyncadd.s32 $0xFFFFE0C0  }
0x83: {  	[spmem:s3] =	stream.indirect.scatter.add.f32 [tilespmem:s24], [sflag:$0x2], $0x40, s0, s23, $0xb8;
	[tilespmem:$0x1AD00] =	vst v63  }
0x84: {  	_ =	swait.ge [sflag:s19], $0x1F40  }
0x85: {  	[sflag:s19] =	ssyncset.done $0x0  }
0x86: {  	[sflag:s19] =	ssyncadd.s32 $0xFFFFE0C0  }
0x87: {  	_ =	swait.ge [sflag:s22], $0x1F40  }
0x88: {  	[sflag:s22] =	ssyncset.done $0x0  }
0x89: {  	s30 =	simm.s32 $0x4E80;
	[sflag:s22] =	ssyncadd.s32 $0xFFFFE0C0  }
0x8a: {  	[spmem:s3] =	stream.indirect.scatter.add.f32 [tilespmem:s26], [sflag:$0x2], $0x40, s30, s23, $0xb8;
	[tilespmem:$0x1AD00] =	vst v63  }
0x8b: {  	_ =	swait.ge [sflag:s19], $0x1F40  }
0x8c: {  	[sflag:s19] =	ssyncset.done $0x0  }
0x8d: {  	[sflag:s19] =	ssyncadd.s32 $0xFFFFE0C0  }
0x8e: {  	_ =	swait.ge [sflag:s22], $0x1F40  }
0x8f: {  	[sflag:s22] =	ssyncset.done $0x0  }
0x90: {  	[sflag:s22] =	ssyncadd.s32 $0xFFFFE0C0  }
0x91: {  	[spmem:s3] =	stream.indirect.scatter.add.f32 [tilespmem:s29], [sflag:$0x2], $0x40, s2, s23, $0xb8;
	[tilespmem:$0x1AD00] =	vst v63  }
0x92: {  	_ =	swait.ge [sflag:s19], $0x1F40  }
0x93: {  	[sflag:s19] =	ssyncset.done $0x0  }
0x94: {  	[sflag:s19] =	ssyncadd.s32 $0xFFFFE0C0  }
0x95: {  	_ =	swait.ge [sflag:s22], $0x1F40  }
0x96: {  	[sflag:s22] =	ssyncset.done $0x0  }
0x97: {  	[sflag:s22] =	ssyncadd.s32 $0xFFFFE0C0  }
0x98: {  	[spmem:s3] =	stream.indirect.scatter.add.f32 [tilespmem:s31], [sflag:$0x2], $0x40, s20, s23, $0xb8;
	[tilespmem:$0x1AD00] =	vst v63  }
0x99: {  	_ =	swait.ge [sflag:s19], $0x1F40  }
0x9a: {  	[sflag:s19] =	ssyncset.done $0x0  }
0x9b: {  	[sflag:s19] =	ssyncadd.s32 $0xFFFFE0C0  }
0x9c: {  	[bflag:$0x0] =	sbarrier.arrive $0xFFFF  }
0x9d: {  	[tilespmem:s21], [sflag:$0x2] =	stream.linear.gather [spmem:s6], $0x2000, $0x38;
	[tilespmem:$0x1AD00] =	vst v63  }
0x9e: {  	_ =	swait.ge [sflag:s19], $0x2000  }
0x9f: {  	[sflag:s19] =	ssyncset.done $0x0  }
0xa0: {  	[sflag:s19] =	ssyncadd.s32 $0xFFFFE000  }
0xa1: {  	[hbm4b:s13+s4] =	stream.linear.scatter [tilespmem:s21], [sflag:$0x1], $0x2000, $0x38;
	[tilespmem:$0x1AD00] =	vst v63  }
0xa2: {  	_ = 	snop  }
0xa3: {  	[tilespmem:s25], [sflag:$0x2] =	stream.linear.gather [spmem:s9], $0x2000, $0x38;
	[tilespmem:$0x1AD00] =	vst v63  }
0xa4: {  	_ =	swait.ge [sflag:s19], $0x2000  }
0xa5: {  	[sflag:s19] =	ssyncset.done $0x0  }
0xa6: {  	[sflag:s19] =	ssyncadd.s32 $0xFFFFE000  }
0xa7: {  	[hbm4b:s14+s4] =	stream.linear.scatter [tilespmem:s25], [sflag:$0x1], $0x2000, $0x38;
	[tilespmem:$0x1AD00] =	vst v63  }
0xa8: {  	_ =	swait.ge [sflag:s22], $0x2000  }
0xa9: {  	[sflag:s22] =	ssyncset.done $0x0  }
0xaa: {  	[sflag:s22] =	ssyncadd.s32 $0xFFFFE000  }
0xab: {  	[tilespmem:s21], [sflag:$0x2] =	stream.linear.gather [spmem:s10], $0x2000, $0x38;
	[tilespmem:$0x1AD00] =	vst v63  }
0xac: {  	_ =	swait.ge [sflag:s19], $0x2000  }
0xad: {  	[sflag:s19] =	ssyncset.done $0x0  }
0xae: {  	[sflag:s19] =	ssyncadd.s32 $0xFFFFE000  }
0xaf: {  	[hbm4b:s15+s4] =	stream.linear.scatter [tilespmem:s21], [sflag:$0x1], $0x2000, $0x38;
	[tilespmem:$0x1AD00] =	vst v63  }
0xb0: {  	_ =	swait.ge [sflag:s22], $0x2000  }
0xb1: {  	[sflag:s22] =	ssyncset.done $0x0  }
0xb2: {  	[sflag:s22] =	ssyncadd.s32 $0xFFFFE000  }
0xb3: {  	[tilespmem:s25], [sflag:$0x2] =	stream.linear.gather [spmem:s11], $0x2000, $0x38;
	[tilespmem:$0x1AD00] =	vst v63  }
0xb4: {  	_ =	swait.ge [sflag:s19], $0x2000  }
0xb5: {  	[sflag:s19] =	ssyncset.done $0x0  }
0xb6: {  	[sflag:s19] =	ssyncadd.s32 $0xFFFFE000  }
0xb7: {  	[hbm4b:s16+s4] =	stream.linear.scatter [tilespmem:s25], [sflag:$0x1], $0x2000, $0x38;
	[tilespmem:$0x1AD00] =	vst v63  }
0xb8: {  	_ =	swait.ge [sflag:s22], $0x2000  }
0xb9: {  	[sflag:s22] =	ssyncset.done $0x0  }
0xba: {  	[sflag:s22] =	ssyncadd.s32 $0xFFFFE000  }
0xbb: {  	[tilespmem:s21], [sflag:$0x2] =	stream.linear.gather [spmem:s12], $0x2000, $0x38;
	[tilespmem:$0x1AD00] =	vst v63  }
0xbc: {  	_ =	swait.ge [sflag:s19], $0x2000  }
0xbd: {  	[sflag:s19] =	ssyncset.done $0x0  }
0xbe: {  	s28 =	sadd.s32 $0x1, s28;
	[sflag:s19] =	ssyncadd.s32 $0xFFFFE000  }
0xbf: {  	[hbm4b:s17+s4] =	stream.linear.scatter [tilespmem:s21], [sflag:$0x1], $0x2000, $0x38;
	[tilespmem:$0x1AD00] =	vst v63  }
0xc0: {  	p0 =	sne.s32 s28, s18;
	_ =	swait.ge [sflag:s22], $0x2000  }
.Ltmp1:
0xc1: {  	[sflag:s22] =	ssyncset.done $0x0;
	(pc) =	sbr.rel @p0 .LBB2_1-.Ltmp1, $4  }
0xc2: {  	[sflag:s22] =	ssyncadd.s32 $0xFFFFE000  }
0xc3: {  	_ =	swait.ge [sflag:s22], $0x2000  }
0xc4: {  	[sflag:s22] =	ssyncset.done $0x0  }
0xc5: {  	[sflag:s22] =	ssyncadd.s32 $0xFFFFE000  }
0xc6: {  	_ =	sfence.sel $0x180000  }
0xc7: {  	[bflag:$0x0] =	sbarrier.arrive $0xFFFF  }
0xc8: {  	_ =	strace $0x9000004A  }
0xc9: {  	s0 =	stileid.u32;
	[bflag:$0x2] =	sbarrier.arrive $0xFFFF  }
0xca: {  	p0 =	sne.s32 s0, $0x0;
	s0 =	rddreg [dreg:$0x3]  }
0xcb: {  	s0 =	sadd.s32 @!p0 $0x100000, s0  }
0xcc: {  	[sflag:s0] =	ssyncadd.tile.s32 @!p0 $0x1;
	_ =	shalt  }
.Lfunc_end2:
_tile_overlayer_lowered:
.L_overlay_start_2:
0xcd: {  	(tag) =	ssettag $0x2  }
0xce: {  	s0 =	rddreg [dreg:$0x0];
	s2 =	stileid.u32  }
0xcf: {  	s1 =	rddreg [dreg:$0x1];
	p0 =	sne.s32 s2, $0x0  }
0xd0: {  	s3 =	rddreg [dreg:$0x2];
	[bflag:$0x3] =	sbarrier.arrive $0xFFFF;
	s2 =	simm.s32 @!p0 $0x1C02  }
0xd1: {  	[timem:s3], [sflag:s2] =	dma.local @!p0 [hbm:s0], s1  }
0xd2: {  	s0 =	simm.s32 @!p0 $0x2  }
0xd3: {  	_ =	swait.ge @!p0 [sflag:s0], s1  }
0xd4: {  	s1 =	ssub.s32 @!p0 $0x0, s1;
	[sflag:s0] =	ssyncset.done @!p0 $0x0  }
0xd5: {  	[sflag:s0] =	ssyncadd.s32 @!p0 s1  }
0xd6: {  	[bflag:$0x3] =	sbarrier.arrive $0xFFFF  }
0xd7: {  	_ =	shalt  }

// kernel: kernel.14.cloned.1.call-start
scs
__scs_entry_jumppad:
0x0: {  	(pc) =	sbr.rel $0x88, $3  }
0x1: {  	(tag) =	ssettag $0x0;
	lr =	simm.s32 $0x1  }
0x2: {  	[smem:$0x3F99] =	sst lr;
	_ =	strace $0xD0000000  }
0x3: {  	_ = 	snop  }
0x4: {  	_ = 	snop  }
0x5: {  	_ = 	snop  }
0x6: {  	_ = 	snop  }
0x7: {  	_ = 	snop  }
__scs_overlays_trampoline_lowered:
0x8: {  	[smem:$0x3FA8] =	sst s0  }
0x9: {  	[smem:$0x3FA9] =	sst s1  }
0xa: {  	[smem:$0x3FAA] =	sst s2  }
0xb: {  	[smem:$0x3FAB] =	sst s3  }
0xc: {  	[smem:$0x3FAC] =	sst s4  }
0xd: {  	[smem:$0x3FAD] =	sst s5  }
0xe: {  	[smem:$0x3FAE] =	sst s6  }
0xf: {  	[smem:$0x3FAF] =	sst s7  }
0x10: {  	[smem:$0x3FB0] =	sst s8  }
0x11: {  	[smem:$0x3FB1] =	sst s9;
	s0 =	simm.s32 @!p0 $0x0  }
0x12: {  	s1 =	sld [smem:$0x3F97];
	s0 =	simm.s32 @p0 $0x1  }
0x13: {  	[smem:$0x3FB2] =	sst s0;
	s0 =	simm.s32 @!p1 $0x0  }
0x14: {  	s2 =	sld [smem:$0x3F96];
	s0 =	simm.s32 @p1 $0x1  }
0x15: {  	[smem:$0x3FB3] =	sst s0;
	s0 =	simm.s32 @!p2 $0x0  }
0x16: {  	s3 =	sld [smem:$0x3FDB];
	s0 =	simm.s32 @p2 $0x1  }
0x17: {  	s4 =	simm.s32 $0x1BF5;
	[smem:$0x3FB5] =	sst s0  }
0x18: {  	s0 =	sld [smem:$0x3F98];
	_ =	swait.ge [sflag:s4], $0x0  }
0x19: {  	s7 =	sld [smem:$0x3F99]  }
0x1a: {  	s8 =	sadd.s32 $0xFFFFE003, lr  }
0x1b: {  	s9 =	sadd.s32 $0xFFFFFEF7, lr;
	s5 =	simm.s32 $0xFFFFFFFF;
	p2 =	slt.u32 s8, $0xFFFFF086  }
0x1c: {  	p1 =	slt.u32 s9, $0xF7A;
	s5 =	simm.s32 @!p2 $0x0  }
0x1d: {  	s5 =	simm.s32 @p1 $0x1;
	p0 =	seq.s32 s7, s2  }
0x1e: {  	s7 =	smul.u32 @!p0 $0xF7A, s2;
	p2 =	seq.s32 @!p0 s5, $0x0  }
0x1f: {  	s9 =	smul.u32 $0xF7A, s1;
	s8 =	simm.s32 @!p0 $0x1BF5;
	p2 =	por !p2, p0  }
0x20: {  	[sflag:s8] =	ssyncset.s32 @!p0 $0xFFFFF086;
	s6 =	sadd.s32 @!p0 s3, s7;
	s7 =	simm.s32 @!p0 $0x108  }
0x21: {  	s3 =	sadd.s32 s3, s9;
	s6 =	sadd.s32 @!p0 $0x88, s6;
	s7 =	simm.s32 @p2 $0x1082  }
0x22: {  	[simem:s7], [sflag:s8] =	dma.local @!p0 [hbm:s6], $0xF7A  }
0x23: {  	s9 =	sor.u32 $0xD0000000, s2;
	s6 =	simm.s32 $0x108;
	_ =	swait.ge @!p0 [sflag:s8], $0x0  }
0x24: {  	s3 =	sadd.s32 $0x88, s3;
	s6 =	simm.s32 @!p1 $0x1082;
	[sflag:s4] =	ssyncset.s32 $0xFFFFF086  }
0x25: {  	[simem:s6], [sflag:s4] =	dma.local [hbm:s3], $0xF7A  }
0x26: {  	[smem:$0x3F99] =	sst s1;
	(tag) =	ssettag s2;
	_ =	strace s9  }
0x27: {  	s1 =	sld [smem:$0x3FA9]  }
0x28: {  	s2 =	sld [smem:$0x3FAA]  }
0x29: {  	s4 =	sld [smem:$0x3FAC]  }
0x2a: {  	p0 =	seq.s32 s5, $0x0;
	s5 =	sld [smem:$0x3FAD]  }
0x2b: {  	s6 =	sld [smem:$0x3FAE]  }
0x2c: {  	s7 =	sld [smem:$0x3FAF]  }
0x2d: {  	s3 =	simm.s32 $0x108;
	s8 =	sld [smem:$0x3FB0]  }
0x2e: {  	s3 =	simm.s32 @!p0 $0x1082;
	s9 =	sld [smem:$0x3FB1]  }
0x2f: {  	lr =	sadd.s32 s0, s3;
	s0 =	sld [smem:$0x3FA8]  }
0x30: {  	s3 =	sld [smem:$0x3FAB]  }
0x31: {  	[smem:$0x3FB4] =	sst s10  }
0x32: {  	s10 =	sld [smem:$0x3FB2];
	_ =	sdelay $0x3  }
0x33: {  	p0 =	seq.s32 s10, $0x1;
	s10 =	sld [smem:$0x3FB4];
	_ =	sdelay $0x3  }
0x34: {  	[smem:$0x3FB4] =	sst s10  }
0x35: {  	s10 =	sld [smem:$0x3FB3];
	_ =	sdelay $0x3  }
0x36: {  	p1 =	seq.s32 s10, $0x1;
	s10 =	sld [smem:$0x3FB4];
	_ =	sdelay $0x3  }
0x37: {  	[smem:$0x3FB4] =	sst s10  }
0x38: {  	s10 =	sld [smem:$0x3FB5]  }
0x39: {  	_ = 	snop;
	(pc) =	sbr.ind lr, $3  }
0x3a: {  	_ = 	snop  }
0x3b: {  	_ = 	snop  }
0x3c: {  	p2 =	seq.s32 s10, $0x1;
	s10 =	sld [smem:$0x3FB4]  }
0x3d: {  	_ =	shalt  }
0x3e: {  	_ =	shalt  }
0x3f: {  	_ =	shalt  }
0x40: {  	_ =	shalt  }
0x41: {  	_ =	shalt  }
0x42: {  	_ =	shalt  }
0x43: {  	_ =	shalt  }
0x44: {  	_ =	shalt  }
0x45: {  	_ =	shalt  }
0x46: {  	_ =	shalt  }
0x47: {  	_ =	shalt  }
0x48: {  	_ =	shalt  }
0x49: {  	_ =	shalt  }
0x4a: {  	_ =	shalt  }
0x4b: {  	_ =	shalt  }
0x4c: {  	_ =	shalt  }
0x4d: {  	_ =	shalt  }
0x4e: {  	_ =	shalt  }
0x4f: {  	_ =	shalt  }
0x50: {  	_ =	shalt  }
0x51: {  	_ =	shalt  }
0x52: {  	_ =	shalt  }
0x53: {  	_ =	shalt  }
0x54: {  	_ =	shalt  }
0x55: {  	_ =	shalt  }
0x56: {  	_ =	shalt  }
0x57: {  	_ =	shalt  }
0x58: {  	_ =	shalt  }
0x59: {  	_ =	shalt  }
0x5a: {  	_ =	shalt  }
0x5b: {  	_ =	shalt  }
0x5c: {  	_ =	shalt  }
0x5d: {  	_ =	shalt  }
0x5e: {  	_ =	shalt  }
0x5f: {  	_ =	shalt  }
0x60: {  	_ =	shalt  }
0x61: {  	_ =	shalt  }
0x62: {  	_ =	shalt  }
0x63: {  	_ =	shalt  }
0x64: {  	_ =	shalt  }
0x65: {  	_ =	shalt  }
0x66: {  	_ =	shalt  }
0x67: {  	_ =	shalt  }
0x68: {  	_ =	shalt  }
0x69: {  	_ =	shalt  }
0x6a: {  	_ =	shalt  }
0x6b: {  	_ =	shalt  }
0x6c: {  	_ =	shalt  }
0x6d: {  	_ =	shalt  }
0x6e: {  	_ =	shalt  }
0x6f: {  	_ =	shalt  }
0x70: {  	_ =	shalt  }
0x71: {  	_ =	shalt  }
0x72: {  	_ =	shalt  }
0x73: {  	_ =	shalt  }
0x74: {  	_ =	shalt  }
0x75: {  	_ =	shalt  }
0x76: {  	_ =	shalt  }
0x77: {  	_ =	shalt  }
0x78: {  	_ =	shalt  }
0x79: {  	_ =	shalt  }
0x7a: {  	_ =	shalt  }
0x7b: {  	_ =	shalt  }
0x7c: {  	_ =	shalt  }
0x7d: {  	_ =	shalt  }
0x7e: {  	_ =	shalt  }
0x7f: {  	_ =	shalt  }
0x80: {  	_ =	shalt  }
0x81: {  	_ =	shalt  }
0x82: {  	_ =	shalt  }
0x83: {  	_ =	shalt  }
0x84: {  	_ =	shalt  }
0x85: {  	_ =	shalt  }
0x86: {  	_ =	shalt  }
0x87: {  	_ =	shalt  }
.Lfunc_end0:
.L_simem_size_0:
called_computation.2_lowered:
.L_overlay_start_0:
0x88: {  	s2 =	sld [smem:$0x3FD9]  }
0x89: {  	s3 =	sld [smem:$0x3FFE];
	_ =	sdelay $0x1  }
0x8a: {  	s1 =	srdreg.scid  }
0x8b: {  	s0 =	sand.u32 $0x1, s1  }
0x8c: {  	s17 =	sshll.u32 s0, $0xA;
	s2 =	sadd.s32 s3, s2  }
0x8d: {  	s2 =	sadd.s32 s2, s17  }
0x8e: {  	[smem:$0x3FC0] =	sst s2  }
0x8f: {  	_ = 	snop  }
0x90: {  	s2 =	sld [smem:$0x3FC7]  }
0x91: {  	s18 =	sld [smem:$0x3FC6];
	(tm) =	ssettm $0x1  }
0x92: {  	s4 =	sld [smem:$0x3FFB];
	_ =	sdelay $0x3  }
0x93: {  	_ =	strace s4  }
0x94: {  	s4 =	sld [smem:$0x3FFC];
	_ =	sdelay $0x3  }
0x95: {  	_ =	strace s4  }
0x96: {  	s4 =	sld [smem:$0x3FFD];
	_ =	sdelay $0x3  }
0x97: {  	_ =	strace s4  }
0x98: {  	_ =	strace $0x8FFFFFFF  }
0x99: {  	s19 =	sld [smem:$0x3FDB];
	_ =	sdelay $0x1  }
0x9a: {  	s5 =	simm.s32 $_scs_section_size  }
0x9b: {  	s6 =	simm.s32 $_size__tile_overlayer_lowered;
	s7 =	simm.s32 $_tile_overlayer_lowered  }
0x9c: {  	s22 =	simm.s32 $0x1BFF;
	s21 =	sshll.u32 s7, $0x1;
	s4 =	sadd.s32 s5, s19  }
0x9d: {  	s8 =	simm.s32 $0x0;
	s20 =	sshll.u32 s6, $0x1;
	s6 =	sadd.s32 s21, s4  }
0x9e: {  	[timem:s8], [sflag:s22] =	dma.local [hbm:s6], s20  }
0x9f: {  	_ =	swait.ge [sflag:s22], s20  }
0xa0: {  	s5 =	ssub.s32 $0x0, s20;
	[sflag:s22] =	ssyncset.done $0x0  }
0xa1: {  	[sflag:s22] =	ssyncadd.s32 s5;
	_ =	sdelay $0x1  }
0xa2: {  	s23 =	simm.s32 $0x1B8B  }
0xa3: {  	_ =	swait.ge [sflag:s23], $0x1  }
0xa4: {  	[sflag:s23] =	ssyncset.done $0x0  }
0xa5: {  	s25 =	simm.s32 $0x1B8E;
	s24 =	sld [smem:$0x3FFE];
	[sflag:s23] =	ssyncadd.s32 $0xFFFFFFFF  }
0xa6: {  	s26 =	simm.s32 $execute0_lowered;
	[smem:$0x3FD2] =	sst s25  }
0xa7: {  	s6 =	sshll.u32 s26, $0x1;
	_ =	strace $0x8000004C;
	[dreg:$0x1] =	wrdreg $0xFFFFFFFF  }
0xa8: {  	s28 =	simm.s32 $_size_execute0_lowered;
	s4 =	sadd.s32 s4, s6;
	[dreg:$0x0] =	wrdreg $0x0  }
0xa9: {  	s6 =	sshll.u32 s28, $0x1;
	[dreg:$0x2] =	wrdreg s4  }
0xaa: {  	[dreg:$0x3] =	wrdreg s6  }
0xab: {  	[dreg:$0x4] =	wrdreg $0xC0  }
0xac: {  	_ =	task [dreg:s8], $0x5FFFF  }
0xad: {  	[dreg:$0x1] =	wrdreg $0xFFFFFFFF  }
0xae: {  	[dreg:$0x0] =	wrdreg $0x60  }
0xaf: {  	[dreg:$0x2] =	wrdreg s24  }
0xb0: {  	[dreg:$0x3] =	wrdreg s2  }
0xb1: {  	[dreg:$0x4] =	wrdreg s18  }
0xb2: {  	[dreg:$0x5] =	wrdreg $0x9  }
0xb3: {  	_ =	task.clear_ibuf [dreg:s8], $0x6FFFF;
	_ =	strace $0x9000004C  }
0xb4: {  	s29 =	simm.s32 $0x9;
	_ =	strace $0x8000004E  }
0xb5: {  	_ =	swait.ge [sflag:s29], $0x1  }
0xb6: {  	[sflag:s29] =	ssyncadd.s32 $0xFFFFFFFF  }
0xb7: {  	_ =	strace $0x9000004E  }
0xb8: {  	_ =	sfence  }
0xb9: {  	s30 =	sld [smem:$0x0];
	_ =	sdelay $0x2  }
0xba: {  	s31 =	sshll.u32 s1, $0xD;
	s1 =	sshrl.u32 s1, $0x2  }
0xbb: {  	s3 =	sand.u32 $0x4000, s31;
	s1 =	sadd.s32 s1, s30  }
0xbc: {  	s0 =	sor.u32 s3, s0;
	s1 =	sshll.u32 s1, $0x11  }
0xbd: {  	s0 =	sor.u32 s1, s0  }
0xbe: {  	s0 =	sadd.s32 $0x8F2B, s0  }
0xbf: {  	[sflag:s0] =	ssyncadd.remote.s32 $0x1  }
0xc0: {  	_ =	sfence.sel $0xFFFF  }
0xc1: {  	[dreg:$0x0] =	wrdreg $0xFFFFFFFF;
	(pc) =	sbr.abs _section_cstart, $3  }
0xc2: {  	[dreg:$0x1] =	wrdreg $0xFFFFFFFF  }
0xc3: {  	_ =	task.clear_ibuf [dreg:s8], $0x2FFFF;
	_ =	strace $0x9FFFFFFF  }
0xc4: {  	(tm) =	ssettm $0x7FFFFFFF  }
0xc5: {  	_ =	shalt  }
tec
execute0_lowered:
.L_overlay_start_1:
0x0: {  	(tag) =	ssettag $0x1  }
0x1: {  	v0 =	vlaneseq.u32  }
0x2: {  	v0 =	vmul.u32 $0x8, v0;
	_ =	sdelay $0x1  }
0x3: {  	v1 =	vor.u32 $0x1, v0;
	v5 =	vor.u32 $0x101, v0;
	v6 =	vor.u32 $0x180, v0  }
0x4: {  	v7 =	vor.u32 $0x181, v0;
	v8 =	vor.u32 $0x200, v0;
	v9 =	vor.u32 $0x201, v0  }
0x5: {  	v10 =	vor.u32 $0x280, v0;
	v11 =	vor.u32 $0x281, v0;
	v12 =	vor.u32 $0x300, v0  }
0x6: {  	v13 =	vor.u32 $0x301, v0;
	v14 =	vor.u32 $0x380, v0;
	v15 =	vor.u32 $0x381, v0  }
0x7: {  	v16 =	vor.u32 $0x400, v0;
	v17 =	vor.u32 $0x401, v0;
	v18 =	vor.u32 $0x480, v0  }
0x8: {  	v19 =	vor.u32 $0x481, v0;
	v20 =	vor.u32 $0x500, v0;
	v21 =	vor.u32 $0x501, v0  }
0x9: {  	v22 =	vor.u32 $0x580, v0;
	v23 =	vor.u32 $0x581, v0;
	v24 =	vor.u32 $0x600, v0  }
0xa: {  	v25 =	vor.u32 $0x601, v0;
	v26 =	vor.u32 $0x680, v0;
	v27 =	vor.u32 $0x681, v0  }
0xb: {  	v28 =	vor.u32 $0x700, v0;
	v29 =	vor.u32 $0x701, v0;
	v30 =	vor.u32 $0x780, v0  }
0xc: {  	v31 =	vor.u32 $0x781, v0;
	v32 =	vor.u32 $0x800, v0;
	v33 =	vor.u32 $0x801, v0  }
0xd: {  	s4 =	rddreg [dreg:$0x0];
	v34 =	vor.u32 $0x880, v0;
	v35 =	vor.u32 $0x881, v0;
	v36 =	vor.u32 $0x900, v0  }
0xe: {  	s5 =	rddreg [dreg:$0x1];
	v37 =	vor.u32 $0x901, v0;
	v38 =	vor.u32 $0x980, v0;
	v39 =	vor.u32 $0x981, v0  }
0xf: {  	s6 =	rddreg [dreg:$0x2];
	v40 =	vor.u32 $0xA00, v0;
	v41 =	vor.u32 $0xA01, v0;
	v42 =	vor.u32 $0xA80, v0  }
0x10: {  	s0 =	rddreg [dreg:$0x3];
	s1 =	simm.s32 $0x0;
	s3 =	srdreg.scid;
	v43 =	vor.u32 $0xA81, v0;
	v44 =	vor.u32 $0xB00, v0;
	v45 =	vor.u32 $0xB01, v0  }
0x11: {  	s2 =	stileid.u32;
	s10 =	simm.s32 $0x14200;
	s7 =	sand.u32 $0x1, s3;
	v46 =	vor.u32 $0xB80, v0;
	v47 =	vor.u32 $0xB81, v0;
	v48 =	vor.u32 $0xC00, v0  }
0x12: {  	s11 =	simm.s32 $0x14400;
	s9 =	sshll.u32 s2, $0x9;
	s8 =	sshll.u32 s7, $0xD;
	v49 =	vor.u32 $0xC01, v0;
	v50 =	vor.u32 $0xC80, v0;
	v51 =	vor.u32 $0xC81, v0  }
0x13: {  	[smem:$0x7FF] =	sst s1;
	s7 =	ssub.s32 $0x2, s7;
	s8 =	sor.u32 s9, s8;
	v52 =	vor.u32 $0xD00, v0;
	v53 =	vor.u32 $0xD01, v0;
	[tilespmem:$0x1FFC0] =	vst v1;
	v1 =	vor.u32 $0x80, v0  }
0x14: {  	s31 =	sshrl.u32 s7, $0x1;
	v54 =	vor.u32 $0xD80, v0;
	v55 =	vor.u32 $0xD81, v0;
	s9 =	sadd.s32 s8, s4;
	s8 =	sshrl.u32 s8, $0x3;
	[tilespmem:$0x1FFD0] =	vst v1;
	v1 =	vor.u32 $0x81, v0  }
0x15: {  	s3 =	sadd.s32 $0x2000, s4;
	v56 =	vor.u32 $0xE00, v0;
	v57 =	vor.u32 $0xE01, v0;
	s7 =	ssub.s32 s7, s31;
	s4 =	sadd.s32 s5, s8;
	[tilespmem:$0x1FFE0] =	vst v1;
	v1 =	vor.u32 $0x100, v0  }
0x16: {  	v58 =	vor.u32 $0xE80, v0;
	v59 =	vor.u32 $0xE81, v0;
	v60 =	vor.u32 $0xF00, v0;
	s5 =	sadd.s32 s6, s8;
	s6 =	sadd.s32 $0x4800, s9;
	s7 =	smax.u32 s7, $0x1;
	[tilespmem:$0x1FFF0] =	vst v1  }
0x17: {  	v61 =	vor.u32 $0xF01, v0;
	v62 =	vor.u32 $0xF80, v0;
	v63 =	vor.u32 $0xF81, v0;
	s8 =	simm.s32 $0x1;
	s9 =	simm.s32 $0x14000;
	_ =	strace $0x8000004D  }
.LBB2_1:
0x18: {  	[tilespmem:s1], [sflag:$0x1] =	stream.linear.gather [hbm4b:s3+s1], $0x14000, $0x38;
	[tilespmem:$0x15400] =	vst v63  }
0x19: {  	_ =	swait.ge [sflag:s8], $0x14000  }
0x1a: {  	[sflag:s8] =	ssyncset.done $0x0  }
0x1b: {  	[sflag:s8] =	ssyncadd.s32 $0xFFFEC000  }
0x1c: {  	[tilespmem:s9], [sflag:$0x1] =	stream.linear.gather [hbm4b:s4+s1], $0x200, $0x38;
	[tilespmem:$0x15400] =	vst v63  }
0x1d: {  	_ =	swait.ge [sflag:s8], $0x200  }
0x1e: {  	[sflag:s8] =	ssyncset.done $0x0  }
0x1f: {  	[sflag:s8] =	ssyncadd.s32 $0xFFFFFE00  }
0x20: {  	[tilespmem:s10], [sflag:$0x1] =	stream.linear.gather [hbm4b:s5+s1], $0x200, $0x38;
	[tilespmem:$0x15400] =	vst v63  }
0x21: {  	_ =	swait.ge [sflag:s8], $0x200  }
0x22: {  	[sflag:s8] =	ssyncset.done $0x0  }
0x23: {  	[sflag:s8] =	ssyncadd.s32 $0xFFFFFE00  }
0x24: {  	v1 =	vld [tilespmem:$0x14000]  }
0x25: {  	v2 =	vld [tilespmem:$0x14200];
	_ =	sdelay $0x4  }
0x26: {  	v1 =	vshll.u32 v1, $0x3;
	v2 =	vshll.u32 v2, $0x3  }
0x27: {  	v4 =	vor.u32 $0x2, v2;
	_ =	sdelay $0x3  }
0x28: {  	v3 =	vor.u32 $0x1, v1;
	v1 =	vld.idx.msk [tilespmem:v1+s1+$0x0], $0xffff  }
0x29: {  	v4 =	vld.idx.msk [tilespmem:v4+s1+$0x0], $0xffff  }
0x2a: {  	v2 =	vor.u32 $0x3, v2;
	_ =	sdelay $0x3  }
0x2b: {  	v3 =	vld.idx.msk [tilespmem:v3+s1+$0x0], $0xffff;
	v1 =	vadd.f32 v4, v1  }
0x2c: {  	v2 =	vld.idx.msk [tilespmem:v2+s1+$0x0], $0xffff  }
0x2d: {  	[tilespmem:v0+s11+$0x0] =	vst.idx.msk $0xffff, v1;
	v1 =	vld [tilespmem:$0x1FFC0];
	_ =	sdelay $0x5  }
0x2e: {  	v2 =	vadd.f32 v2, v3;
	_ =	sdelay $0x1  }
0x2f: {  	[tilespmem:v1+s11+$0x0] =	vst.idx.msk $0xffff, v2  }
0x30: {  	v1 =	vld [tilespmem:$0x14010]  }
0x31: {  	v2 =	vld [tilespmem:$0x14210];
	_ =	sdelay $0x3  }
0x32: {  	v1 =	vshll.u32 v1, $0x3  }
0x33: {  	v2 =	vshll.u32 v2, $0x3;
	v3 =	vor.u32 $0x1, v1  }
0x34: {  	v4 =	vor.u32 $0x2, v2;
	v2 =	vor.u32 $0x3, v2;
	_ =	sdelay $0x3  }
0x35: {  	v3 =	vld.idx.msk [tilespmem:v3+s1+$0x0], $0xffff  }
0x36: {  	v2 =	vld.idx.msk [tilespmem:v2+s1+$0x0], $0xffff;
	_ =	sdelay $0x3  }
0x37: {  	v1 =	vld.idx.msk [tilespmem:v1+s1+$0x0], $0xffff  }
0x38: {  	v2 =	vadd.f32 v2, v3;
	v3 =	vld [tilespmem:$0x1FFD0]  }
0x39: {  	v4 =	vld.idx.msk [tilespmem:v4+s1+$0x0], $0xffff;
	_ =	sdelay $0x4  }
0x3a: {  	v1 =	vadd.f32 v4, v1;
	_ =	sdelay $0x1  }
0x3b: {  	[tilespmem:v3+s11+$0x0] =	vst.idx.msk $0xffff, v1;
	v1 =	vld [tilespmem:$0x1FFE0];
	_ =	sdelay $0x7  }
0x3c: {  	[tilespmem:v1+s11+$0x0] =	vst.idx.msk $0xffff, v2  }
0x3d: {  	v1 =	vld [tilespmem:$0x14020]  }
0x3e: {  	v2 =	vld [tilespmem:$0x14220];
	_ =	sdelay $0x3  }
0x3f: {  	v1 =	vshll.u32 v1, $0x3  }
0x40: {  	v2 =	vshll.u32 v2, $0x3;
	v3 =	vor.u32 $0x1, v1  }
0x41: {  	v4 =	vor.u32 $0x2, v2;
	v2 =	vor.u32 $0x3, v2;
	_ =	sdelay $0x3  }
0x42: {  	v3 =	vld.idx.msk [tilespmem:v3+s1+$0x0], $0xffff  }
0x43: {  	v2 =	vld.idx.msk [tilespmem:v2+s1+$0x0], $0xffff;
	_ =	sdelay $0x3  }
0x44: {  	v1 =	vld.idx.msk [tilespmem:v1+s1+$0x0], $0xffff  }
0x45: {  	v2 =	vadd.f32 v2, v3;
	v3 =	vld [tilespmem:$0x1FFF0]  }
0x46: {  	v4 =	vld.idx.msk [tilespmem:v4+s1+$0x0], $0xffff;
	_ =	sdelay $0x4  }
0x47: {  	v1 =	vadd.f32 v4, v1;
	_ =	sdelay $0x1  }
0x48: {  	[tilespmem:v3+s11+$0x0] =	vst.idx.msk $0xffff, v1  }
0x49: {  	[tilespmem:v5+s11+$0x0] =	vst.idx.msk $0xffff, v2  }
0x4a: {  	v1 =	vld [tilespmem:$0x14030]  }
0x4b: {  	v2 =	vld [tilespmem:$0x14230];
	_ =	sdelay $0x3  }
0x4c: {  	v1 =	vshll.u32 v1, $0x3  }
0x4d: {  	v2 =	vshll.u32 v2, $0x3;
	v3 =	vor.u32 $0x1, v1  }
0x4e: {  	v4 =	vor.u32 $0x2, v2  }
0x4f: {  	v2 =	vor.u32 $0x3, v2;
	_ =	sdelay $0x1  }
0x50: {  	v1 =	vld.idx.msk [tilespmem:v1+s1+$0x0], $0xffff  }
0x51: {  	v3 =	vld.idx.msk [tilespmem:v3+s1+$0x0], $0xffff  }
0x52: {  	v4 =	vld.idx.msk [tilespmem:v4+s1+$0x0], $0xffff  }
0x53: {  	v2 =	vld.idx.msk [tilespmem:v2+s1+$0x0], $0xffff;
	_ =	sdelay $0x3  }
0x54: {  	v1 =	vadd.f32 v4, v1  }
0x55: {  	v2 =	vadd.f32 v2, v3  }
0x56: {  	[tilespmem:v6+s11+$0x0] =	vst.idx.msk $0xffff, v1  }
0x57: {  	[tilespmem:v7+s11+$0x0] =	vst.idx.msk $0xffff, v2  }
0x58: {  	v1 =	vld [tilespmem:$0x14040]  }
0x59: {  	v2 =	vld [tilespmem:$0x14240];
	_ =	sdelay $0x3  }
0x5a: {  	v1 =	vshll.u32 v1, $0x3  }
0x5b: {  	v2 =	vshll.u32 v2, $0x3;
	v3 =	vor.u32 $0x1, v1  }
0x5c: {  	v4 =	vor.u32 $0x2, v2  }
0x5d: {  	v2 =	vor.u32 $0x3, v2;
	_ =	sdelay $0x1  }
0x5e: {  	v1 =	vld.idx.msk [tilespmem:v1+s1+$0x0], $0xffff  }
0x5f: {  	v3 =	vld.idx.msk [tilespmem:v3+s1+$0x0], $0xffff  }
0x60: {  	v4 =	vld.idx.msk [tilespmem:v4+s1+$0x0], $0xffff  }
0x61: {  	v2 =	vld.idx.msk [tilespmem:v2+s1+$0x0], $0xffff;
	_ =	sdelay $0x3  }
0x62: {  	v1 =	vadd.f32 v4, v1  }
0x63: {  	v2 =	vadd.f32 v2, v3  }
0x64: {  	[tilespmem:v8+s11+$0x0] =	vst.idx.msk $0xffff, v1  }
0x65: {  	[tilespmem:v9+s11+$0x0] =	vst.idx.msk $0xffff, v2  }
0x66: {  	v1 =	vld [tilespmem:$0x14050]  }
0x67: {  	v2 =	vld [tilespmem:$0x14250];
	_ =	sdelay $0x3  }
0x68: {  	v1 =	vshll.u32 v1, $0x3  }
0x69: {  	v2 =	vshll.u32 v2, $0x3;
	v3 =	vor.u32 $0x1, v1  }
0x6a: {  	v4 =	vor.u32 $0x2, v2  }
0x6b: {  	v2 =	vor.u32 $0x3, v2;
	_ =	sdelay $0x1  }
0x6c: {  	v1 =	vld.idx.msk [tilespmem:v1+s1+$0x0], $0xffff  }
0x6d: {  	v3 =	vld.idx.msk [tilespmem:v3+s1+$0x0], $0xffff  }
0x6e: {  	v4 =	vld.idx.msk [tilespmem:v4+s1+$0x0], $0xffff  }
0x6f: {  	v2 =	vld.idx.msk [tilespmem:v2+s1+$0x0], $0xffff;
	_ =	sdelay $0x3  }
0x70: {  	v1 =	vadd.f32 v4, v1  }
0x71: {  	v2 =	vadd.f32 v2, v3  }
0x72: {  	[tilespmem:v10+s11+$0x0] =	vst.idx.msk $0xffff, v1  }
0x73: {  	[tilespmem:v11+s11+$0x0] =	vst.idx.msk $0xffff, v2  }
0x74: {  	v1 =	vld [tilespmem:$0x14060]  }
0x75: {  	v2 =	vld [tilespmem:$0x14260];
	_ =	sdelay $0x3  }
0x76: {  	v1 =	vshll.u32 v1, $0x3  }
0x77: {  	v2 =	vshll.u32 v2, $0x3;
	v3 =	vor.u32 $0x1, v1  }
0x78: {  	v4 =	vor.u32 $0x2, v2  }
0x79: {  	v2 =	vor.u32 $0x3, v2;
	_ =	sdelay $0x1  }
0x7a: {  	v1 =	vld.idx.msk [tilespmem:v1+s1+$0x0], $0xffff  }
0x7b: {  	v3 =	vld.idx.msk [tilespmem:v3+s1+$0x0], $0xffff  }
0x7c: {  	v4 =	vld.idx.msk [tilespmem:v4+s1+$0x0], $0xffff  }
0x7d: {  	v2 =	vld.idx.msk [tilespmem:v2+s1+$0x0], $0xffff;
	_ =	sdelay $0x3  }
0x7e: {  	v1 =	vadd.f32 v4, v1  }
0x7f: {  	v2 =	vadd.f32 v2, v3  }
0x80: {  	[tilespmem:v12+s11+$0x0] =	vst.idx.msk $0xffff, v1  }
0x81: {  	[tilespmem:v13+s11+$0x0] =	vst.idx.msk $0xffff, v2  }
0x82: {  	v1 =	vld [tilespmem:$0x14070]  }
0x83: {  	v2 =	vld [tilespmem:$0x14270];
	_ =	sdelay $0x3  }
0x84: {  	v1 =	vshll.u32 v1, $0x3  }
0x85: {  	v2 =	vshll.u32 v2, $0x3;
	v3 =	vor.u32 $0x1, v1  }
0x86: {  	v4 =	vor.u32 $0x2, v2  }
0x87: {  	v2 =	vor.u32 $0x3, v2;
	_ =	sdelay $0x1  }
0x88: {  	v1 =	vld.idx.msk [tilespmem:v1+s1+$0x0], $0xffff  }
0x89: {  	v3 =	vld.idx.msk [tilespmem:v3+s1+$0x0], $0xffff  }
0x8a: {  	v4 =	vld.idx.msk [tilespmem:v4+s1+$0x0], $0xffff  }
0x8b: {  	v2 =	vld.idx.msk [tilespmem:v2+s1+$0x0], $0xffff;
	_ =	sdelay $0x3  }
0x8c: {  	v1 =	vadd.f32 v4, v1  }
0x8d: {  	v2 =	vadd.f32 v2, v3  }
0x8e: {  	[tilespmem:v14+s11+$0x0] =	vst.idx.msk $0xffff, v1  }
0x8f: {  	[tilespmem:v15+s11+$0x0] =	vst.idx.msk $0xffff, v2  }
0x90: {  	v1 =	vld [tilespmem:$0x14080]  }
0x91: {  	v2 =	vld [tilespmem:$0x14280];
	_ =	sdelay $0x3  }
0x92: {  	v1 =	vshll.u32 v1, $0x3  }
0x93: {  	v2 =	vshll.u32 v2, $0x3;
	v3 =	vor.u32 $0x1, v1  }
0x94: {  	v4 =	vor.u32 $0x2, v2  }
0x95: {  	v2 =	vor.u32 $0x3, v2;
	_ =	sdelay $0x1  }
0x96: {  	v1 =	vld.idx.msk [tilespmem:v1+s1+$0x0], $0xffff  }
0x97: {  	v3 =	vld.idx.msk [tilespmem:v3+s1+$0x0], $0xffff  }
0x98: {  	v4 =	vld.idx.msk [tilespmem:v4+s1+$0x0], $0xffff  }
0x99: {  	v2 =	vld.idx.msk [tilespmem:v2+s1+$0x0], $0xffff;
	_ =	sdelay $0x3  }
0x9a: {  	v1 =	vadd.f32 v4, v1  }
0x9b: {  	v2 =	vadd.f32 v2, v3  }
0x9c: {  	[tilespmem:v16+s11+$0x0] =	vst.idx.msk $0xffff, v1  }
0x9d: {  	[tilespmem:v17+s11+$0x0] =	vst.idx.msk $0xffff, v2  }
0x9e: {  	v1 =	vld [tilespmem:$0x14090]  }
0x9f: {  	v2 =	vld [tilespmem:$0x14290];
	_ =	sdelay $0x3  }
0xa0: {  	v1 =	vshll.u32 v1, $0x3  }
0xa1: {  	v2 =	vshll.u32 v2, $0x3;
	v3 =	vor.u32 $0x1, v1  }
0xa2: {  	v4 =	vor.u32 $0x2, v2  }
0xa3: {  	v2 =	vor.u32 $0x3, v2;
	_ =	sdelay $0x1  }
0xa4: {  	v1 =	vld.idx.msk [tilespmem:v1+s1+$0x0], $0xffff  }
0xa5: {  	v3 =	vld.idx.msk [tilespmem:v3+s1+$0x0], $0xffff  }
0xa6: {  	v4 =	vld.idx.msk [tilespmem:v4+s1+$0x0], $0xffff  }
0xa7: {  	v2 =	vld.idx.msk [tilespmem:v2+s1+$0x0], $0xffff;
	_ =	sdelay $0x3  }
0xa8: {  	v1 =	vadd.f32 v4, v1  }
0xa9: {  	v2 =	vadd.f32 v2, v3  }
0xaa: {  	[tilespmem:v18+s11+$0x0] =	vst.idx.msk $0xffff, v1  }
0xab: {  	[tilespmem:v19+s11+$0x0] =	vst.idx.msk $0xffff, v2  }
0xac: {  	v1 =	vld [tilespmem:$0x140A0]  }
0xad: {  	v2 =	vld [tilespmem:$0x142A0];
	_ =	sdelay $0x3  }
0xae: {  	v1 =	vshll.u32 v1, $0x3  }
0xaf: {  	v2 =	vshll.u32 v2, $0x3;
	v3 =	vor.u32 $0x1, v1  }
0xb0: {  	v4 =	vor.u32 $0x2, v2  }
0xb1: {  	v2 =	vor.u32 $0x3, v2;
	_ =	sdelay $0x1  }
0xb2: {  	v1 =	vld.idx.msk [tilespmem:v1+s1+$0x0], $0xffff  }
0xb3: {  	v3 =	vld.idx.msk [tilespmem:v3+s1+$0x0], $0xffff  }
0xb4: {  	v4 =	vld.idx.msk [tilespmem:v4+s1+$0x0], $0xffff  }
0xb5: {  	v2 =	vld.idx.msk [tilespmem:v2+s1+$0x0], $0xffff;
	_ =	sdelay $0x3  }
0xb6: {  	v1 =	vadd.f32 v4, v1  }
0xb7: {  	v2 =	vadd.f32 v2, v3  }
0xb8: {  	[tilespmem:v20+s11+$0x0] =	vst.idx.msk $0xffff, v1  }
0xb9: {  	[tilespmem:v21+s11+$0x0] =	vst.idx.msk $0xffff, v2  }
0xba: {  	v1 =	vld [tilespmem:$0x140B0]  }
0xbb: {  	v2 =	vld [tilespmem:$0x142B0];
	_ =	sdelay $0x3  }
0xbc: {  	v1 =	vshll.u32 v1, $0x3  }
0xbd: {  	v2 =	vshll.u32 v2, $0x3;
	v3 =	vor.u32 $0x1, v1  }
0xbe: {  	v4 =	vor.u32 $0x2, v2  }
0xbf: {  	v2 =	vor.u32 $0x3, v2;
	_ =	sdelay $0x1  }
0xc0: {  	v1 =	vld.idx.msk [tilespmem:v1+s1+$0x0], $0xffff  }
0xc1: {  	v3 =	vld.idx.msk [tilespmem:v3+s1+$0x0], $0xffff  }
0xc2: {  	v4 =	vld.idx.msk [tilespmem:v4+s1+$0x0], $0xffff  }
0xc3: {  	v2 =	vld.idx.msk [tilespmem:v2+s1+$0x0], $0xffff;
	_ =	sdelay $0x3  }
0xc4: {  	v1 =	vadd.f32 v4, v1  }
0xc5: {  	v2 =	vadd.f32 v2, v3  }
0xc6: {  	[tilespmem:v22+s11+$0x0] =	vst.idx.msk $0xffff, v1  }
0xc7: {  	[tilespmem:v23+s11+$0x0] =	vst.idx.msk $0xffff, v2  }
0xc8: {  	v1 =	vld [tilespmem:$0x140C0]  }
0xc9: {  	v2 =	vld [tilespmem:$0x142C0];
	_ =	sdelay $0x3  }
0xca: {  	v1 =	vshll.u32 v1, $0x3  }
0xcb: {  	v2 =	vshll.u32 v2, $0x3;
	v3 =	vor.u32 $0x1, v1  }
0xcc: {  	v4 =	vor.u32 $0x2, v2  }
0xcd: {  	v2 =	vor.u32 $0x3, v2;
	_ =	sdelay $0x1  }
0xce: {  	v1 =	vld.idx.msk [tilespmem:v1+s1+$0x0], $0xffff  }
0xcf: {  	v3 =	vld.idx.msk [tilespmem:v3+s1+$0x0], $0xffff  }
0xd0: {  	v4 =	vld.idx.msk [tilespmem:v4+s1+$0x0], $0xffff  }
0xd1: {  	v2 =	vld.idx.msk [tilespmem:v2+s1+$0x0], $0xffff;
	_ =	sdelay $0x3  }
0xd2: {  	v1 =	vadd.f32 v4, v1  }
0xd3: {  	v2 =	vadd.f32 v2, v3  }
0xd4: {  	[tilespmem:v24+s11+$0x0] =	vst.idx.msk $0xffff, v1  }
0xd5: {  	[tilespmem:v25+s11+$0x0] =	vst.idx.msk $0xffff, v2  }
0xd6: {  	v1 =	vld [tilespmem:$0x140D0]  }
0xd7: {  	v2 =	vld [tilespmem:$0x142D0];
	_ =	sdelay $0x3  }
0xd8: {  	v1 =	vshll.u32 v1, $0x3  }
0xd9: {  	v2 =	vshll.u32 v2, $0x3;
	v3 =	vor.u32 $0x1, v1  }
0xda: {  	v4 =	vor.u32 $0x2, v2  }
0xdb: {  	v2 =	vor.u32 $0x3, v2;
	_ =	sdelay $0x1  }
0xdc: {  	v1 =	vld.idx.msk [tilespmem:v1+s1+$0x0], $0xffff  }
0xdd: {  	v3 =	vld.idx.msk [tilespmem:v3+s1+$0x0], $0xffff  }
0xde: {  	v4 =	vld.idx.msk [tilespmem:v4+s1+$0x0], $0xffff  }
0xdf: {  	v2 =	vld.idx.msk [tilespmem:v2+s1+$0x0], $0xffff;
	_ =	sdelay $0x3  }
0xe0: {  	v1 =	vadd.f32 v4, v1  }
0xe1: {  	v2 =	vadd.f32 v2, v3  }
0xe2: {  	[tilespmem:v26+s11+$0x0] =	vst.idx.msk $0xffff, v1  }
0xe3: {  	[tilespmem:v27+s11+$0x0] =	vst.idx.msk $0xffff, v2  }
0xe4: {  	v1 =	vld [tilespmem:$0x140E0]  }
0xe5: {  	v2 =	vld [tilespmem:$0x142E0];
	_ =	sdelay $0x3  }
0xe6: {  	v1 =	vshll.u32 v1, $0x3  }
0xe7: {  	v2 =	vshll.u32 v2, $0x3;
	v3 =	vor.u32 $0x1, v1  }
0xe8: {  	v4 =	vor.u32 $0x2, v2  }
0xe9: {  	v2 =	vor.u32 $0x3, v2;
	_ =	sdelay $0x1  }
0xea: {  	v1 =	vld.idx.msk [tilespmem:v1+s1+$0x0], $0xffff  }
0xeb: {  	v3 =	vld.idx.msk [tilespmem:v3+s1+$0x0], $0xffff  }
0xec: {  	v4 =	vld.idx.msk [tilespmem:v4+s1+$0x0], $0xffff  }
0xed: {  	v2 =	vld.idx.msk [tilespmem:v2+s1+$0x0], $0xffff;
	_ =	sdelay $0x3  }
0xee: {  	v1 =	vadd.f32 v4, v1  }
0xef: {  	v2 =	vadd.f32 v2, v3  }
0xf0: {  	[tilespmem:v28+s11+$0x0] =	vst.idx.msk $0xffff, v1  }
0xf1: {  	[tilespmem:v29+s11+$0x0] =	vst.idx.msk $0xffff, v2  }
0xf2: {  	v1 =	vld [tilespmem:$0x140F0]  }
0xf3: {  	v2 =	vld [tilespmem:$0x142F0];
	_ =	sdelay $0x3  }
0xf4: {  	v1 =	vshll.u32 v1, $0x3  }
0xf5: {  	v2 =	vshll.u32 v2, $0x3;
	v3 =	vor.u32 $0x1, v1  }
0xf6: {  	v4 =	vor.u32 $0x2, v2  }
0xf7: {  	v2 =	vor.u32 $0x3, v2;
	_ =	sdelay $0x1  }
0xf8: {  	v1 =	vld.idx.msk [tilespmem:v1+s1+$0x0], $0xffff  }
0xf9: {  	v3 =	vld.idx.msk [tilespmem:v3+s1+$0x0], $0xffff  }
0xfa: {  	v4 =	vld.idx.msk [tilespmem:v4+s1+$0x0], $0xffff  }
0xfb: {  	v2 =	vld.idx.msk [tilespmem:v2+s1+$0x0], $0xffff;
	_ =	sdelay $0x3  }
0xfc: {  	v1 =	vadd.f32 v4, v1  }
0xfd: {  	v2 =	vadd.f32 v2, v3  }
0xfe: {  	[tilespmem:v30+s11+$0x0] =	vst.idx.msk $0xffff, v1  }
0xff: {  	[tilespmem:v31+s11+$0x0] =	vst.idx.msk $0xffff, v2  }
0x100: {  	v1 =	vld [tilespmem:$0x14100]  }
0x101: {  	v2 =	vld [tilespmem:$0x14300];
	_ =	sdelay $0x3  }
0x102: {  	v1 =	vshll.u32 v1, $0x3  }
0x103: {  	v2 =	vshll.u32 v2, $0x3;
	v3 =	vor.u32 $0x1, v1  }
0x104: {  	v4 =	vor.u32 $0x2, v2  }
0x105: {  	v2 =	vor.u32 $0x3, v2;
	_ =	sdelay $0x1  }
0x106: {  	v1 =	vld.idx.msk [tilespmem:v1+s1+$0x0], $0xffff  }
0x107: {  	v3 =	vld.idx.msk [tilespmem:v3+s1+$0x0], $0xffff  }
0x108: {  	v4 =	vld.idx.msk [tilespmem:v4+s1+$0x0], $0xffff  }
0x109: {  	v2 =	vld.idx.msk [tilespmem:v2+s1+$0x0], $0xffff;
	_ =	sdelay $0x3  }
0x10a: {  	v1 =	vadd.f32 v4, v1  }
0x10b: {  	v2 =	vadd.f32 v2, v3  }
0x10c: {  	[tilespmem:v32+s11+$0x0] =	vst.idx.msk $0xffff, v1  }
0x10d: {  	[tilespmem:v33+s11+$0x0] =	vst.idx.msk $0xffff, v2  }
0x10e: {  	v1 =	vld [tilespmem:$0x14110]  }
0x10f: {  	v2 =	vld [tilespmem:$0x14310];
	_ =	sdelay $0x3  }
0x110: {  	v1 =	vshll.u32 v1, $0x3  }
0x111: {  	v2 =	vshll.u32 v2, $0x3;
	v3 =	vor.u32 $0x1, v1  }
0x112: {  	v4 =	vor.u32 $0x2, v2  }
0x113: {  	v2 =	vor.u32 $0x3, v2;
	_ =	sdelay $0x1  }
0x114: {  	v1 =	vld.idx.msk [tilespmem:v1+s1+$0x0], $0xffff  }
0x115: {  	v3 =	vld.idx.msk [tilespmem:v3+s1+$0x0], $0xffff  }
0x116: {  	v4 =	vld.idx.msk [tilespmem:v4+s1+$0x0], $0xffff  }
0x117: {  	v2 =	vld.idx.msk [tilespmem:v2+s1+$0x0], $0xffff;
	_ =	sdelay $0x3  }
0x118: {  	v1 =	vadd.f32 v4, v1  }
0x119: {  	v2 =	vadd.f32 v2, v3  }
0x11a: {  	[tilespmem:v34+s11+$0x0] =	vst.idx.msk $0xffff, v1  }
0x11b: {  	[tilespmem:v35+s11+$0x0] =	vst.idx.msk $0xffff, v2  }
0x11c: {  	v1 =	vld [tilespmem:$0x14120]  }
0x11d: {  	v2 =	vld [tilespmem:$0x14320];
	_ =	sdelay $0x3  }
0x11e: {  	v1 =	vshll.u32 v1, $0x3  }
0x11f: {  	v2 =	vshll.u32 v2, $0x3;
	v3 =	vor.u32 $0x1, v1  }
0x120: {  	v4 =	vor.u32 $0x2, v2  }
0x121: {  	v2 =	vor.u32 $0x3, v2;
	_ =	sdelay $0x1  }
0x122: {  	v1 =	vld.idx.msk [tilespmem:v1+s1+$0x0], $0xffff  }
0x123: {  	v3 =	vld.idx.msk [tilespmem:v3+s1+$0x0], $0xffff  }
0x124: {  	v4 =	vld.idx.msk [tilespmem:v4+s1+$0x0], $0xffff  }
0x125: {  	v2 =	vld.idx.msk [tilespmem:v2+s1+$0x0], $0xffff;
	_ =	sdelay $0x3  }
0x126: {  	v1 =	vadd.f32 v4, v1  }
0x127: {  	v2 =	vadd.f32 v2, v3  }
0x128: {  	[tilespmem:v36+s11+$0x0] =	vst.idx.msk $0xffff, v1  }
0x129: {  	[tilespmem:v37+s11+$0x0] =	vst.idx.msk $0xffff, v2  }
0x12a: {  	v1 =	vld [tilespmem:$0x14130]  }
0x12b: {  	v2 =	vld [tilespmem:$0x14330];
	_ =	sdelay $0x3  }
0x12c: {  	v1 =	vshll.u32 v1, $0x3  }
0x12d: {  	v2 =	vshll.u32 v2, $0x3;
	v3 =	vor.u32 $0x1, v1  }
0x12e: {  	v4 =	vor.u32 $0x2, v2  }
0x12f: {  	v2 =	vor.u32 $0x3, v2;
	_ =	sdelay $0x1  }
0x130: {  	v1 =	vld.idx.msk [tilespmem:v1+s1+$0x0], $0xffff  }
0x131: {  	v3 =	vld.idx.msk [tilespmem:v3+s1+$0x0], $0xffff  }
0x132: {  	v4 =	vld.idx.msk [tilespmem:v4+s1+$0x0], $0xffff  }
0x133: {  	v2 =	vld.idx.msk [tilespmem:v2+s1+$0x0], $0xffff;
	_ =	sdelay $0x3  }
0x134: {  	v1 =	vadd.f32 v4, v1  }
0x135: {  	v2 =	vadd.f32 v2, v3  }
0x136: {  	[tilespmem:v38+s11+$0x0] =	vst.idx.msk $0xffff, v1  }
0x137: {  	[tilespmem:v39+s11+$0x0] =	vst.idx.msk $0xffff, v2  }
0x138: {  	v1 =	vld [tilespmem:$0x14140]  }
0x139: {  	v2 =	vld [tilespmem:$0x14340];
	_ =	sdelay $0x3  }
0x13a: {  	v1 =	vshll.u32 v1, $0x3  }
0x13b: {  	v2 =	vshll.u32 v2, $0x3;
	v3 =	vor.u32 $0x1, v1  }
0x13c: {  	v4 =	vor.u32 $0x2, v2  }
0x13d: {  	v2 =	vor.u32 $0x3, v2;
	_ =	sdelay $0x1  }
0x13e: {  	v1 =	vld.idx.msk [tilespmem:v1+s1+$0x0], $0xffff  }
0x13f: {  	v3 =	vld.idx.msk [tilespmem:v3+s1+$0x0], $0xffff  }
0x140: {  	v4 =	vld.idx.msk [tilespmem:v4+s1+$0x0], $0xffff  }
0x141: {  	v2 =	vld.idx.msk [tilespmem:v2+s1+$0x0], $0xffff;
	_ =	sdelay $0x3  }
0x142: {  	v1 =	vadd.f32 v4, v1  }
0x143: {  	v2 =	vadd.f32 v2, v3  }
0x144: {  	[tilespmem:v40+s11+$0x0] =	vst.idx.msk $0xffff, v1  }
0x145: {  	[tilespmem:v41+s11+$0x0] =	vst.idx.msk $0xffff, v2  }
0x146: {  	v1 =	vld [tilespmem:$0x14150]  }
0x147: {  	v2 =	vld [tilespmem:$0x14350];
	_ =	sdelay $0x3  }
0x148: {  	v1 =	vshll.u32 v1, $0x3  }
0x149: {  	v2 =	vshll.u32 v2, $0x3;
	v3 =	vor.u32 $0x1, v1  }
0x14a: {  	v4 =	vor.u32 $0x2, v2  }
0x14b: {  	v2 =	vor.u32 $0x3, v2;
	_ =	sdelay $0x1  }
0x14c: {  	v1 =	vld.idx.msk [tilespmem:v1+s1+$0x0], $0xffff  }
0x14d: {  	v3 =	vld.idx.msk [tilespmem:v3+s1+$0x0], $0xffff  }
0x14e: {  	v4 =	vld.idx.msk [tilespmem:v4+s1+$0x0], $0xffff  }
0x14f: {  	v2 =	vld.idx.msk [tilespmem:v2+s1+$0x0], $0xffff;
	_ =	sdelay $0x3  }
0x150: {  	v1 =	vadd.f32 v4, v1  }
0x151: {  	v2 =	vadd.f32 v2, v3  }
0x152: {  	[tilespmem:v42+s11+$0x0] =	vst.idx.msk $0xffff, v1  }
0x153: {  	[tilespmem:v43+s11+$0x0] =	vst.idx.msk $0xffff, v2  }
0x154: {  	v1 =	vld [tilespmem:$0x14160]  }
0x155: {  	v2 =	vld [tilespmem:$0x14360];
	_ =	sdelay $0x3  }
0x156: {  	v1 =	vshll.u32 v1, $0x3  }
0x157: {  	v2 =	vshll.u32 v2, $0x3;
	v3 =	vor.u32 $0x1, v1  }
0x158: {  	v4 =	vor.u32 $0x2, v2  }
0x159: {  	v2 =	vor.u32 $0x3, v2;
	_ =	sdelay $0x1  }
0x15a: {  	v1 =	vld.idx.msk [tilespmem:v1+s1+$0x0], $0xffff  }
0x15b: {  	v3 =	vld.idx.msk [tilespmem:v3+s1+$0x0], $0xffff  }
0x15c: {  	v4 =	vld.idx.msk [tilespmem:v4+s1+$0x0], $0xffff  }
0x15d: {  	v2 =	vld.idx.msk [tilespmem:v2+s1+$0x0], $0xffff;
	_ =	sdelay $0x3  }
0x15e: {  	v1 =	vadd.f32 v4, v1  }
0x15f: {  	v2 =	vadd.f32 v2, v3  }
0x160: {  	[tilespmem:v44+s11+$0x0] =	vst.idx.msk $0xffff, v1  }
0x161: {  	[tilespmem:v45+s11+$0x0] =	vst.idx.msk $0xffff, v2  }
0x162: {  	v1 =	vld [tilespmem:$0x14170]  }
0x163: {  	v2 =	vld [tilespmem:$0x14370];
	_ =	sdelay $0x3  }
0x164: {  	v1 =	vshll.u32 v1, $0x3  }
0x165: {  	v2 =	vshll.u32 v2, $0x3;
	v3 =	vor.u32 $0x1, v1  }
0x166: {  	v4 =	vor.u32 $0x2, v2  }
0x167: {  	v2 =	vor.u32 $0x3, v2;
	_ =	sdelay $0x1  }
0x168: {  	v1 =	vld.idx.msk [tilespmem:v1+s1+$0x0], $0xffff  }
0x169: {  	v3 =	vld.idx.msk [tilespmem:v3+s1+$0x0], $0xffff  }
0x16a: {  	v4 =	vld.idx.msk [tilespmem:v4+s1+$0x0], $0xffff  }
0x16b: {  	v2 =	vld.idx.msk [tilespmem:v2+s1+$0x0], $0xffff;
	_ =	sdelay $0x3  }
0x16c: {  	v1 =	vadd.f32 v4, v1  }
0x16d: {  	v2 =	vadd.f32 v2, v3  }
0x16e: {  	[tilespmem:v46+s11+$0x0] =	vst.idx.msk $0xffff, v1  }
0x16f: {  	[tilespmem:v47+s11+$0x0] =	vst.idx.msk $0xffff, v2  }
0x170: {  	v1 =	vld [tilespmem:$0x14180]  }
0x171: {  	v2 =	vld [tilespmem:$0x14380];
	_ =	sdelay $0x3  }
0x172: {  	v1 =	vshll.u32 v1, $0x3  }
0x173: {  	v2 =	vshll.u32 v2, $0x3;
	v3 =	vor.u32 $0x1, v1  }
0x174: {  	v4 =	vor.u32 $0x2, v2  }
0x175: {  	v2 =	vor.u32 $0x3, v2;
	_ =	sdelay $0x1  }
0x176: {  	v1 =	vld.idx.msk [tilespmem:v1+s1+$0x0], $0xffff  }
0x177: {  	v3 =	vld.idx.msk [tilespmem:v3+s1+$0x0], $0xffff  }
0x178: {  	v4 =	vld.idx.msk [tilespmem:v4+s1+$0x0], $0xffff  }
0x179: {  	v2 =	vld.idx.msk [tilespmem:v2+s1+$0x0], $0xffff;
	_ =	sdelay $0x3  }
0x17a: {  	v1 =	vadd.f32 v4, v1  }
0x17b: {  	v2 =	vadd.f32 v2, v3  }
0x17c: {  	[tilespmem:v48+s11+$0x0] =	vst.idx.msk $0xffff, v1  }
0x17d: {  	[tilespmem:v49+s11+$0x0] =	vst.idx.msk $0xffff, v2  }
0x17e: {  	v1 =	vld [tilespmem:$0x14190]  }
0x17f: {  	v2 =	vld [tilespmem:$0x14390];
	_ =	sdelay $0x3  }
0x180: {  	v1 =	vshll.u32 v1, $0x3  }
0x181: {  	v2 =	vshll.u32 v2, $0x3;
	v3 =	vor.u32 $0x1, v1  }
0x182: {  	v4 =	vor.u32 $0x2, v2  }
0x183: {  	v2 =	vor.u32 $0x3, v2;
	_ =	sdelay $0x1  }
0x184: {  	v1 =	vld.idx.msk [tilespmem:v1+s1+$0x0], $0xffff  }
0x185: {  	v3 =	vld.idx.msk [tilespmem:v3+s1+$0x0], $0xffff  }
0x186: {  	v4 =	vld.idx.msk [tilespmem:v4+s1+$0x0], $0xffff  }
0x187: {  	v2 =	vld.idx.msk [tilespmem:v2+s1+$0x0], $0xffff;
	_ =	sdelay $0x3  }
0x188: {  	v1 =	vadd.f32 v4, v1  }
0x189: {  	v2 =	vadd.f32 v2, v3  }
0x18a: {  	[tilespmem:v50+s11+$0x0] =	vst.idx.msk $0xffff, v1  }
0x18b: {  	[tilespmem:v51+s11+$0x0] =	vst.idx.msk $0xffff, v2  }
0x18c: {  	v1 =	vld [tilespmem:$0x141A0]  }
0x18d: {  	v2 =	vld [tilespmem:$0x143A0];
	_ =	sdelay $0x3  }
0x18e: {  	v1 =	vshll.u32 v1, $0x3  }
0x18f: {  	v2 =	vshll.u32 v2, $0x3;
	v3 =	vor.u32 $0x1, v1  }
0x190: {  	v4 =	vor.u32 $0x2, v2  }
0x191: {  	v2 =	vor.u32 $0x3, v2;
	_ =	sdelay $0x1  }
0x192: {  	v1 =	vld.idx.msk [tilespmem:v1+s1+$0x0], $0xffff  }
0x193: {  	v3 =	vld.idx.msk [tilespmem:v3+s1+$0x0], $0xffff  }
0x194: {  	v4 =	vld.idx.msk [tilespmem:v4+s1+$0x0], $0xffff  }
0x195: {  	v2 =	vld.idx.msk [tilespmem:v2+s1+$0x0], $0xffff;
	_ =	sdelay $0x3  }
0x196: {  	v1 =	vadd.f32 v4, v1  }
0x197: {  	v2 =	vadd.f32 v2, v3  }
0x198: {  	[tilespmem:v52+s11+$0x0] =	vst.idx.msk $0xffff, v1  }
0x199: {  	[tilespmem:v53+s11+$0x0] =	vst.idx.msk $0xffff, v2  }
0x19a: {  	v1 =	vld [tilespmem:$0x141B0]  }
0x19b: {  	v2 =	vld [tilespmem:$0x143B0];
	_ =	sdelay $0x3  }
0x19c: {  	v1 =	vshll.u32 v1, $0x3  }
0x19d: {  	v2 =	vshll.u32 v2, $0x3;
	v3 =	vor.u32 $0x1, v1  }
0x19e: {  	v4 =	vor.u32 $0x2, v2  }
0x19f: {  	v2 =	vor.u32 $0x3, v2;
	_ =	sdelay $0x1  }
0x1a0: {  	v1 =	vld.idx.msk [tilespmem:v1+s1+$0x0], $0xffff  }
0x1a1: {  	v3 =	vld.idx.msk [tilespmem:v3+s1+$0x0], $0xffff  }
0x1a2: {  	v4 =	vld.idx.msk [tilespmem:v4+s1+$0x0], $0xffff  }
0x1a3: {  	v2 =	vld.idx.msk [tilespmem:v2+s1+$0x0], $0xffff;
	_ =	sdelay $0x3  }
0x1a4: {  	v1 =	vadd.f32 v4, v1  }
0x1a5: {  	v2 =	vadd.f32 v2, v3  }
0x1a6: {  	[tilespmem:v54+s11+$0x0] =	vst.idx.msk $0xffff, v1  }
0x1a7: {  	[tilespmem:v55+s11+$0x0] =	vst.idx.msk $0xffff, v2  }
0x1a8: {  	v1 =	vld [tilespmem:$0x141C0]  }
0x1a9: {  	v2 =	vld [tilespmem:$0x143C0];
	_ =	sdelay $0x3  }
0x1aa: {  	v1 =	vshll.u32 v1, $0x3  }
0x1ab: {  	v2 =	vshll.u32 v2, $0x3;
	v3 =	vor.u32 $0x1, v1  }
0x1ac: {  	v4 =	vor.u32 $0x2, v2  }
0x1ad: {  	v2 =	vor.u32 $0x3, v2;
	_ =	sdelay $0x1  }
0x1ae: {  	v1 =	vld.idx.msk [tilespmem:v1+s1+$0x0], $0xffff  }
0x1af: {  	v3 =	vld.idx.msk [tilespmem:v3+s1+$0x0], $0xffff  }
0x1b0: {  	v4 =	vld.idx.msk [tilespmem:v4+s1+$0x0], $0xffff  }
0x1b1: {  	v2 =	vld.idx.msk [tilespmem:v2+s1+$0x0], $0xffff;
	_ =	sdelay $0x3  }
0x1b2: {  	v1 =	vadd.f32 v4, v1  }
0x1b3: {  	v2 =	vadd.f32 v2, v3  }
0x1b4: {  	[tilespmem:v56+s11+$0x0] =	vst.idx.msk $0xffff, v1  }
0x1b5: {  	[tilespmem:v57+s11+$0x0] =	vst.idx.msk $0xffff, v2  }
0x1b6: {  	v1 =	vld [tilespmem:$0x141D0]  }
0x1b7: {  	v2 =	vld [tilespmem:$0x143D0];
	_ =	sdelay $0x3  }
0x1b8: {  	v1 =	vshll.u32 v1, $0x3  }
0x1b9: {  	v2 =	vshll.u32 v2, $0x3;
	v3 =	vor.u32 $0x1, v1  }
0x1ba: {  	v4 =	vor.u32 $0x2, v2  }
0x1bb: {  	v2 =	vor.u32 $0x3, v2;
	_ =	sdelay $0x1  }
0x1bc: {  	v1 =	vld.idx.msk [tilespmem:v1+s1+$0x0], $0xffff  }
0x1bd: {  	v3 =	vld.idx.msk [tilespmem:v3+s1+$0x0], $0xffff  }
0x1be: {  	v4 =	vld.idx.msk [tilespmem:v4+s1+$0x0], $0xffff  }
0x1bf: {  	v2 =	vld.idx.msk [tilespmem:v2+s1+$0x0], $0xffff;
	_ =	sdelay $0x3  }
0x1c0: {  	v1 =	vadd.f32 v4, v1  }
0x1c1: {  	v2 =	vadd.f32 v2, v3  }
0x1c2: {  	[tilespmem:v58+s11+$0x0] =	vst.idx.msk $0xffff, v1  }
0x1c3: {  	[tilespmem:v59+s11+$0x0] =	vst.idx.msk $0xffff, v2  }
0x1c4: {  	v1 =	vld [tilespmem:$0x141E0]  }
0x1c5: {  	v2 =	vld [tilespmem:$0x143E0];
	_ =	sdelay $0x3  }
0x1c6: {  	v1 =	vshll.u32 v1, $0x3  }
0x1c7: {  	v2 =	vshll.u32 v2, $0x3;
	v3 =	vor.u32 $0x1, v1  }
0x1c8: {  	v4 =	vor.u32 $0x2, v2  }
0x1c9: {  	v2 =	vor.u32 $0x3, v2;
	_ =	sdelay $0x1  }
0x1ca: {  	v1 =	vld.idx.msk [tilespmem:v1+s1+$0x0], $0xffff  }
0x1cb: {  	v3 =	vld.idx.msk [tilespmem:v3+s1+$0x0], $0xffff  }
0x1cc: {  	v4 =	vld.idx.msk [tilespmem:v4+s1+$0x0], $0xffff  }
0x1cd: {  	v2 =	vld.idx.msk [tilespmem:v2+s1+$0x0], $0xffff;
	_ =	sdelay $0x3  }
0x1ce: {  	v1 =	vadd.f32 v4, v1  }
0x1cf: {  	v2 =	vadd.f32 v2, v3  }
0x1d0: {  	[tilespmem:v60+s11+$0x0] =	vst.idx.msk $0xffff, v1  }
0x1d1: {  	[tilespmem:v61+s11+$0x0] =	vst.idx.msk $0xffff, v2  }
0x1d2: {  	v1 =	vld [tilespmem:$0x141F0]  }
0x1d3: {  	v2 =	vld [tilespmem:$0x143F0];
	_ =	sdelay $0x3  }
0x1d4: {  	v1 =	vshll.u32 v1, $0x3  }
0x1d5: {  	v2 =	vshll.u32 v2, $0x3;
	v3 =	vor.u32 $0x1, v1  }
0x1d6: {  	v4 =	vor.u32 $0x2, v2  }
0x1d7: {  	v2 =	vor.u32 $0x3, v2;
	_ =	sdelay $0x1  }
0x1d8: {  	v1 =	vld.idx.msk [tilespmem:v1+s1+$0x0], $0xffff  }
0x1d9: {  	v3 =	vld.idx.msk [tilespmem:v3+s1+$0x0], $0xffff  }
0x1da: {  	v4 =	vld.idx.msk [tilespmem:v4+s1+$0x0], $0xffff  }
0x1db: {  	v2 =	vld.idx.msk [tilespmem:v2+s1+$0x0], $0xffff;
	_ =	sdelay $0x3  }
0x1dc: {  	v1 =	vadd.f32 v4, v1  }
0x1dd: {  	v2 =	vadd.f32 v2, v3  }
0x1de: {  	p0 =	sne.s32 s7, $0x1;
	[tilespmem:v62+s11+$0x0] =	vst.idx.msk $0xffff, v1  }
.Ltmp0:
0x1df: {  	[tilespmem:v63+s11+$0x0] =	vst.idx.msk $0xffff, v2;
	(pc) =	sbr.rel @p0 .LBB2_1-.Ltmp0, $4  }
0x1e0: {  	[hbm4b:s6+s1] =	stream.linear.scatter [tilespmem:s11], [sflag:$0x1], $0x1000, $0x38;
	[tilespmem:$0x15400] =	vst v63  }
0x1e1: {  	_ =	swait.ge [sflag:s8], $0x1000  }
0x1e2: {  	[sflag:s8] =	ssyncset.done $0x0  }
0x1e3: {  	s7 =	sadd.s32 $0xFFFFFFFF, s7;
	[sflag:s8] =	ssyncadd.s32 $0xFFFFF000  }
0x1e4: {  	_ =	sfence.sel $0x180000  }
0x1e5: {  	[bflag:$0x0] =	sbarrier.arrive $0xFFFF  }
0x1e6: {  	p0 =	sne.s32 s2, $0x0;
	_ =	strace $0x9000004D  }
0x1e7: {  	s0 =	sadd.s32 @!p0 $0x100000, s0;
	[bflag:$0x2] =	sbarrier.arrive $0xFFFF  }
0x1e8: {  	[sflag:s0] =	ssyncadd.tile.s32 @!p0 $0x1;
	_ =	shalt  }
.Lfunc_end2:
_tile_overlayer_lowered:
.L_overlay_start_2:
0x1e9: {  	(tag) =	ssettag $0x2  }
0x1ea: {  	s0 =	rddreg [dreg:$0x0];
	s2 =	stileid.u32  }
0x1eb: {  	s1 =	rddreg [dreg:$0x1];
	p0 =	sne.s32 s2, $0x0  }
0x1ec: {  	s3 =	rddreg [dreg:$0x2];
	[bflag:$0x3] =	sbarrier.arrive $0xFFFF;
	s2 =	simm.s32 @!p0 $0x1C01  }
0x1ed: {  	[timem:s3], [sflag:s2] =	dma.local @!p0 [hbm:s0], s1  }
0x1ee: {  	s0 =	simm.s32 @!p0 $0x1  }
0x1ef: {  	_ =	swait.ge @!p0 [sflag:s0], s1  }
0x1f0: {  	s1 =	ssub.s32 @!p0 $0x0, s1;
	[sflag:s0] =	ssyncset.done @!p0 $0x0  }
0x1f1: {  	[sflag:s0] =	ssyncadd.s32 @!p0 s1  }
0x1f2: {  	[bflag:$0x3] =	sbarrier.arrive $0xFFFF  }
0x1f3: {  	_ =	shalt  }

// kernel: kernel.8.cloned.1.call-start
scs
__scs_entry_jumppad:
0x0: {  	(pc) =	sbr.rel $0x88, $3  }
0x1: {  	(tag) =	ssettag $0x0;
	lr =	simm.s32 $0x1  }
0x2: {  	[smem:$0x3F99] =	sst lr;
	_ =	strace $0xD0000000  }
0x3: {  	_ = 	snop  }
0x4: {  	_ = 	snop  }
0x5: {  	_ = 	snop  }
0x6: {  	_ = 	snop  }
0x7: {  	_ = 	snop  }
__scs_overlays_trampoline_lowered:
0x8: {  	[smem:$0x3FA8] =	sst s0  }
0x9: {  	[smem:$0x3FA9] =	sst s1  }
0xa: {  	[smem:$0x3FAA] =	sst s2  }
0xb: {  	[smem:$0x3FAB] =	sst s3  }
0xc: {  	[smem:$0x3FAC] =	sst s4  }
0xd: {  	[smem:$0x3FAD] =	sst s5  }
0xe: {  	[smem:$0x3FAE] =	sst s6  }
0xf: {  	[smem:$0x3FAF] =	sst s7  }
0x10: {  	[smem:$0x3FB0] =	sst s8  }
0x11: {  	[smem:$0x3FB1] =	sst s9;
	s0 =	simm.s32 @!p0 $0x0  }
0x12: {  	s1 =	sld [smem:$0x3F97];
	s0 =	simm.s32 @p0 $0x1  }
0x13: {  	[smem:$0x3FB2] =	sst s0;
	s0 =	simm.s32 @!p1 $0x0  }
0x14: {  	s2 =	sld [smem:$0x3F96];
	s0 =	simm.s32 @p1 $0x1  }
0x15: {  	[smem:$0x3FB3] =	sst s0;
	s0 =	simm.s32 @!p2 $0x0  }
0x16: {  	s3 =	sld [smem:$0x3FDB];
	s0 =	simm.s32 @p2 $0x1  }
0x17: {  	s4 =	simm.s32 $0x1BF5;
	[smem:$0x3FB5] =	sst s0  }
0x18: {  	s0 =	sld [smem:$0x3F98];
	_ =	swait.ge [sflag:s4], $0x0  }
0x19: {  	s7 =	sld [smem:$0x3F99]  }
0x1a: {  	s8 =	sadd.s32 $0xFFFFE003, lr  }
0x1b: {  	s9 =	sadd.s32 $0xFFFFFEF7, lr;
	s5 =	simm.s32 $0xFFFFFFFF;
	p2 =	slt.u32 s8, $0xFFFFF086  }
0x1c: {  	p1 =	slt.u32 s9, $0xF7A;
	s5 =	simm.s32 @!p2 $0x0  }
0x1d: {  	s5 =	simm.s32 @p1 $0x1;
	p0 =	seq.s32 s7, s2  }
0x1e: {  	s7 =	smul.u32 @!p0 $0xF7A, s2;
	p2 =	seq.s32 @!p0 s5, $0x0  }
0x1f: {  	s9 =	smul.u32 $0xF7A, s1;
	s8 =	simm.s32 @!p0 $0x1BF5;
	p2 =	por !p2, p0  }
0x20: {  	[sflag:s8] =	ssyncset.s32 @!p0 $0xFFFFF086;
	s6 =	sadd.s32 @!p0 s3, s7;
	s7 =	simm.s32 @!p0 $0x108  }
0x21: {  	s3 =	sadd.s32 s3, s9;
	s6 =	sadd.s32 @!p0 $0x88, s6;
	s7 =	simm.s32 @p2 $0x1082  }
0x22: {  	[simem:s7], [sflag:s8] =	dma.local @!p0 [hbm:s6], $0xF7A  }
0x23: {  	s9 =	sor.u32 $0xD0000000, s2;
	s6 =	simm.s32 $0x108;
	_ =	swait.ge @!p0 [sflag:s8], $0x0  }
0x24: {  	s3 =	sadd.s32 $0x88, s3;
	s6 =	simm.s32 @!p1 $0x1082;
	[sflag:s4] =	ssyncset.s32 $0xFFFFF086  }
0x25: {  	[simem:s6], [sflag:s4] =	dma.local [hbm:s3], $0xF7A  }
0x26: {  	[smem:$0x3F99] =	sst s1;
	(tag) =	ssettag s2;
	_ =	strace s9  }
0x27: {  	s1 =	sld [smem:$0x3FA9]  }
0x28: {  	s2 =	sld [smem:$0x3FAA]  }
0x29: {  	s4 =	sld [smem:$0x3FAC]  }
0x2a: {  	p0 =	seq.s32 s5, $0x0;
	s5 =	sld [smem:$0x3FAD]  }
0x2b: {  	s6 =	sld [smem:$0x3FAE]  }
0x2c: {  	s7 =	sld [smem:$0x3FAF]  }
0x2d: {  	s3 =	simm.s32 $0x108;
	s8 =	sld [smem:$0x3FB0]  }
0x2e: {  	s3 =	simm.s32 @!p0 $0x1082;
	s9 =	sld [smem:$0x3FB1]  }
0x2f: {  	lr =	sadd.s32 s0, s3;
	s0 =	sld [smem:$0x3FA8]  }
0x30: {  	s3 =	sld [smem:$0x3FAB]  }
0x31: {  	[smem:$0x3FB4] =	sst s10  }
0x32: {  	s10 =	sld [smem:$0x3FB2];
	_ =	sdelay $0x3  }
0x33: {  	p0 =	seq.s32 s10, $0x1;
	s10 =	sld [smem:$0x3FB4];
	_ =	sdelay $0x3  }
0x34: {  	[smem:$0x3FB4] =	sst s10  }
0x35: {  	s10 =	sld [smem:$0x3FB3];
	_ =	sdelay $0x3  }
0x36: {  	p1 =	seq.s32 s10, $0x1;
	s10 =	sld [smem:$0x3FB4];
	_ =	sdelay $0x3  }
0x37: {  	[smem:$0x3FB4] =	sst s10  }
0x38: {  	s10 =	sld [smem:$0x3FB5]  }
0x39: {  	_ = 	snop;
	(pc) =	sbr.ind lr, $3  }
0x3a: {  	_ = 	snop  }
0x3b: {  	_ = 	snop  }
0x3c: {  	p2 =	seq.s32 s10, $0x1;
	s10 =	sld [smem:$0x3FB4]  }
0x3d: {  	_ =	shalt  }
0x3e: {  	_ =	shalt  }
0x3f: {  	_ =	shalt  }
0x40: {  	_ =	shalt  }
0x41: {  	_ =	shalt  }
0x42: {  	_ =	shalt  }
0x43: {  	_ =	shalt  }
0x44: {  	_ =	shalt  }
0x45: {  	_ =	shalt  }
0x46: {  	_ =	shalt  }
0x47: {  	_ =	shalt  }
0x48: {  	_ =	shalt  }
0x49: {  	_ =	shalt  }
0x4a: {  	_ =	shalt  }
0x4b: {  	_ =	shalt  }
0x4c: {  	_ =	shalt  }
0x4d: {  	_ =	shalt  }
0x4e: {  	_ =	shalt  }
0x4f: {  	_ =	shalt  }
0x50: {  	_ =	shalt  }
0x51: {  	_ =	shalt  }
0x52: {  	_ =	shalt  }
0x53: {  	_ =	shalt  }
0x54: {  	_ =	shalt  }
0x55: {  	_ =	shalt  }
0x56: {  	_ =	shalt  }
0x57: {  	_ =	shalt  }
0x58: {  	_ =	shalt  }
0x59: {  	_ =	shalt  }
0x5a: {  	_ =	shalt  }
0x5b: {  	_ =	shalt  }
0x5c: {  	_ =	shalt  }
0x5d: {  	_ =	shalt  }
0x5e: {  	_ =	shalt  }
0x5f: {  	_ =	shalt  }
0x60: {  	_ =	shalt  }
0x61: {  	_ =	shalt  }
0x62: {  	_ =	shalt  }
0x63: {  	_ =	shalt  }
0x64: {  	_ =	shalt  }
0x65: {  	_ =	shalt  }
0x66: {  	_ =	shalt  }
0x67: {  	_ =	shalt  }
0x68: {  	_ =	shalt  }
0x69: {  	_ =	shalt  }
0x6a: {  	_ =	shalt  }
0x6b: {  	_ =	shalt  }
0x6c: {  	_ =	shalt  }
0x6d: {  	_ =	shalt  }
0x6e: {  	_ =	shalt  }
0x6f: {  	_ =	shalt  }
0x70: {  	_ =	shalt  }
0x71: {  	_ =	shalt  }
0x72: {  	_ =	shalt  }
0x73: {  	_ =	shalt  }
0x74: {  	_ =	shalt  }
0x75: {  	_ =	shalt  }
0x76: {  	_ =	shalt  }
0x77: {  	_ =	shalt  }
0x78: {  	_ =	shalt  }
0x79: {  	_ =	shalt  }
0x7a: {  	_ =	shalt  }
0x7b: {  	_ =	shalt  }
0x7c: {  	_ =	shalt  }
0x7d: {  	_ =	shalt  }
0x7e: {  	_ =	shalt  }
0x7f: {  	_ =	shalt  }
0x80: {  	_ =	shalt  }
0x81: {  	_ =	shalt  }
0x82: {  	_ =	shalt  }
0x83: {  	_ =	shalt  }
0x84: {  	_ =	shalt  }
0x85: {  	_ =	shalt  }
0x86: {  	_ =	shalt  }
0x87: {  	_ =	shalt  }
.Lfunc_end0:
.L_simem_size_0:
called_computation_lowered:
.L_overlay_start_0:
0x88: {  	s2 =	sld [smem:$0x3FD9]  }
0x89: {  	s3 =	sld [smem:$0x3FFE];
	_ =	sdelay $0x1  }
0x8a: {  	s1 =	srdreg.scid  }
0x8b: {  	s0 =	sand.u32 $0x1, s1  }
0x8c: {  	s17 =	sshll.u32 s0, $0xA;
	s2 =	sadd.s32 s3, s2  }
0x8d: {  	s2 =	sadd.s32 s2, s17  }
0x8e: {  	[smem:$0x3FC0] =	sst s2  }
0x8f: {  	_ = 	snop  }
0x90: {  	s2 =	sld [smem:$0x3FD0];
	(tm) =	ssettm $0x1  }
0x91: {  	s18 =	sld [smem:$0x3FFB];
	_ =	sdelay $0x3  }
0x92: {  	_ =	strace s18  }
0x93: {  	s3 =	sld [smem:$0x3FFC];
	_ =	sdelay $0x3  }
0x94: {  	_ =	strace s3  }
0x95: {  	s3 =	sld [smem:$0x3FFD];
	_ =	sdelay $0x3  }
0x96: {  	_ =	strace s3  }
0x97: {  	_ =	strace $0x8FFFFFFF  }
0x98: {  	s19 =	sld [smem:$0x3FDB];
	_ =	sdelay $0x1  }
0x99: {  	s4 =	simm.s32 $_scs_section_size  }
0x9a: {  	s5 =	simm.s32 $_size__tile_overlayer_lowered;
	s6 =	simm.s32 $_tile_overlayer_lowered  }
0x9b: {  	s22 =	simm.s32 $0x1BFF;
	s21 =	sshll.u32 s6, $0x1;
	s3 =	sadd.s32 s4, s19  }
0x9c: {  	s7 =	simm.s32 $0x0;
	s20 =	sshll.u32 s5, $0x1;
	s5 =	sadd.s32 s21, s3  }
0x9d: {  	[timem:s7], [sflag:s22] =	dma.local [hbm:s5], s20  }
0x9e: {  	_ =	swait.ge [sflag:s22], s20  }
0x9f: {  	s4 =	ssub.s32 $0x0, s20;
	[sflag:s22] =	ssyncset.done $0x0  }
0xa0: {  	[sflag:s22] =	ssyncadd.s32 s4;
	_ =	sdelay $0x1  }
0xa1: {  	s23 =	simm.s32 $0x1B8B  }
0xa2: {  	_ =	swait.ge [sflag:s23], $0x1  }
0xa3: {  	[sflag:s23] =	ssyncset.done $0x0  }
0xa4: {  	s25 =	simm.s32 $0x1B8E;
	s24 =	sld [smem:$0x3FFE];
	[sflag:s23] =	ssyncadd.s32 $0xFFFFFFFF  }
0xa5: {  	s26 =	simm.s32 $execute0_lowered;
	[smem:$0x3FD2] =	sst s25  }
0xa6: {  	s5 =	sshll.u32 s26, $0x1;
	_ =	strace $0x80000046;
	[dreg:$0x1] =	wrdreg $0xFFFFFFFF  }
0xa7: {  	s28 =	simm.s32 $_size_execute0_lowered;
	s3 =	sadd.s32 s3, s5;
	[dreg:$0x0] =	wrdreg $0x0  }
0xa8: {  	s5 =	sshll.u32 s28, $0x1;
	[dreg:$0x2] =	wrdreg s3  }
0xa9: {  	[dreg:$0x3] =	wrdreg s5  }
0xaa: {  	[dreg:$0x4] =	wrdreg $0xC0  }
0xab: {  	_ =	task [dreg:s7], $0x5FFFF  }
0xac: {  	[dreg:$0x1] =	wrdreg $0xFFFFFFFF  }
0xad: {  	[dreg:$0x0] =	wrdreg $0x60  }
0xae: {  	[dreg:$0x2] =	wrdreg s24  }
0xaf: {  	[dreg:$0x3] =	wrdreg s2  }
0xb0: {  	[dreg:$0x4] =	wrdreg $0x57D00  }
0xb1: {  	[dreg:$0x5] =	wrdreg $0x9  }
0xb2: {  	_ =	task.clear_ibuf [dreg:s7], $0x6FFFF;
	_ =	strace $0x90000046  }
0xb3: {  	s29 =	simm.s32 $0x9;
	_ =	strace $0x80000048  }
0xb4: {  	_ =	swait.ge [sflag:s29], $0x1  }
0xb5: {  	[sflag:s29] =	ssyncadd.s32 $0xFFFFFFFF  }
0xb6: {  	_ =	strace $0x90000048  }
0xb7: {  	_ =	sfence  }
0xb8: {  	s30 =	sld [smem:$0x0];
	_ =	sdelay $0x2  }
0xb9: {  	s31 =	sshll.u32 s1, $0xD;
	s1 =	sshrl.u32 s1, $0x2  }
0xba: {  	s3 =	sand.u32 $0x4000, s31;
	s1 =	sadd.s32 s1, s30  }
0xbb: {  	s0 =	sor.u32 s3, s0;
	s1 =	sshll.u32 s1, $0x11  }
0xbc: {  	s0 =	sor.u32 s1, s0  }
0xbd: {  	s0 =	sadd.s32 $0x8F2B, s0  }
0xbe: {  	[sflag:s0] =	ssyncadd.remote.s32 $0x1  }
0xbf: {  	_ =	sfence.sel $0xFFFF  }
0xc0: {  	[dreg:$0x0] =	wrdreg $0xFFFFFFFF;
	(pc) =	sbr.abs _section_cstart, $3  }
0xc1: {  	[dreg:$0x1] =	wrdreg $0xFFFFFFFF  }
0xc2: {  	_ =	task.clear_ibuf [dreg:s7], $0x2FFFF;
	_ =	strace $0x9FFFFFFF  }
0xc3: {  	(tm) =	ssettm $0x7FFFFFFF  }
tec
execute0_lowered:
.L_overlay_start_1:
0x0: {  	(tag) =	ssettag $0x1  }
0x1: {  	s6 =	rddreg [dreg:$0x0]  }
0x2: {  	s2 =	rddreg [dreg:$0x1]  }
0x3: {  	s3 =	rddreg [dreg:$0x2];
	s4 =	srdreg.scid  }
0x4: {  	s0 =	rddreg [dreg:$0x3];
	s1 =	stileid.u32;
	s12 =	simm.s32 $0x2FD0  }
0x5: {  	s13 =	simm.s32 $0x7D;
	s14 =	simm.s32 $0x0;
	s8 =	smul.u32 $0x500, s1  }
0x6: {  	s7 =	sand.u32 $0x1, s4;
	s4 =	simm.s32 $0x0;
	s30 =	smul.u32 $0xA000, s1  }
0x7: {  	s5 =	sshll.u32 s7, $0x4;
	[smem:$0x7FF] =	sst s4;
	s9 =	smul.u32 $0x5000, s7  }
0x8: {  	s7 =	ssub.s32 $0x2, s7;
	s10 =	sor.u32 s1, s5;
	_ =	strace $0x80000047  }
0x9: {  	s5 =	sadd.s32 $0x16000, s6;
	s11 =	sshrl.u32 s7, $0x1;
	s10 =	smul.u32 $0x2800, s10  }
0xa: {  	s31 =	sshrl.u32 s30, $0x2;
	s8 =	sadd.s32 s8, s9;
	s11 =	ssub.s32 s7, s11  }
0xb: {  	s7 =	sadd.s32 s31, s3;
	s8 =	sadd.s32 s8, s6;
	s10 =	sshrl.u32 s10, $0x3  }
0xc: {  	s9 =	smax.u32 s11, $0x1;
	s11 =	simm.s32 $0x2800;
	s6 =	sadd.s32 s6, s10  }
0xd: {  	s8 =	sadd.s32 $0x16200, s8;
	s10 =	simm.s32 $0x1;
	s6 =	sadd.s32 $0xC000, s6  }
.LBB2_1:
0xe: {  	[tilespmem:s4], [sflag:$0x1] =	stream.linear.gather [hbm4b:s6+s4], $0x2800, $0x38;
	[tilespmem:$0x7FD0] =	vst v63  }
0xf: {  	_ =	swait.ge [sflag:s10], $0x2800  }
0x10: {  	[sflag:s10] =	ssyncset.done $0x0  }
0x11: {  	[sflag:s10] =	ssyncadd.s32 $0xFFFFD800  }
0x12: {  	[tilespmem:s11], [sflag:$0x1] =	stream.linear.gather [hbm4b:s5+s4], $0x7D0, $0x38;
	[tilespmem:$0x7FD0] =	vst v63  }
0x13: {  	_ =	swait.ge [sflag:s10], $0x7D0  }
0x14: {  	[sflag:s10] =	ssyncset.done $0x0  }
0x15: {  	[sflag:s10] =	ssyncadd.s32 $0xFFFFF830  }
0x16: {  	[tilespmem:s12], [sflag:$0x1] =	stream.linear.gather [hbm4b:s2+s4], $0x2800, $0x38;
	[tilespmem:$0x7FD0] =	vst v63  }
0x17: {  	_ =	swait.ge [sflag:s10], $0x2800  }
0x18: {  	[sflag:s10] =	ssyncset.done $0x0  }
0x19: {  	[sflag:s10] =	ssyncadd.s32 $0xFFFFD800  }
0x1a: {  	[spmem:s7] =	stream.linear.scatter [tilespmem:s12], [sflag:$0x1], $0x2800, $0x38;
	[tilespmem:$0x7FD0] =	vst v63  }
0x1b: {  	_ =	swait.ge [sflag:s10], $0x2800  }
0x1c: {  	[sflag:s10] =	ssyncset.done $0x0  }
0x1d: {  	[sflag:s10] =	ssyncadd.s32 $0xFFFFD800  }
0x1e: {  	s15 =	simm.s32 $0x0;
	[bflag:$0x0] =	sbarrier.arrive $0xFFFF  }
0x1f: {  	[spmem:s3] =	stream.indirect.scatter.add.f32 [tilespmem:s11], [sflag:$0x1], $0x10, s15, s13, $0xb8;
	[tilespmem:$0x7FD0] =	vst v63  }
0x20: {  	_ =	swait.ge [sflag:s10], $0x7D0  }
0x21: {  	s15 =	simm.s32 $0x200;
	[sflag:s10] =	ssyncset.done $0x0  }
.LBB2_2:
0x22: {  	s16 =	sshra.s32 s15, $0x2;
	[sflag:s10] =	ssyncadd.s32 $0xFFFFF830;
	p0 =	sne.s32 s15, $0x9E00  }
0x23: {  	[spmem:s3] =	stream.indirect.scatter.add.f32 [tilespmem:s11], [sflag:$0x1], $0x10, s16, s13, $0xb8;
	[tilespmem:$0x7FD0] =	vst v63  }
.Ltmp0:
0x24: {  	_ = 	snop;
	(pc) =	sbr.rel @p0 .LBB2_2-.Ltmp0, $4  }
0x25: {  	_ = 	snop  }
0x26: {  	s15 =	sadd.s32 $0x200, s15  }
0x27: {  	_ =	swait.ge [sflag:s10], $0x7D0  }
0x28: {  	[sflag:s10] =	ssyncset.done $0x0  }
0x29: {  	[sflag:s10] =	ssyncadd.s32 $0xFFFFF830  }
0x2a: {  	[bflag:$0x0] =	sbarrier.arrive $0xFFFF  }
0x2b: {  	[tilespmem:s12], [sflag:$0x1] =	stream.linear.gather [spmem:s7], $0x2800, $0x38;
	[tilespmem:$0x7FD0] =	vst v63  }
0x2c: {  	s14 =	sadd.s32 $0x1, s14;
	_ =	swait.ge [sflag:s10], $0x2800  }
0x2d: {  	p0 =	sne.s32 s14, s9;
	[sflag:s10] =	ssyncset.done $0x0  }
.Ltmp1:
0x2e: {  	[sflag:s10] =	ssyncadd.s32 $0xFFFFD800;
	(pc) =	sbr.rel @p0 .LBB2_1-.Ltmp1, $4  }
0x2f: {  	[hbm4b:s8+s4] =	stream.linear.scatter [tilespmem:s12], [sflag:$0x1], $0x2800, $0x38;
	[tilespmem:$0x7FD0] =	vst v63  }
0x30: {  	_ =	swait.ge [sflag:s10], $0x2800  }
0x31: {  	[sflag:s10] =	ssyncset.done $0x0  }
0x32: {  	[sflag:s10] =	ssyncadd.s32 $0xFFFFD800  }
0x33: {  	_ =	sfence.sel $0x180000  }
0x34: {  	[bflag:$0x0] =	sbarrier.arrive $0xFFFF  }
0x35: {  	p0 =	sne.s32 s1, $0x0;
	_ =	strace $0x90000047  }
0x36: {  	s0 =	sadd.s32 @!p0 $0x100000, s0;
	[bflag:$0x2] =	sbarrier.arrive $0xFFFF  }
0x37: {  	[sflag:s0] =	ssyncadd.tile.s32 @!p0 $0x1;
	_ =	shalt  }
.Lfunc_end2:
_tile_overlayer_lowered:
.L_overlay_start_2:
0x38: {  	(tag) =	ssettag $0x2  }
0x39: {  	s0 =	rddreg [dreg:$0x0];
	s2 =	stileid.u32  }
0x3a: {  	s1 =	rddreg [dreg:$0x1];
	p0 =	sne.s32 s2, $0x0  }
0x3b: {  	s3 =	rddreg [dreg:$0x2];
	[bflag:$0x3] =	sbarrier.arrive $0xFFFF;
	s2 =	simm.s32 @!p0 $0x1C01  }
0x3c: {  	[timem:s3], [sflag:s2] =	dma.local @!p0 [hbm:s0], s1  }
0x3d: {  	s0 =	simm.s32 @!p0 $0x1  }
0x3e: {  	_ =	swait.ge @!p0 [sflag:s0], s1  }
0x3f: {  	s1 =	ssub.s32 @!p0 $0x0, s1;
	[sflag:s0] =	ssyncset.done @!p0 $0x0  }
0x40: {  	[sflag:s0] =	ssyncadd.s32 @!p0 s1  }
0x41: {  	[bflag:$0x3] =	sbarrier.arrive $0xFFFF  }
0x42: {  	_ =	shalt  }

</sc_bundles>
